<compile_context>
chip_gen: v7x
topology: tpu7x:2x2x1
jax: 0.10.2.dev20260603
libtpu: 0.0.44.dev20260713+nightly
codegen_flags: <defaults>
</compile_context>

<pallas_src>
import functools

import jax
import jax.numpy as jnp
from jax import lax
from jax.experimental import pallas as pl
from jax.experimental.pallas import tpu as pltpu
from jax.experimental.pallas import tpu_sc as plsc

B = 16384
D = 128
V_SMALL = 1000
W_OFF = 4 * V_SMALL

NC = 2
NS = 16
L = 16
NW = NC * NS
BPW = B // NW
NG = BPW // 128
GPC = 128 // L


def _aux_body(t0_ref, t1_ref, t2_ref, t3_ref, w_ref, b_ref, out_ref):
    w = w_ref[...]
    out_ref[pl.ds(0, V_SMALL), :] = jnp.dot(
        t0_ref[...], w, preferred_element_type=jnp.float32) + b_ref[...]
    out_ref[pl.ds(V_SMALL, V_SMALL), :] = jnp.dot(
        t1_ref[...], w, preferred_element_type=jnp.float32)
    out_ref[pl.ds(2 * V_SMALL, V_SMALL), :] = jnp.dot(
        t2_ref[...], w, preferred_element_type=jnp.float32)
    out_ref[pl.ds(3 * V_SMALL, V_SMALL), :] = jnp.dot(
        t3_ref[...], w, preferred_element_type=jnp.float32)
    out_ref[pl.ds(W_OFF, D), :] = w


def _sc_body(didx_hbm, li_hbm, ri_hbm, ai_hbm, ui_hbm,
             desc_hbm, aux_hbm, out_hbm,
             idxd, rows, sidx, aux, ov, sem_i, sem_r, sem_a):
    wid = lax.axis_index("s") * NC + lax.axis_index("c")
    base = wid * BPW
    riota = lax.iota(jnp.int32, L)

    cp_idx = pltpu.async_copy(didx_hbm.at[pl.ds(wid * NG, NG)], idxd, sem_i)
    cps = [pltpu.async_copy(h.at[pl.ds(base, BPW)], sidx.at[q], sem_a)
           for q, h in enumerate((li_hbm, ri_hbm, ai_hbm, ui_hbm))]
    cp_aux = pltpu.async_copy(aux_hbm, aux, sem_a)

    cp_idx.wait()
    gathers = [
        pltpu.async_copy(desc_hbm.at[idxd.at[j]],
                         rows.at[pl.ds(j * 128, 128)], sem_r)
        for j in range(NG)
    ]

    for cp in cps:
        cp.wait()
    cp_aux.wait()

    for g in range(BPW // L):
        s = pl.ds(g * L, L)
        acc = plsc.load_gather(aux, [sidx[0, s]])
        acc = acc + plsc.load_gather(aux, [sidx[1, s] + V_SMALL])
        acc = acc + plsc.load_gather(aux, [sidx[2, s] + 2 * V_SMALL])
        acc = acc + plsc.load_gather(aux, [sidx[3, s] + 3 * V_SMALL])
        ov[s] = acc

    zero = jnp.zeros((L,), jnp.float32)
    for j in range(NG):
        gathers[j].wait()
        rvecs = [riota + (j * 128 + g * L) for g in range(GPC)]

        def dot_body(d, carry, rvecs=rvecs):
            colv = carry[0]
            wdiag = plsc.load_gather(aux, [colv + W_OFF])
            accs = [acc + plsc.load_gather(rows, [rvecs[g], colv]) * wdiag
                    for g, acc in enumerate(carry[1])]
            return ((colv + 1) & (D - 1), accs)

        _, accs = lax.fori_loop(0, D, dot_body, (riota, [zero] * GPC))
        for g in range(GPC):
            s = pl.ds(j * 128 + g * L, L)
            ov[s] = ov[s] + accs[g]

    pltpu.sync_copy(ov, out_hbm.at[pl.ds(base, BPW)])


def kernel(desc_idx, lang_idx, rel_idx, avg_idx, run_idx,
           desc_table, lang_table, rel_table, avg_table, run_table,
           W_out, b_out):
    w128 = jnp.concatenate([W_out, W_out], axis=0)

    aux = pl.pallas_call(
        _aux_body,
        out_shape=jax.ShapeDtypeStruct((W_OFF + D, 1), jnp.float32),
    )(lang_table, rel_table, avg_table, run_table, w128, b_out.reshape(1, 1))

    sc = pl.kernel(
        _sc_body,
        out_type=jax.ShapeDtypeStruct((B,), jnp.float32),
        mesh=plsc.VectorSubcoreMesh(core_axis_name="c", subcore_axis_name="s"),
        compiler_params=pltpu.CompilerParams(needs_layout_passes=False),
        scratch_types=[
            pltpu.VMEM((NG, 128), jnp.int32),
            pltpu.VMEM((BPW, D), jnp.float32),
            pltpu.VMEM((4, BPW), jnp.int32),
            pltpu.VMEM((W_OFF + D,), jnp.float32),
            pltpu.VMEM((BPW,), jnp.float32),
            pltpu.SemaphoreType.DMA,
            pltpu.SemaphoreType.DMA,
            pltpu.SemaphoreType.DMA,
        ],
    )

    out = sc(desc_idx.reshape(B // 128, 128), lang_idx, rel_idx, avg_idx,
             run_idx, desc_table, aux.reshape(W_OFF + D))
    return out.reshape(B, 1)

# --- scband reference (transcript-rebuilt; emitter-appended) ---
"""Pipeline reference for scband-movie-recs-model-88854283420364 (READ-ONLY COPY).

The authoritative reference and input builder live on the scoring server;
editing this copy changes nothing except your own understanding.
"""

import jax, jax.numpy as jnp
import numpy as np

B = 16384
D = 128
V_DESC = 100000
V_SMALL = 1000


def setup_inputs(seed: int = 0) -> dict:
    key = jax.random.key(seed)
    ks = jax.random.split(key, 12)
    desc_idx = jax.random.randint(ks[0], (B,), 0, V_DESC)
    lang_idx = jax.random.randint(ks[1], (B,), 0, V_SMALL)
    rel_idx = jax.random.randint(ks[2], (B,), 0, V_SMALL)
    avg_idx = jax.random.randint(ks[3], (B,), 0, V_SMALL)
    run_idx = jax.random.randint(ks[4], (B,), 0, V_SMALL)
    desc_table = jax.random.normal(ks[5], (V_DESC, D), dtype=jnp.float32) * 0.02
    lang_table = jax.random.normal(ks[6], (V_SMALL, D), dtype=jnp.float32) * 0.02
    rel_table = jax.random.normal(ks[7], (V_SMALL, D), dtype=jnp.float32) * 0.02
    avg_table = jax.random.normal(ks[8], (V_SMALL, D), dtype=jnp.float32) * 0.02
    run_table = jax.random.normal(ks[9], (V_SMALL, D), dtype=jnp.float32) * 0.02
    W_out = jax.random.normal(ks[10], (64, 1), dtype=jnp.float32) * 0.05
    b_out = jnp.zeros((1,), dtype=jnp.float32)
    return {
        "desc_idx": desc_idx, "lang_idx": lang_idx, "rel_idx": rel_idx,
        "avg_idx": avg_idx, "run_idx": run_idx,
        "desc_table": desc_table, "lang_table": lang_table, "rel_table": rel_table,
        "avg_table": avg_table, "run_table": run_table,
        "W_out": W_out, "b_out": b_out,
    }


def reference(desc_idx, lang_idx, rel_idx, avg_idx, run_idx,
              desc_table, lang_table, rel_table, avg_table, run_table,
              W_out, b_out):
    # five embedding lookups (gather rows) summed into a shared 128-d feature
    e = (jnp.take(desc_table, desc_idx, axis=0)
         + jnp.take(lang_table, lang_idx, axis=0)
         + jnp.take(rel_table, rel_idx, axis=0)
         + jnp.take(avg_table, avg_idx, axis=0)
         + jnp.take(run_table, run_idx, axis=0))
    # reduce 128 -> 64 (module's out layer is Linear(64, 1)) by summing halves
    h = e.reshape(e.shape[0], 2, 64).sum(axis=1)
    return h @ W_out + b_out

if __name__ == "__main__":
    import jax
    _d = setup_inputs()
    print(jax.jit(kernel)(*tuple(_d.values())))

</pallas_src>

<mosaic_0001>
#map = affine_map<(d0, d1) -> (0, 0)>
#map1 = affine_map<(d0, d1) -> (0)>
module attributes {stable_mosaic.version = 14 : i64} {
  func.func @_sc_body(%arg0: i32, %arg1: i32, %arg2: memref<128x128xi32, #tpu.memory_space<hbm>>, %arg3: memref<16384xi32, #tpu.memory_space<hbm>>, %arg4: memref<16384xi32, #tpu.memory_space<hbm>>, %arg5: memref<16384xi32, #tpu.memory_space<hbm>>, %arg6: memref<16384xi32, #tpu.memory_space<hbm>>, %arg7: memref<100000x128xf32, #tpu.memory_space<hbm>>, %arg8: memref<4128xf32, #tpu.memory_space<hbm>>, %arg9: memref<16384xf32, #tpu.memory_space<hbm>>, %arg10: memref<4x128xi32, #tpu.memory_space<vmem>>, %arg11: memref<512x128xf32, #tpu.memory_space<vmem>>, %arg12: memref<4x512xi32, #tpu.memory_space<vmem>>, %arg13: memref<4128xf32, #tpu.memory_space<vmem>>, %arg14: memref<512xf32, #tpu.memory_space<vmem>>, %arg15: memref<!tpu.dma_semaphore, #tpu.memory_space<semaphore_mem>>, %arg16: memref<!tpu.dma_semaphore, #tpu.memory_space<semaphore_mem>>, %arg17: memref<!tpu.dma_semaphore, #tpu.memory_space<semaphore_mem>>) attributes {dimension_semantics = [#tpu.dimension_semantics<core_parallel>, #tpu.dimension_semantics<subcore_parallel>], iteration_bounds = array<i64: 2, 16>, scalar_prefetch = 0 : i64, scratch_operands = 8 : i64, tpu.core_type = #tpu.core_type<sc_vector_subcore>, window_params = [{transform_indices = #map}, {transform_indices = #map1}, {transform_indices = #map1}, {transform_indices = #map1}, {transform_indices = #map1}, {transform_indices = #map}, {transform_indices = #map1}, {transform_indices = #map1}]} {
    %mul3A = arith.constant 2 : i32
    %mul3A_0 = arith.muli %arg1, %mul3A : i32
    %add3A = arith.addi %mul3A_0, %arg0 : i32
    %mul3A_1 = arith.constant 512 : i32
    %mul3A_2 = arith.muli %add3A, %mul3A_1 : i32
    %iota3A = tpu.iota {dimensions = array<i32: 0>} : vector<16xi32>
    %mul3A_3 = arith.constant 4 : i32
    %mul3A_4 = arith.muli %add3A, %mul3A_3 : i32
    %dma_start3A = arith.constant 0 : i32
    %dma_start3A_5 = tpu.memref_slice %arg2[%mul3A_4, %dma_start3A] : memref<128x128xi32, #tpu.memory_space<hbm>> -> memref<4x128xi32, #tpu.memory_space<hbm>>
    %dma_start3A_6 = arith.constant 0 : i32
    %dma_start3A_7 = tpu.memref_slice %arg2[%mul3A_4, %dma_start3A_6] : memref<128x128xi32, #tpu.memory_space<hbm>> -> memref<4x128xi32, #tpu.memory_space<hbm>>
    tpu.enqueue_dma source(%dma_start3A_7 : memref<4x128xi32, #tpu.memory_space<hbm>>) target(%arg10 : memref<4x128xi32, #tpu.memory_space<vmem>>) target_semaphore(%arg15 : memref<!tpu.dma_semaphore, #tpu.memory_space<semaphore_mem>>)
    %dma_start3A_8 = arith.constant 0 : i32
    %dma_start3A_9 = arith.constant 0 : i32
    %dma_start3A_10 = tpu.memref_slice %arg12[%dma_start3A_8, %dma_start3A_9] : memref<4x512xi32, #tpu.memory_space<vmem>> -> memref<1x512xi32, #tpu.memory_space<vmem>>
    %dma_start3A_11 = tpu.memref_squeeze %dma_start3A_10 : memref<1x512xi32, #tpu.memory_space<vmem>> -> memref<512xi32, #tpu.memory_space<vmem>>
    %dma_start3A_12 = tpu.memref_slice %arg3[%mul3A_2] : memref<16384xi32, #tpu.memory_space<hbm>> -> memref<512xi32, #tpu.memory_space<hbm>>
    %dma_start3A_13 = arith.constant 0 : i32
    %dma_start3A_14 = tpu.memref_slice %arg12[%dma_start3A_8, %dma_start3A_13] : memref<4x512xi32, #tpu.memory_space<vmem>> -> memref<1x512xi32, #tpu.memory_space<vmem>>
    %dma_start3A_15 = tpu.memref_squeeze %dma_start3A_14 : memref<1x512xi32, #tpu.memory_space<vmem>> -> memref<512xi32, #tpu.memory_space<vmem>>
    %dma_start3A_16 = tpu.memref_slice %arg3[%mul3A_2] : memref<16384xi32, #tpu.memory_space<hbm>> -> memref<512xi32, #tpu.memory_space<hbm>>
    tpu.enqueue_dma source(%dma_start3A_16 : memref<512xi32, #tpu.memory_space<hbm>>) target(%dma_start3A_15 : memref<512xi32, #tpu.memory_space<vmem>>) target_semaphore(%arg17 : memref<!tpu.dma_semaphore, #tpu.memory_space<semaphore_mem>>)
    %dma_start3A_17 = arith.constant 1 : i32
    %dma_start3A_18 = arith.constant 0 : i32
    %dma_start3A_19 = tpu.memref_slice %arg12[%dma_start3A_17, %dma_start3A_18] : memref<4x512xi32, #tpu.memory_space<vmem>> -> memref<1x512xi32, #tpu.memory_space<vmem>>
    %dma_start3A_20 = tpu.memref_squeeze %dma_start3A_19 : memref<1x512xi32, #tpu.memory_space<vmem>> -> memref<512xi32, #tpu.memory_space<vmem>>
    %dma_start3A_21 = tpu.memref_slice %arg4[%mul3A_2] : memref<16384xi32, #tpu.memory_space<hbm>> -> memref<512xi32, #tpu.memory_space<hbm>>
    %dma_start3A_22 = arith.constant 0 : i32
    %dma_start3A_23 = tpu.memref_slice %arg12[%dma_start3A_17, %dma_start3A_22] : memref<4x512xi32, #tpu.memory_space<vmem>> -> memref<1x512xi32, #tpu.memory_space<vmem>>
    %dma_start3A_24 = tpu.memref_squeeze %dma_start3A_23 : memref<1x512xi32, #tpu.memory_space<vmem>> -> memref<512xi32, #tpu.memory_space<vmem>>
    %dma_start3A_25 = tpu.memref_slice %arg4[%mul3A_2] : memref<16384xi32, #tpu.memory_space<hbm>> -> memref<512xi32, #tpu.memory_space<hbm>>
    tpu.enqueue_dma source(%dma_start3A_25 : memref<512xi32, #tpu.memory_space<hbm>>) target(%dma_start3A_24 : memref<512xi32, #tpu.memory_space<vmem>>) target_semaphore(%arg17 : memref<!tpu.dma_semaphore, #tpu.memory_space<semaphore_mem>>)
    %dma_start3A_26 = arith.constant 2 : i32
    %dma_start3A_27 = arith.constant 0 : i32
    %dma_start3A_28 = tpu.memref_slice %arg12[%dma_start3A_26, %dma_start3A_27] : memref<4x512xi32, #tpu.memory_space<vmem>> -> memref<1x512xi32, #tpu.memory_space<vmem>>
    %dma_start3A_29 = tpu.memref_squeeze %dma_start3A_28 : memref<1x512xi32, #tpu.memory_space<vmem>> -> memref<512xi32, #tpu.memory_space<vmem>>
    %dma_start3A_30 = tpu.memref_slice %arg5[%mul3A_2] : memref<16384xi32, #tpu.memory_space<hbm>> -> memref<512xi32, #tpu.memory_space<hbm>>
    %dma_start3A_31 = arith.constant 0 : i32
    %dma_start3A_32 = tpu.memref_slice %arg12[%dma_start3A_26, %dma_start3A_31] : memref<4x512xi32, #tpu.memory_space<vmem>> -> memref<1x512xi32, #tpu.memory_space<vmem>>
    %dma_start3A_33 = tpu.memref_squeeze %dma_start3A_32 : memref<1x512xi32, #tpu.memory_space<vmem>> -> memref<512xi32, #tpu.memory_space<vmem>>
    %dma_start3A_34 = tpu.memref_slice %arg5[%mul3A_2] : memref<16384xi32, #tpu.memory_space<hbm>> -> memref<512xi32, #tpu.memory_space<hbm>>
    tpu.enqueue_dma source(%dma_start3A_34 : memref<512xi32, #tpu.memory_space<hbm>>) target(%dma_start3A_33 : memref<512xi32, #tpu.memory_space<vmem>>) target_semaphore(%arg17 : memref<!tpu.dma_semaphore, #tpu.memory_space<semaphore_mem>>)
    %dma_start3A_35 = arith.constant 3 : i32
    %dma_start3A_36 = arith.constant 0 : i32
    %dma_start3A_37 = tpu.memref_slice %arg12[%dma_start3A_35, %dma_start3A_36] : memref<4x512xi32, #tpu.memory_space<vmem>> -> memref<1x512xi32, #tpu.memory_space<vmem>>
    %dma_start3A_38 = tpu.memref_squeeze %dma_start3A_37 : memref<1x512xi32, #tpu.memory_space<vmem>> -> memref<512xi32, #tpu.memory_space<vmem>>
    %dma_start3A_39 = tpu.memref_slice %arg6[%mul3A_2] : memref<16384xi32, #tpu.memory_space<hbm>> -> memref<512xi32, #tpu.memory_space<hbm>>
    %dma_start3A_40 = arith.constant 0 : i32
    %dma_start3A_41 = tpu.memref_slice %arg12[%dma_start3A_35, %dma_start3A_40] : memref<4x512xi32, #tpu.memory_space<vmem>> -> memref<1x512xi32, #tpu.memory_space<vmem>>
    %dma_start3A_42 = tpu.memref_squeeze %dma_start3A_41 : memref<1x512xi32, #tpu.memory_space<vmem>> -> memref<512xi32, #tpu.memory_space<vmem>>
    %dma_start3A_43 = tpu.memref_slice %arg6[%mul3A_2] : memref<16384xi32, #tpu.memory_space<hbm>> -> memref<512xi32, #tpu.memory_space<hbm>>
    tpu.enqueue_dma source(%dma_start3A_43 : memref<512xi32, #tpu.memory_space<hbm>>) target(%dma_start3A_42 : memref<512xi32, #tpu.memory_space<vmem>>) target_semaphore(%arg17 : memref<!tpu.dma_semaphore, #tpu.memory_space<semaphore_mem>>)
    tpu.enqueue_dma source(%arg8 : memref<4128xf32, #tpu.memory_space<hbm>>) target(%arg13 : memref<4128xf32, #tpu.memory_space<vmem>>) target_semaphore(%arg17 : memref<!tpu.dma_semaphore, #tpu.memory_space<semaphore_mem>>)
    %dma_wait3A = arith.constant 0 : i32
    %dma_wait3A_44 = tpu.memref_slice %arg2[%mul3A_4, %dma_wait3A] : memref<128x128xi32, #tpu.memory_space<hbm>> -> memref<4x128xi32, #tpu.memory_space<hbm>>
    %dma_wait3A_45 = arith.constant 0 : i32
    %dma_wait3A_46 = tpu.memref_slice %arg2[%mul3A_4, %dma_wait3A_45] : memref<128x128xi32, #tpu.memory_space<hbm>> -> memref<4x128xi32, #tpu.memory_space<hbm>>
    tpu.wait_dma2 semaphore(%arg15 : memref<!tpu.dma_semaphore, #tpu.memory_space<semaphore_mem>>) src(%dma_wait3A_46 : memref<4x128xi32, #tpu.memory_space<hbm>>) dst(%arg10 : memref<4x128xi32, #tpu.memory_space<vmem>>)
    %dma_start3A_47 = arith.constant 0 : i32
    %dma_start3A_48 = arith.constant 0 : i32
    %dma_start3A_49 = arith.constant 0 : i32
    %dma_start3A_50 = tpu.memref_slice %arg11[%dma_start3A_48, %dma_start3A_49] : memref<512x128xf32, #tpu.memory_space<vmem>> -> memref<128x128xf32, #tpu.memory_space<vmem>>
    %dma_start3A_51 = arith.constant 0 : i32
    %dma_start3A_52 = tpu.memref_slice %arg10[%dma_start3A_47, %dma_start3A_51] : memref<4x128xi32, #tpu.memory_space<vmem>> -> memref<1x128xi32, #tpu.memory_space<vmem>>
    %dma_start3A_53 = tpu.memref_squeeze %dma_start3A_52 : memref<1x128xi32, #tpu.memory_space<vmem>> -> memref<128xi32, #tpu.memory_space<vmem>>
    %dma_start3A_54 = arith.constant 0 : i32
    %dma_start3A_55 = arith.constant 0 : i32
    %dma_start3A_56 = tpu.memref_slice %arg7[%dma_start3A_54, %dma_start3A_55] : memref<100000x128xf32, #tpu.memory_space<hbm>> -> memref<100000x128xf32, #tpu.memory_space<hbm>>
    tpu.enqueue_indirect_dma source(%dma_start3A_56 : memref<100000x128xf32, #tpu.memory_space<hbm>>) target(%dma_start3A_50 : memref<128x128xf32, #tpu.memory_space<vmem>>) offsets(%dma_start3A_53 : memref<128xi32, #tpu.memory_space<vmem>>) semaphore(%arg16 : memref<!tpu.dma_semaphore, #tpu.memory_space<semaphore_mem>>)
    %dma_start3A_57 = arith.constant 1 : i32
    %dma_start3A_58 = arith.constant 128 : i32
    %dma_start3A_59 = arith.constant 0 : i32
    %dma_start3A_60 = tpu.memref_slice %arg11[%dma_start3A_58, %dma_start3A_59] : memref<512x128xf32, #tpu.memory_space<vmem>> -> memref<128x128xf32, #tpu.memory_space<vmem>>
    %dma_start3A_61 = arith.constant 0 : i32
    %dma_start3A_62 = tpu.memref_slice %arg10[%dma_start3A_57, %dma_start3A_61] : memref<4x128xi32, #tpu.memory_space<vmem>> -> memref<1x128xi32, #tpu.memory_space<vmem>>
    %dma_start3A_63 = tpu.memref_squeeze %dma_start3A_62 : memref<1x128xi32, #tpu.memory_space<vmem>> -> memref<128xi32, #tpu.memory_space<vmem>>
    %dma_start3A_64 = arith.constant 0 : i32
    %dma_start3A_65 = arith.constant 0 : i32
    %dma_start3A_66 = tpu.memref_slice %arg7[%dma_start3A_64, %dma_start3A_65] : memref<100000x128xf32, #tpu.memory_space<hbm>> -> memref<100000x128xf32, #tpu.memory_space<hbm>>
    tpu.enqueue_indirect_dma source(%dma_start3A_66 : memref<100000x128xf32, #tpu.memory_space<hbm>>) target(%dma_start3A_60 : memref<128x128xf32, #tpu.memory_space<vmem>>) offsets(%dma_start3A_63 : memref<128xi32, #tpu.memory_space<vmem>>) semaphore(%arg16 : memref<!tpu.dma_semaphore, #tpu.memory_space<semaphore_mem>>)
    %dma_start3A_67 = arith.constant 2 : i32
    %dma_start3A_68 = arith.constant 256 : i32
    %dma_start3A_69 = arith.constant 0 : i32
    %dma_start3A_70 = tpu.memref_slice %arg11[%dma_start3A_68, %dma_start3A_69] : memref<512x128xf32, #tpu.memory_space<vmem>> -> memref<128x128xf32, #tpu.memory_space<vmem>>
    %dma_start3A_71 = arith.constant 0 : i32
    %dma_start3A_72 = tpu.memref_slice %arg10[%dma_start3A_67, %dma_start3A_71] : memref<4x128xi32, #tpu.memory_space<vmem>> -> memref<1x128xi32, #tpu.memory_space<vmem>>
    %dma_start3A_73 = tpu.memref_squeeze %dma_start3A_72 : memref<1x128xi32, #tpu.memory_space<vmem>> -> memref<128xi32, #tpu.memory_space<vmem>>
    %dma_start3A_74 = arith.constant 0 : i32
    %dma_start3A_75 = arith.constant 0 : i32
    %dma_start3A_76 = tpu.memref_slice %arg7[%dma_start3A_74, %dma_start3A_75] : memref<100000x128xf32, #tpu.memory_space<hbm>> -> memref<100000x128xf32, #tpu.memory_space<hbm>>
    tpu.enqueue_indirect_dma source(%dma_start3A_76 : memref<100000x128xf32, #tpu.memory_space<hbm>>) target(%dma_start3A_70 : memref<128x128xf32, #tpu.memory_space<vmem>>) offsets(%dma_start3A_73 : memref<128xi32, #tpu.memory_space<vmem>>) semaphore(%arg16 : memref<!tpu.dma_semaphore, #tpu.memory_space<semaphore_mem>>)
    %dma_start3A_77 = arith.constant 3 : i32
    %dma_start3A_78 = arith.constant 384 : i32
    %dma_start3A_79 = arith.constant 0 : i32
    %dma_start3A_80 = tpu.memref_slice %arg11[%dma_start3A_78, %dma_start3A_79] : memref<512x128xf32, #tpu.memory_space<vmem>> -> memref<128x128xf32, #tpu.memory_space<vmem>>
    %dma_start3A_81 = arith.constant 0 : i32
    %dma_start3A_82 = tpu.memref_slice %arg10[%dma_start3A_77, %dma_start3A_81] : memref<4x128xi32, #tpu.memory_space<vmem>> -> memref<1x128xi32, #tpu.memory_space<vmem>>
    %dma_start3A_83 = tpu.memref_squeeze %dma_start3A_82 : memref<1x128xi32, #tpu.memory_space<vmem>> -> memref<128xi32, #tpu.memory_space<vmem>>
    %dma_start3A_84 = arith.constant 0 : i32
    %dma_start3A_85 = arith.constant 0 : i32
    %dma_start3A_86 = tpu.memref_slice %arg7[%dma_start3A_84, %dma_start3A_85] : memref<100000x128xf32, #tpu.memory_space<hbm>> -> memref<100000x128xf32, #tpu.memory_space<hbm>>
    tpu.enqueue_indirect_dma source(%dma_start3A_86 : memref<100000x128xf32, #tpu.memory_space<hbm>>) target(%dma_start3A_80 : memref<128x128xf32, #tpu.memory_space<vmem>>) offsets(%dma_start3A_83 : memref<128xi32, #tpu.memory_space<vmem>>) semaphore(%arg16 : memref<!tpu.dma_semaphore, #tpu.memory_space<semaphore_mem>>)
    %dma_wait3A_87 = arith.constant 0 : i32
    %dma_wait3A_88 = arith.constant 0 : i32
    %dma_wait3A_89 = tpu.memref_slice %arg12[%dma_wait3A_87, %dma_wait3A_88] : memref<4x512xi32, #tpu.memory_space<vmem>> -> memref<1x512xi32, #tpu.memory_space<vmem>>
    %dma_wait3A_90 = tpu.memref_squeeze %dma_wait3A_89 : memref<1x512xi32, #tpu.memory_space<vmem>> -> memref<512xi32, #tpu.memory_space<vmem>>
    %dma_wait3A_91 = tpu.memref_slice %arg3[%mul3A_2] : memref<16384xi32, #tpu.memory_space<hbm>> -> memref<512xi32, #tpu.memory_space<hbm>>
    %dma_wait3A_92 = arith.constant 0 : i32
    %dma_wait3A_93 = tpu.memref_slice %arg12[%dma_wait3A_87, %dma_wait3A_92] : memref<4x512xi32, #tpu.memory_space<vmem>> -> memref<1x512xi32, #tpu.memory_space<vmem>>
    %dma_wait3A_94 = tpu.memref_squeeze %dma_wait3A_93 : memref<1x512xi32, #tpu.memory_space<vmem>> -> memref<512xi32, #tpu.memory_space<vmem>>
    %dma_wait3A_95 = tpu.memref_slice %arg3[%mul3A_2] : memref<16384xi32, #tpu.memory_space<hbm>> -> memref<512xi32, #tpu.memory_space<hbm>>
    tpu.wait_dma2 semaphore(%arg17 : memref<!tpu.dma_semaphore, #tpu.memory_space<semaphore_mem>>) src(%dma_wait3A_95 : memref<512xi32, #tpu.memory_space<hbm>>) dst(%dma_wait3A_94 : memref<512xi32, #tpu.memory_space<vmem>>)
    %dma_wait3A_96 = arith.constant 1 : i32
    %dma_wait3A_97 = arith.constant 0 : i32
    %dma_wait3A_98 = tpu.memref_slice %arg12[%dma_wait3A_96, %dma_wait3A_97] : memref<4x512xi32, #tpu.memory_space<vmem>> -> memref<1x512xi32, #tpu.memory_space<vmem>>
    %dma_wait3A_99 = tpu.memref_squeeze %dma_wait3A_98 : memref<1x512xi32, #tpu.memory_space<vmem>> -> memref<512xi32, #tpu.memory_space<vmem>>
    %dma_wait3A_100 = tpu.memref_slice %arg4[%mul3A_2] : memref<16384xi32, #tpu.memory_space<hbm>> -> memref<512xi32, #tpu.memory_space<hbm>>
    %dma_wait3A_101 = arith.constant 0 : i32
    %dma_wait3A_102 = tpu.memref_slice %arg12[%dma_wait3A_96, %dma_wait3A_101] : memref<4x512xi32, #tpu.memory_space<vmem>> -> memref<1x512xi32, #tpu.memory_space<vmem>>
    %dma_wait3A_103 = tpu.memref_squeeze %dma_wait3A_102 : memref<1x512xi32, #tpu.memory_space<vmem>> -> memref<512xi32, #tpu.memory_space<vmem>>
    %dma_wait3A_104 = tpu.memref_slice %arg4[%mul3A_2] : memref<16384xi32, #tpu.memory_space<hbm>> -> memref<512xi32, #tpu.memory_space<hbm>>
    tpu.wait_dma2 semaphore(%arg17 : memref<!tpu.dma_semaphore, #tpu.memory_space<semaphore_mem>>) src(%dma_wait3A_104 : memref<512xi32, #tpu.memory_space<hbm>>) dst(%dma_wait3A_103 : memref<512xi32, #tpu.memory_space<vmem>>)
    %dma_wait3A_105 = arith.constant 2 : i32
    %dma_wait3A_106 = arith.constant 0 : i32
    %dma_wait3A_107 = tpu.memref_slice %arg12[%dma_wait3A_105, %dma_wait3A_106] : memref<4x512xi32, #tpu.memory_space<vmem>> -> memref<1x512xi32, #tpu.memory_space<vmem>>
    %dma_wait3A_108 = tpu.memref_squeeze %dma_wait3A_107 : memref<1x512xi32, #tpu.memory_space<vmem>> -> memref<512xi32, #tpu.memory_space<vmem>>
    %dma_wait3A_109 = tpu.memref_slice %arg5[%mul3A_2] : memref<16384xi32, #tpu.memory_space<hbm>> -> memref<512xi32, #tpu.memory_space<hbm>>
    %dma_wait3A_110 = arith.constant 0 : i32
    %dma_wait3A_111 = tpu.memref_slice %arg12[%dma_wait3A_105, %dma_wait3A_110] : memref<4x512xi32, #tpu.memory_space<vmem>> -> memref<1x512xi32, #tpu.memory_space<vmem>>
    %dma_wait3A_112 = tpu.memref_squeeze %dma_wait3A_111 : memref<1x512xi32, #tpu.memory_space<vmem>> -> memref<512xi32, #tpu.memory_space<vmem>>
    %dma_wait3A_113 = tpu.memref_slice %arg5[%mul3A_2] : memref<16384xi32, #tpu.memory_space<hbm>> -> memref<512xi32, #tpu.memory_space<hbm>>
    tpu.wait_dma2 semaphore(%arg17 : memref<!tpu.dma_semaphore, #tpu.memory_space<semaphore_mem>>) src(%dma_wait3A_113 : memref<512xi32, #tpu.memory_space<hbm>>) dst(%dma_wait3A_112 : memref<512xi32, #tpu.memory_space<vmem>>)
    %dma_wait3A_114 = arith.constant 3 : i32
    %dma_wait3A_115 = arith.constant 0 : i32
    %dma_wait3A_116 = tpu.memref_slice %arg12[%dma_wait3A_114, %dma_wait3A_115] : memref<4x512xi32, #tpu.memory_space<vmem>> -> memref<1x512xi32, #tpu.memory_space<vmem>>
    %dma_wait3A_117 = tpu.memref_squeeze %dma_wait3A_116 : memref<1x512xi32, #tpu.memory_space<vmem>> -> memref<512xi32, #tpu.memory_space<vmem>>
    %dma_wait3A_118 = tpu.memref_slice %arg6[%mul3A_2] : memref<16384xi32, #tpu.memory_space<hbm>> -> memref<512xi32, #tpu.memory_space<hbm>>
    %dma_wait3A_119 = arith.constant 0 : i32
    %dma_wait3A_120 = tpu.memref_slice %arg12[%dma_wait3A_114, %dma_wait3A_119] : memref<4x512xi32, #tpu.memory_space<vmem>> -> memref<1x512xi32, #tpu.memory_space<vmem>>
    %dma_wait3A_121 = tpu.memref_squeeze %dma_wait3A_120 : memref<1x512xi32, #tpu.memory_space<vmem>> -> memref<512xi32, #tpu.memory_space<vmem>>
    %dma_wait3A_122 = tpu.memref_slice %arg6[%mul3A_2] : memref<16384xi32, #tpu.memory_space<hbm>> -> memref<512xi32, #tpu.memory_space<hbm>>
    tpu.wait_dma2 semaphore(%arg17 : memref<!tpu.dma_semaphore, #tpu.memory_space<semaphore_mem>>) src(%dma_wait3A_122 : memref<512xi32, #tpu.memory_space<hbm>>) dst(%dma_wait3A_121 : memref<512xi32, #tpu.memory_space<vmem>>)
    tpu.wait_dma2 semaphore(%arg17 : memref<!tpu.dma_semaphore, #tpu.memory_space<semaphore_mem>>) src(%arg8 : memref<4128xf32, #tpu.memory_space<hbm>>) dst(%arg13 : memref<4128xf32, #tpu.memory_space<vmem>>)
    %get3A = arith.constant 0 : i32
    %get3A_123 = arith.index_cast %get3A : i32 to index
    %get3A_124 = arith.constant 0 : index
    %get3A_125 = tpu.vector_load %arg12[%get3A_123, %get3A_124] {strides = array<i32>} : memref<4x512xi32, #tpu.memory_space<vmem>>, vector<16xi32>,
    %gather3A = tpu.vector_load_idx %arg13[%get3A_125] : memref<4128xf32, #tpu.memory_space<vmem>>[vector<16xi32>], vector<16xf32>,
    %get3A_126 = arith.constant 1 : i32
    %get3A_127 = arith.index_cast %get3A_126 : i32 to index
    %get3A_128 = arith.constant 0 : index
    %get3A_129 = tpu.vector_load %arg12[%get3A_127, %get3A_128] {strides = array<i32>} : memref<4x512xi32, #tpu.memory_space<vmem>>, vector<16xi32>,
    %add3A_130 = arith.constant 1000 : i32
    %add3A_131 = vector.broadcast %add3A_130 : i32 to vector<16xi32>
    %add3A_132 = arith.addi %get3A_129, %add3A_131 : vector<16xi32>
    %gather3A_133 = tpu.vector_load_idx %arg13[%add3A_132] : memref<4128xf32, #tpu.memory_space<vmem>>[vector<16xi32>], vector<16xf32>,
    %add3A_134 = arith.addf %gather3A, %gather3A_133 : vector<16xf32>
    %get3A_135 = arith.constant 2 : i32
    %get3A_136 = arith.index_cast %get3A_135 : i32 to index
    %get3A_137 = arith.constant 0 : index
    %get3A_138 = tpu.vector_load %arg12[%get3A_136, %get3A_137] {strides = array<i32>} : memref<4x512xi32, #tpu.memory_space<vmem>>, vector<16xi32>,
    %add3A_139 = arith.constant 2000 : i32
    %add3A_140 = vector.broadcast %add3A_139 : i32 to vector<16xi32>
    %add3A_141 = arith.addi %get3A_138, %add3A_140 : vector<16xi32>
    %gather3A_142 = tpu.vector_load_idx %arg13[%add3A_141] : memref<4128xf32, #tpu.memory_space<vmem>>[vector<16xi32>], vector<16xf32>,
    %add3A_143 = arith.addf %add3A_134, %gather3A_142 : vector<16xf32>
    %get3A_144 = arith.constant 3 : i32
    %get3A_145 = arith.index_cast %get3A_144 : i32 to index
    %get3A_146 = arith.constant 0 : index
    %get3A_147 = tpu.vector_load %arg12[%get3A_145, %get3A_146] {strides = array<i32>} : memref<4x512xi32, #tpu.memory_space<vmem>>, vector<16xi32>,
    %add3A_148 = arith.constant 3000 : i32
    %add3A_149 = vector.broadcast %add3A_148 : i32 to vector<16xi32>
    %add3A_150 = arith.addi %get3A_147, %add3A_149 : vector<16xi32>
    %gather3A_151 = tpu.vector_load_idx %arg13[%add3A_150] : memref<4128xf32, #tpu.memory_space<vmem>>[vector<16xi32>], vector<16xf32>,
    %add3A_152 = arith.addf %add3A_143, %gather3A_151 : vector<16xf32>
    %swap3A = arith.constant 0 : index
    %swap3A_153 = tpu.vector_load %arg14[%swap3A] {strides = array<i32>} : memref<512xf32, #tpu.memory_space<vmem>>, vector<16xf32>,
    tpu.vector_store %arg14[%swap3A], %add3A_152 {strides = array<i32>} : memref<512xf32, #tpu.memory_space<vmem>>, vector<16xf32>,
    %get3A_154 = arith.constant 0 : i32
    %get3A_155 = arith.index_cast %get3A_154 : i32 to index
    %get3A_156 = arith.constant 16 : index
    %get3A_157 = tpu.vector_load %arg12[%get3A_155, %get3A_156] {strides = array<i32>} : memref<4x512xi32, #tpu.memory_space<vmem>>, vector<16xi32>,
    %gather3A_158 = tpu.vector_load_idx %arg13[%get3A_157] : memref<4128xf32, #tpu.memory_space<vmem>>[vector<16xi32>], vector<16xf32>,
    %get3A_159 = arith.constant 1 : i32
    %get3A_160 = arith.index_cast %get3A_159 : i32 to index
    %get3A_161 = arith.constant 16 : index
    %get3A_162 = tpu.vector_load %arg12[%get3A_160, %get3A_161] {strides = array<i32>} : memref<4x512xi32, #tpu.memory_space<vmem>>, vector<16xi32>,
    %add3A_163 = arith.constant 1000 : i32
    %add3A_164 = vector.broadcast %add3A_163 : i32 to vector<16xi32>
    %add3A_165 = arith.addi %get3A_162, %add3A_164 : vector<16xi32>
    %gather3A_166 = tpu.vector_load_idx %arg13[%add3A_165] : memref<4128xf32, #tpu.memory_space<vmem>>[vector<16xi32>], vector<16xf32>,
    %add3A_167 = arith.addf %gather3A_158, %gather3A_166 : vector<16xf32>
    %get3A_168 = arith.constant 2 : i32
    %get3A_169 = arith.index_cast %get3A_168 : i32 to index
    %get3A_170 = arith.constant 16 : index
    %get3A_171 = tpu.vector_load %arg12[%get3A_169, %get3A_170] {strides = array<i32>} : memref<4x512xi32, #tpu.memory_space<vmem>>, vector<16xi32>,
    %add3A_172 = arith.constant 2000 : i32
    %add3A_173 = vector.broadcast %add3A_172 : i32 to vector<16xi32>
    %add3A_174 = arith.addi %get3A_171, %add3A_173 : vector<16xi32>
    %gather3A_175 = tpu.vector_load_idx %arg13[%add3A_174] : memref<4128xf32, #tpu.memory_space<vmem>>[vector<16xi32>], vector<16xf32>,
    %add3A_176 = arith.addf %add3A_167, %gather3A_175 : vector<16xf32>
    %get3A_177 = arith.constant 3 : i32
    %get3A_178 = arith.index_cast %get3A_177 : i32 to index
    %get3A_179 = arith.constant 16 : index
    %get3A_180 = tpu.vector_load %arg12[%get3A_178, %get3A_179] {strides = array<i32>} : memref<4x512xi32, #tpu.memory_space<vmem>>, vector<16xi32>,
    %add3A_181 = arith.constant 3000 : i32
    %add3A_182 = vector.broadcast %add3A_181 : i32 to vector<16xi32>
    %add3A_183 = arith.addi %get3A_180, %add3A_182 : vector<16xi32>
    %gather3A_184 = tpu.vector_load_idx %arg13[%add3A_183] : memref<4128xf32, #tpu.memory_space<vmem>>[vector<16xi32>], vector<16xf32>,
    %add3A_185 = arith.addf %add3A_176, %gather3A_184 : vector<16xf32>
    %swap3A_186 = arith.constant 16 : index
    %swap3A_187 = tpu.vector_load %arg14[%swap3A_186] {strides = array<i32>} : memref<512xf32, #tpu.memory_space<vmem>>, vector<16xf32>,
    tpu.vector_store %arg14[%swap3A_186], %add3A_185 {strides = array<i32>} : memref<512xf32, #tpu.memory_space<vmem>>, vector<16xf32>,
    %get3A_188 = arith.constant 0 : i32
    %get3A_189 = arith.index_cast %get3A_188 : i32 to index
    %get3A_190 = arith.constant 32 : index
    %get3A_191 = tpu.vector_load %arg12[%get3A_189, %get3A_190] {strides = array<i32>} : memref<4x512xi32, #tpu.memory_space<vmem>>, vector<16xi32>,
    %gather3A_192 = tpu.vector_load_idx %arg13[%get3A_191] : memref<4128xf32, #tpu.memory_space<vmem>>[vector<16xi32>], vector<16xf32>,
    %get3A_193 = arith.constant 1 : i32
    %get3A_194 = arith.index_cast %get3A_193 : i32 to index
    %get3A_195 = arith.constant 32 : index
    %get3A_196 = tpu.vector_load %arg12[%get3A_194, %get3A_195] {strides = array<i32>} : memref<4x512xi32, #tpu.memory_space<vmem>>, vector<16xi32>,
    %add3A_197 = arith.constant 1000 : i32
    %add3A_198 = vector.broadcast %add3A_197 : i32 to vector<16xi32>
    %add3A_199 = arith.addi %get3A_196, %add3A_198 : vector<16xi32>
    %gather3A_200 = tpu.vector_load_idx %arg13[%add3A_199] : memref<4128xf32, #tpu.memory_space<vmem>>[vector<16xi32>], vector<16xf32>,
    %add3A_201 = arith.addf %gather3A_192, %gather3A_200 : vector<16xf32>
    %get3A_202 = arith.constant 2 : i32
    %get3A_203 = arith.index_cast %get3A_202 : i32 to index
    %get3A_204 = arith.constant 32 : index
    %get3A_205 = tpu.vector_load %arg12[%get3A_203, %get3A_204] {strides = array<i32>} : memref<4x512xi32, #tpu.memory_space<vmem>>, vector<16xi32>,
    %add3A_206 = arith.constant 2000 : i32
    %add3A_207 = vector.broadcast %add3A_206 : i32 to vector<16xi32>
    %add3A_208 = arith.addi %get3A_205, %add3A_207 : vector<16xi32>
    %gather3A_209 = tpu.vector_load_idx %arg13[%add3A_208] : memref<4128xf32, #tpu.memory_space<vmem>>[vector<16xi32>], vector<16xf32>,
    %add3A_210 = arith.addf %add3A_201, %gather3A_209 : vector<16xf32>
    %get3A_211 = arith.constant 3 : i32
    %get3A_212 = arith.index_cast %get3A_211 : i32 to index
    %get3A_213 = arith.constant 32 : index
    %get3A_214 = tpu.vector_load %arg12[%get3A_212, %get3A_213] {strides = array<i32>} : memref<4x512xi32, #tpu.memory_space<vmem>>, vector<16xi32>,
    %add3A_215 = arith.constant 3000 : i32
    %add3A_216 = vector.broadcast %add3A_215 : i32 to vector<16xi32>
    %add3A_217 = arith.addi %get3A_214, %add3A_216 : vector<16xi32>
    %gather3A_218 = tpu.vector_load_idx %arg13[%add3A_217] : memref<4128xf32, #tpu.memory_space<vmem>>[vector<16xi32>], vector<16xf32>,
    %add3A_219 = arith.addf %add3A_210, %gather3A_218 : vector<16xf32>
    %swap3A_220 = arith.constant 32 : index
    %swap3A_221 = tpu.vector_load %arg14[%swap3A_220] {strides = array<i32>} : memref<512xf32, #tpu.memory_space<vmem>>, vector<16xf32>,
    tpu.vector_store %arg14[%swap3A_220], %add3A_219 {strides = array<i32>} : memref<512xf32, #tpu.memory_space<vmem>>, vector<16xf32>,
    %get3A_222 = arith.constant 0 : i32
    %get3A_223 = arith.index_cast %get3A_222 : i32 to index
    %get3A_224 = arith.constant 48 : index
    %get3A_225 = tpu.vector_load %arg12[%get3A_223, %get3A_224] {strides = array<i32>} : memref<4x512xi32, #tpu.memory_space<vmem>>, vector<16xi32>,
    %gather3A_226 = tpu.vector_load_idx %arg13[%get3A_225] : memref<4128xf32, #tpu.memory_space<vmem>>[vector<16xi32>], vector<16xf32>,
    %get3A_227 = arith.constant 1 : i32
    %get3A_228 = arith.index_cast %get3A_227 : i32 to index
    %get3A_229 = arith.constant 48 : index
    %get3A_230 = tpu.vector_load %arg12[%get3A_228, %get3A_229] {strides = array<i32>} : memref<4x512xi32, #tpu.memory_space<vmem>>, vector<16xi32>,
    %add3A_231 = arith.constant 1000 : i32
    %add3A_232 = vector.broadcast %add3A_231 : i32 to vector<16xi32>
    %add3A_233 = arith.addi %get3A_230, %add3A_232 : vector<16xi32>
    %gather3A_234 = tpu.vector_load_idx %arg13[%add3A_233] : memref<4128xf32, #tpu.memory_space<vmem>>[vector<16xi32>], vector<16xf32>,
    %add3A_235 = arith.addf %gather3A_226, %gather3A_234 : vector<16xf32>
    %get3A_236 = arith.constant 2 : i32
    %get3A_237 = arith.index_cast %get3A_236 : i32 to index
    %get3A_238 = arith.constant 48 : index
    %get3A_239 = tpu.vector_load %arg12[%get3A_237, %get3A_238] {strides = array<i32>} : memref<4x512xi32, #tpu.memory_space<vmem>>, vector<16xi32>,
    %add3A_240 = arith.constant 2000 : i32
    %add3A_241 = vector.broadcast %add3A_240 : i32 to vector<16xi32>
    %add3A_242 = arith.addi %get3A_239, %add3A_241 : vector<16xi32>
    %gather3A_243 = tpu.vector_load_idx %arg13[%add3A_242] : memref<4128xf32, #tpu.memory_space<vmem>>[vector<16xi32>], vector<16xf32>,
    %add3A_244 = arith.addf %add3A_235, %gather3A_243 : vector<16xf32>
    %get3A_245 = arith.constant 3 : i32
    %get3A_246 = arith.index_cast %get3A_245 : i32 to index
    %get3A_247 = arith.constant 48 : index
    %get3A_248 = tpu.vector_load %arg12[%get3A_246, %get3A_247] {strides = array<i32>} : memref<4x512xi32, #tpu.memory_space<vmem>>, vector<16xi32>,
    %add3A_249 = arith.constant 3000 : i32
    %add3A_250 = vector.broadcast %add3A_249 : i32 to vector<16xi32>
    %add3A_251 = arith.addi %get3A_248, %add3A_250 : vector<16xi32>
    %gather3A_252 = tpu.vector_load_idx %arg13[%add3A_251] : memref<4128xf32, #tpu.memory_space<vmem>>[vector<16xi32>], vector<16xf32>,
    %add3A_253 = arith.addf %add3A_244, %gather3A_252 : vector<16xf32>
    %swap3A_254 = arith.constant 48 : index
    %swap3A_255 = tpu.vector_load %arg14[%swap3A_254] {strides = array<i32>} : memref<512xf32, #tpu.memory_space<vmem>>, vector<16xf32>,
    tpu.vector_store %arg14[%swap3A_254], %add3A_253 {strides = array<i32>} : memref<512xf32, #tpu.memory_space<vmem>>, vector<16xf32>,
    %get3A_256 = arith.constant 0 : i32
    %get3A_257 = arith.index_cast %get3A_256 : i32 to index
    %get3A_258 = arith.constant 64 : index
    %get3A_259 = tpu.vector_load %arg12[%get3A_257, %get3A_258] {strides = array<i32>} : memref<4x512xi32, #tpu.memory_space<vmem>>, vector<16xi32>,
    %gather3A_260 = tpu.vector_load_idx %arg13[%get3A_259] : memref<4128xf32, #tpu.memory_space<vmem>>[vector<16xi32>], vector<16xf32>,
    %get3A_261 = arith.constant 1 : i32
    %get3A_262 = arith.index_cast %get3A_261 : i32 to index
    %get3A_263 = arith.constant 64 : index
    %get3A_264 = tpu.vector_load %arg12[%get3A_262, %get3A_263] {strides = array<i32>} : memref<4x512xi32, #tpu.memory_space<vmem>>, vector<16xi32>,
    %add3A_265 = arith.constant 1000 : i32
    %add3A_266 = vector.broadcast %add3A_265 : i32 to vector<16xi32>
    %add3A_267 = arith.addi %get3A_264, %add3A_266 : vector<16xi32>
    %gather3A_268 = tpu.vector_load_idx %arg13[%add3A_267] : memref<4128xf32, #tpu.memory_space<vmem>>[vector<16xi32>], vector<16xf32>,
    %add3A_269 = arith.addf %gather3A_260, %gather3A_268 : vector<16xf32>
    %get3A_270 = arith.constant 2 : i32
    %get3A_271 = arith.index_cast %get3A_270 : i32 to index
    %get3A_272 = arith.constant 64 : index
    %get3A_273 = tpu.vector_load %arg12[%get3A_271, %get3A_272] {strides = array<i32>} : memref<4x512xi32, #tpu.memory_space<vmem>>, vector<16xi32>,
    %add3A_274 = arith.constant 2000 : i32
    %add3A_275 = vector.broadcast %add3A_274 : i32 to vector<16xi32>
    %add3A_276 = arith.addi %get3A_273, %add3A_275 : vector<16xi32>
    %gather3A_277 = tpu.vector_load_idx %arg13[%add3A_276] : memref<4128xf32, #tpu.memory_space<vmem>>[vector<16xi32>], vector<16xf32>,
    %add3A_278 = arith.addf %add3A_269, %gather3A_277 : vector<16xf32>
    %get3A_279 = arith.constant 3 : i32
    %get3A_280 = arith.index_cast %get3A_279 : i32 to index
    %get3A_281 = arith.constant 64 : index
    %get3A_282 = tpu.vector_load %arg12[%get3A_280, %get3A_281] {strides = array<i32>} : memref<4x512xi32, #tpu.memory_space<vmem>>, vector<16xi32>,
    %add3A_283 = arith.constant 3000 : i32
    %add3A_284 = vector.broadcast %add3A_283 : i32 to vector<16xi32>
    %add3A_285 = arith.addi %get3A_282, %add3A_284 : vector<16xi32>
    %gather3A_286 = tpu.vector_load_idx %arg13[%add3A_285] : memref<4128xf32, #tpu.memory_space<vmem>>[vector<16xi32>], vector<16xf32>,
    %add3A_287 = arith.addf %add3A_278, %gather3A_286 : vector<16xf32>
    %swap3A_288 = arith.constant 64 : index
    %swap3A_289 = tpu.vector_load %arg14[%swap3A_288] {strides = array<i32>} : memref<512xf32, #tpu.memory_space<vmem>>, vector<16xf32>,
    tpu.vector_store %arg14[%swap3A_288], %add3A_287 {strides = array<i32>} : memref<512xf32, #tpu.memory_space<vmem>>, vector<16xf32>,
    %get3A_290 = arith.constant 0 : i32
    %get3A_291 = arith.index_cast %get3A_290 : i32 to index
    %get3A_292 = arith.constant 80 : index
    %get3A_293 = tpu.vector_load %arg12[%get3A_291, %get3A_292] {strides = array<i32>} : memref<4x512xi32, #tpu.memory_space<vmem>>, vector<16xi32>,
    %gather3A_294 = tpu.vector_load_idx %arg13[%get3A_293] : memref<4128xf32, #tpu.memory_space<vmem>>[vector<16xi32>], vector<16xf32>,
    %get3A_295 = arith.constant 1 : i32
    %get3A_296 = arith.index_cast %get3A_295 : i32 to index
    %get3A_297 = arith.constant 80 : index
    %get3A_298 = tpu.vector_load %arg12[%get3A_296, %get3A_297] {strides = array<i32>} : memref<4x512xi32, #tpu.memory_space<vmem>>, vector<16xi32>,
    %add3A_299 = arith.constant 1000 : i32
    %add3A_300 = vector.broadcast %add3A_299 : i32 to vector<16xi32>
    %add3A_301 = arith.addi %get3A_298, %add3A_300 : vector<16xi32>
    %gather3A_302 = tpu.vector_load_idx %arg13[%add3A_301] : memref<4128xf32, #tpu.memory_space<vmem>>[vector<16xi32>], vector<16xf32>,
    %add3A_303 = arith.addf %gather3A_294, %gather3A_302 : vector<16xf32>
    %get3A_304 = arith.constant 2 : i32
    %get3A_305 = arith.index_cast %get3A_304 : i32 to index
    %get3A_306 = arith.constant 80 : index
    %get3A_307 = tpu.vector_load %arg12[%get3A_305, %get3A_306] {strides = array<i32>} : memref<4x512xi32, #tpu.memory_space<vmem>>, vector<16xi32>,
    %add3A_308 = arith.constant 2000 : i32
    %add3A_309 = vector.broadcast %add3A_308 : i32 to vector<16xi32>
    %add3A_310 = arith.addi %get3A_307, %add3A_309 : vector<16xi32>
    %gather3A_311 = tpu.vector_load_idx %arg13[%add3A_310] : memref<4128xf32, #tpu.memory_space<vmem>>[vector<16xi32>], vector<16xf32>,
    %add3A_312 = arith.addf %add3A_303, %gather3A_311 : vector<16xf32>
    %get3A_313 = arith.constant 3 : i32
    %get3A_314 = arith.index_cast %get3A_313 : i32 to index
    %get3A_315 = arith.constant 80 : index
    %get3A_316 = tpu.vector_load %arg12[%get3A_314, %get3A_315] {strides = array<i32>} : memref<4x512xi32, #tpu.memory_space<vmem>>, vector<16xi32>,
    %add3A_317 = arith.constant 3000 : i32
    %add3A_318 = vector.broadcast %add3A_317 : i32 to vector<16xi32>
    %add3A_319 = arith.addi %get3A_316, %add3A_318 : vector<16xi32>
    %gather3A_320 = tpu.vector_load_idx %arg13[%add3A_319] : memref<4128xf32, #tpu.memory_space<vmem>>[vector<16xi32>], vector<16xf32>,
    %add3A_321 = arith.addf %add3A_312, %gather3A_320 : vector<16xf32>
    %swap3A_322 = arith.constant 80 : index
    %swap3A_323 = tpu.vector_load %arg14[%swap3A_322] {strides = array<i32>} : memref<512xf32, #tpu.memory_space<vmem>>, vector<16xf32>,
    tpu.vector_store %arg14[%swap3A_322], %add3A_321 {strides = array<i32>} : memref<512xf32, #tpu.memory_space<vmem>>, vector<16xf32>,
    %get3A_324 = arith.constant 0 : i32
    %get3A_325 = arith.index_cast %get3A_324 : i32 to index
    %get3A_326 = arith.constant 96 : index
    %get3A_327 = tpu.vector_load %arg12[%get3A_325, %get3A_326] {strides = array<i32>} : memref<4x512xi32, #tpu.memory_space<vmem>>, vector<16xi32>,
    %gather3A_328 = tpu.vector_load_idx %arg13[%get3A_327] : memref<4128xf32, #tpu.memory_space<vmem>>[vector<16xi32>], vector<16xf32>,
    %get3A_329 = arith.constant 1 : i32
    %get3A_330 = arith.index_cast %get3A_329 : i32 to index
    %get3A_331 = arith.constant 96 : index
    %get3A_332 = tpu.vector_load %arg12[%get3A_330, %get3A_331] {strides = array<i32>} : memref<4x512xi32, #tpu.memory_space<vmem>>, vector<16xi32>,
    %add3A_333 = arith.constant 1000 : i32
    %add3A_334 = vector.broadcast %add3A_333 : i32 to vector<16xi32>
    %add3A_335 = arith.addi %get3A_332, %add3A_334 : vector<16xi32>
    %gather3A_336 = tpu.vector_load_idx %arg13[%add3A_335] : memref<4128xf32, #tpu.memory_space<vmem>>[vector<16xi32>], vector<16xf32>,
    %add3A_337 = arith.addf %gather3A_328, %gather3A_336 : vector<16xf32>
    %get3A_338 = arith.constant 2 : i32
    %get3A_339 = arith.index_cast %get3A_338 : i32 to index
    %get3A_340 = arith.constant 96 : index
    %get3A_341 = tpu.vector_load %arg12[%get3A_339, %get3A_340] {strides = array<i32>} : memref<4x512xi32, #tpu.memory_space<vmem>>, vector<16xi32>,
    %add3A_342 = arith.constant 2000 : i32
    %add3A_343 = vector.broadcast %add3A_342 : i32 to vector<16xi32>
    %add3A_344 = arith.addi %get3A_341, %add3A_343 : vector<16xi32>
    %gather3A_345 = tpu.vector_load_idx %arg13[%add3A_344] : memref<4128xf32, #tpu.memory_space<vmem>>[vector<16xi32>], vector<16xf32>,
    %add3A_346 = arith.addf %add3A_337, %gather3A_345 : vector<16xf32>
    %get3A_347 = arith.constant 3 : i32
    %get3A_348 = arith.index_cast %get3A_347 : i32 to index
    %get3A_349 = arith.constant 96 : index
    %get3A_350 = tpu.vector_load %arg12[%get3A_348, %get3A_349] {strides = array<i32>} : memref<4x512xi32, #tpu.memory_space<vmem>>, vector<16xi32>,
    %add3A_351 = arith.constant 3000 : i32
    %add3A_352 = vector.broadcast %add3A_351 : i32 to vector<16xi32>
    %add3A_353 = arith.addi %get3A_350, %add3A_352 : vector<16xi32>
    %gather3A_354 = tpu.vector_load_idx %arg13[%add3A_353] : memref<4128xf32, #tpu.memory_space<vmem>>[vector<16xi32>], vector<16xf32>,
    %add3A_355 = arith.addf %add3A_346, %gather3A_354 : vector<16xf32>
    %swap3A_356 = arith.constant 96 : index
    %swap3A_357 = tpu.vector_load %arg14[%swap3A_356] {strides = array<i32>} : memref<512xf32, #tpu.memory_space<vmem>>, vector<16xf32>,
    tpu.vector_store %arg14[%swap3A_356], %add3A_355 {strides = array<i32>} : memref<512xf32, #tpu.memory_space<vmem>>, vector<16xf32>,
    %get3A_358 = arith.constant 0 : i32
    %get3A_359 = arith.index_cast %get3A_358 : i32 to index
    %get3A_360 = arith.constant 112 : index
    %get3A_361 = tpu.vector_load %arg12[%get3A_359, %get3A_360] {strides = array<i32>} : memref<4x512xi32, #tpu.memory_space<vmem>>, vector<16xi32>,
    %gather3A_362 = tpu.vector_load_idx %arg13[%get3A_361] : memref<4128xf32, #tpu.memory_space<vmem>>[vector<16xi32>], vector<16xf32>,
    %get3A_363 = arith.constant 1 : i32
    %get3A_364 = arith.index_cast %get3A_363 : i32 to index
    %get3A_365 = arith.constant 112 : index
    %get3A_366 = tpu.vector_load %arg12[%get3A_364, %get3A_365] {strides = array<i32>} : memref<4x512xi32, #tpu.memory_space<vmem>>, vector<16xi32>,
    %add3A_367 = arith.constant 1000 : i32
    %add3A_368 = vector.broadcast %add3A_367 : i32 to vector<16xi32>
    %add3A_369 = arith.addi %get3A_366, %add3A_368 : vector<16xi32>
    %gather3A_370 = tpu.vector_load_idx %arg13[%add3A_369] : memref<4128xf32, #tpu.memory_space<vmem>>[vector<16xi32>], vector<16xf32>,
    %add3A_371 = arith.addf %gather3A_362, %gather3A_370 : vector<16xf32>
    %get3A_372 = arith.constant 2 : i32
    %get3A_373 = arith.index_cast %get3A_372 : i32 to index
    %get3A_374 = arith.constant 112 : index
    %get3A_375 = tpu.vector_load %arg12[%get3A_373, %get3A_374] {strides = array<i32>} : memref<4x512xi32, #tpu.memory_space<vmem>>, vector<16xi32>,
    %add3A_376 = arith.constant 2000 : i32
    %add3A_377 = vector.broadcast %add3A_376 : i32 to vector<16xi32>
    %add3A_378 = arith.addi %get3A_375, %add3A_377 : vector<16xi32>
    %gather3A_379 = tpu.vector_load_idx %arg13[%add3A_378] : memref<4128xf32, #tpu.memory_space<vmem>>[vector<16xi32>], vector<16xf32>,
    %add3A_380 = arith.addf %add3A_371, %gather3A_379 : vector<16xf32>
    %get3A_381 = arith.constant 3 : i32
    %get3A_382 = arith.index_cast %get3A_381 : i32 to index
    %get3A_383 = arith.constant 112 : index
    %get3A_384 = tpu.vector_load %arg12[%get3A_382, %get3A_383] {strides = array<i32>} : memref<4x512xi32, #tpu.memory_space<vmem>>, vector<16xi32>,
    %add3A_385 = arith.constant 3000 : i32
    %add3A_386 = vector.broadcast %add3A_385 : i32 to vector<16xi32>
    %add3A_387 = arith.addi %get3A_384, %add3A_386 : vector<16xi32>
    %gather3A_388 = tpu.vector_load_idx %arg13[%add3A_387] : memref<4128xf32, #tpu.memory_space<vmem>>[vector<16xi32>], vector<16xf32>,
    %add3A_389 = arith.addf %add3A_380, %gather3A_388 : vector<16xf32>
    %swap3A_390 = arith.constant 112 : index
    %swap3A_391 = tpu.vector_load %arg14[%swap3A_390] {strides = array<i32>} : memref<512xf32, #tpu.memory_space<vmem>>, vector<16xf32>,
    tpu.vector_store %arg14[%swap3A_390], %add3A_389 {strides = array<i32>} : memref<512xf32, #tpu.memory_space<vmem>>, vector<16xf32>,
    %get3A_392 = arith.constant 0 : i32
    %get3A_393 = arith.index_cast %get3A_392 : i32 to index
    %get3A_394 = arith.constant 128 : index
    %get3A_395 = tpu.vector_load %arg12[%get3A_393, %get3A_394] {strides = array<i32>} : memref<4x512xi32, #tpu.memory_space<vmem>>, vector<16xi32>,
    %gather3A_396 = tpu.vector_load_idx %arg13[%get3A_395] : memref<4128xf32, #tpu.memory_space<vmem>>[vector<16xi32>], vector<16xf32>,
    %get3A_397 = arith.constant 1 : i32
    %get3A_398 = arith.index_cast %get3A_397 : i32 to index
    %get3A_399 = arith.constant 128 : index
    %get3A_400 = tpu.vector_load %arg12[%get3A_398, %get3A_399] {strides = array<i32>} : memref<4x512xi32, #tpu.memory_space<vmem>>, vector<16xi32>,
    %add3A_401 = arith.constant 1000 : i32
    %add3A_402 = vector.broadcast %add3A_401 : i32 to vector<16xi32>
    %add3A_403 = arith.addi %get3A_400, %add3A_402 : vector<16xi32>
    %gather3A_404 = tpu.vector_load_idx %arg13[%add3A_403] : memref<4128xf32, #tpu.memory_space<vmem>>[vector<16xi32>], vector<16xf32>,
    %add3A_405 = arith.addf %gather3A_396, %gather3A_404 : vector<16xf32>
    %get3A_406 = arith.constant 2 : i32
    %get3A_407 = arith.index_cast %get3A_406 : i32 to index
    %get3A_408 = arith.constant 128 : index
    %get3A_409 = tpu.vector_load %arg12[%get3A_407, %get3A_408] {strides = array<i32>} : memref<4x512xi32, #tpu.memory_space<vmem>>, vector<16xi32>,
    %add3A_410 = arith.constant 2000 : i32
    %add3A_411 = vector.broadcast %add3A_410 : i32 to vector<16xi32>
    %add3A_412 = arith.addi %get3A_409, %add3A_411 : vector<16xi32>
    %gather3A_413 = tpu.vector_load_idx %arg13[%add3A_412] : memref<4128xf32, #tpu.memory_space<vmem>>[vector<16xi32>], vector<16xf32>,
    %add3A_414 = arith.addf %add3A_405, %gather3A_413 : vector<16xf32>
    %get3A_415 = arith.constant 3 : i32
    %get3A_416 = arith.index_cast %get3A_415 : i32 to index
    %get3A_417 = arith.constant 128 : index
    %get3A_418 = tpu.vector_load %arg12[%get3A_416, %get3A_417] {strides = array<i32>} : memref<4x512xi32, #tpu.memory_space<vmem>>, vector<16xi32>,
    %add3A_419 = arith.constant 3000 : i32
    %add3A_420 = vector.broadcast %add3A_419 : i32 to vector<16xi32>
    %add3A_421 = arith.addi %get3A_418, %add3A_420 : vector<16xi32>
    %gather3A_422 = tpu.vector_load_idx %arg13[%add3A_421] : memref<4128xf32, #tpu.memory_space<vmem>>[vector<16xi32>], vector<16xf32>,
    %add3A_423 = arith.addf %add3A_414, %gather3A_422 : vector<16xf32>
    %swap3A_424 = arith.constant 128 : index
    %swap3A_425 = tpu.vector_load %arg14[%swap3A_424] {strides = array<i32>} : memref<512xf32, #tpu.memory_space<vmem>>, vector<16xf32>,
    tpu.vector_store %arg14[%swap3A_424], %add3A_423 {strides = array<i32>} : memref<512xf32, #tpu.memory_space<vmem>>, vector<16xf32>,
    %get3A_426 = arith.constant 0 : i32
    %get3A_427 = arith.index_cast %get3A_426 : i32 to index
    %get3A_428 = arith.constant 144 : index
    %get3A_429 = tpu.vector_load %arg12[%get3A_427, %get3A_428] {strides = array<i32>} : memref<4x512xi32, #tpu.memory_space<vmem>>, vector<16xi32>,
    %gather3A_430 = tpu.vector_load_idx %arg13[%get3A_429] : memref<4128xf32, #tpu.memory_space<vmem>>[vector<16xi32>], vector<16xf32>,
    %get3A_431 = arith.constant 1 : i32
    %get3A_432 = arith.index_cast %get3A_431 : i32 to index
    %get3A_433 = arith.constant 144 : index
    %get3A_434 = tpu.vector_load %arg12[%get3A_432, %get3A_433] {strides = array<i32>} : memref<4x512xi32, #tpu.memory_space<vmem>>, vector<16xi32>,
    %add3A_435 = arith.constant 1000 : i32
    %add3A_436 = vector.broadcast %add3A_435 : i32 to vector<16xi32>
    %add3A_437 = arith.addi %get3A_434, %add3A_436 : vector<16xi32>
    %gather3A_438 = tpu.vector_load_idx %arg13[%add3A_437] : memref<4128xf32, #tpu.memory_space<vmem>>[vector<16xi32>], vector<16xf32>,
    %add3A_439 = arith.addf %gather3A_430, %gather3A_438 : vector<16xf32>
    %get3A_440 = arith.constant 2 : i32
    %get3A_441 = arith.index_cast %get3A_440 : i32 to index
    %get3A_442 = arith.constant 144 : index
    %get3A_443 = tpu.vector_load %arg12[%get3A_441, %get3A_442] {strides = array<i32>} : memref<4x512xi32, #tpu.memory_space<vmem>>, vector<16xi32>,
    %add3A_444 = arith.constant 2000 : i32
    %add3A_445 = vector.broadcast %add3A_444 : i32 to vector<16xi32>
    %add3A_446 = arith.addi %get3A_443, %add3A_445 : vector<16xi32>
    %gather3A_447 = tpu.vector_load_idx %arg13[%add3A_446] : memref<4128xf32, #tpu.memory_space<vmem>>[vector<16xi32>], vector<16xf32>,
    %add3A_448 = arith.addf %add3A_439, %gather3A_447 : vector<16xf32>
    %get3A_449 = arith.constant 3 : i32
    %get3A_450 = arith.index_cast %get3A_449 : i32 to index
    %get3A_451 = arith.constant 144 : index
    %get3A_452 = tpu.vector_load %arg12[%get3A_450, %get3A_451] {strides = array<i32>} : memref<4x512xi32, #tpu.memory_space<vmem>>, vector<16xi32>,
    %add3A_453 = arith.constant 3000 : i32
    %add3A_454 = vector.broadcast %add3A_453 : i32 to vector<16xi32>
    %add3A_455 = arith.addi %get3A_452, %add3A_454 : vector<16xi32>
    %gather3A_456 = tpu.vector_load_idx %arg13[%add3A_455] : memref<4128xf32, #tpu.memory_space<vmem>>[vector<16xi32>], vector<16xf32>,
    %add3A_457 = arith.addf %add3A_448, %gather3A_456 : vector<16xf32>
    %swap3A_458 = arith.constant 144 : index
    %swap3A_459 = tpu.vector_load %arg14[%swap3A_458] {strides = array<i32>} : memref<512xf32, #tpu.memory_space<vmem>>, vector<16xf32>,
    tpu.vector_store %arg14[%swap3A_458], %add3A_457 {strides = array<i32>} : memref<512xf32, #tpu.memory_space<vmem>>, vector<16xf32>,
    %get3A_460 = arith.constant 0 : i32
    %get3A_461 = arith.index_cast %get3A_460 : i32 to index
    %get3A_462 = arith.constant 160 : index
    %get3A_463 = tpu.vector_load %arg12[%get3A_461, %get3A_462] {strides = array<i32>} : memref<4x512xi32, #tpu.memory_space<vmem>>, vector<16xi32>,
    %gather3A_464 = tpu.vector_load_idx %arg13[%get3A_463] : memref<4128xf32, #tpu.memory_space<vmem>>[vector<16xi32>], vector<16xf32>,
    %get3A_465 = arith.constant 1 : i32
    %get3A_466 = arith.index_cast %get3A_465 : i32 to index
    %get3A_467 = arith.constant 160 : index
    %get3A_468 = tpu.vector_load %arg12[%get3A_466, %get3A_467] {strides = array<i32>} : memref<4x512xi32, #tpu.memory_space<vmem>>, vector<16xi32>,
    %add3A_469 = arith.constant 1000 : i32
    %add3A_470 = vector.broadcast %add3A_469 : i32 to vector<16xi32>
    %add3A_471 = arith.addi %get3A_468, %add3A_470 : vector<16xi32>
    %gather3A_472 = tpu.vector_load_idx %arg13[%add3A_471] : memref<4128xf32, #tpu.memory_space<vmem>>[vector<16xi32>], vector<16xf32>,
    %add3A_473 = arith.addf %gather3A_464, %gather3A_472 : vector<16xf32>
    %get3A_474 = arith.constant 2 : i32
    %get3A_475 = arith.index_cast %get3A_474 : i32 to index
    %get3A_476 = arith.constant 160 : index
    %get3A_477 = tpu.vector_load %arg12[%get3A_475, %get3A_476] {strides = array<i32>} : memref<4x512xi32, #tpu.memory_space<vmem>>, vector<16xi32>,
    %add3A_478 = arith.constant 2000 : i32
    %add3A_479 = vector.broadcast %add3A_478 : i32 to vector<16xi32>
    %add3A_480 = arith.addi %get3A_477, %add3A_479 : vector<16xi32>
    %gather3A_481 = tpu.vector_load_idx %arg13[%add3A_480] : memref<4128xf32, #tpu.memory_space<vmem>>[vector<16xi32>], vector<16xf32>,
    %add3A_482 = arith.addf %add3A_473, %gather3A_481 : vector<16xf32>
    %get3A_483 = arith.constant 3 : i32
    %get3A_484 = arith.index_cast %get3A_483 : i32 to index
    %get3A_485 = arith.constant 160 : index
    %get3A_486 = tpu.vector_load %arg12[%get3A_484, %get3A_485] {strides = array<i32>} : memref<4x512xi32, #tpu.memory_space<vmem>>, vector<16xi32>,
    %add3A_487 = arith.constant 3000 : i32
    %add3A_488 = vector.broadcast %add3A_487 : i32 to vector<16xi32>
    %add3A_489 = arith.addi %get3A_486, %add3A_488 : vector<16xi32>
    %gather3A_490 = tpu.vector_load_idx %arg13[%add3A_489] : memref<4128xf32, #tpu.memory_space<vmem>>[vector<16xi32>], vector<16xf32>,
    %add3A_491 = arith.addf %add3A_482, %gather3A_490 : vector<16xf32>
    %swap3A_492 = arith.constant 160 : index
    %swap3A_493 = tpu.vector_load %arg14[%swap3A_492] {strides = array<i32>} : memref<512xf32, #tpu.memory_space<vmem>>, vector<16xf32>,
    tpu.vector_store %arg14[%swap3A_492], %add3A_491 {strides = array<i32>} : memref<512xf32, #tpu.memory_space<vmem>>, vector<16xf32>,
    %get3A_494 = arith.constant 0 : i32
    %get3A_495 = arith.index_cast %get3A_494 : i32 to index
    %get3A_496 = arith.constant 176 : index
    %get3A_497 = tpu.vector_load %arg12[%get3A_495, %get3A_496] {strides = array<i32>} : memref<4x512xi32, #tpu.memory_space<vmem>>, vector<16xi32>,
    %gather3A_498 = tpu.vector_load_idx %arg13[%get3A_497] : memref<4128xf32, #tpu.memory_space<vmem>>[vector<16xi32>], vector<16xf32>,
    %get3A_499 = arith.constant 1 : i32
    %get3A_500 = arith.index_cast %get3A_499 : i32 to index
    %get3A_501 = arith.constant 176 : index
    %get3A_502 = tpu.vector_load %arg12[%get3A_500, %get3A_501] {strides = array<i32>} : memref<4x512xi32, #tpu.memory_space<vmem>>, vector<16xi32>,
    %add3A_503 = arith.constant 1000 : i32
    %add3A_504 = vector.broadcast %add3A_503 : i32 to vector<16xi32>
    %add3A_505 = arith.addi %get3A_502, %add3A_504 : vector<16xi32>
    %gather3A_506 = tpu.vector_load_idx %arg13[%add3A_505] : memref<4128xf32, #tpu.memory_space<vmem>>[vector<16xi32>], vector<16xf32>,
    %add3A_507 = arith.addf %gather3A_498, %gather3A_506 : vector<16xf32>
    %get3A_508 = arith.constant 2 : i32
    %get3A_509 = arith.index_cast %get3A_508 : i32 to index
    %get3A_510 = arith.constant 176 : index
    %get3A_511 = tpu.vector_load %arg12[%get3A_509, %get3A_510] {strides = array<i32>} : memref<4x512xi32, #tpu.memory_space<vmem>>, vector<16xi32>,
    %add3A_512 = arith.constant 2000 : i32
    %add3A_513 = vector.broadcast %add3A_512 : i32 to vector<16xi32>
    %add3A_514 = arith.addi %get3A_511, %add3A_513 : vector<16xi32>
    %gather3A_515 = tpu.vector_load_idx %arg13[%add3A_514] : memref<4128xf32, #tpu.memory_space<vmem>>[vector<16xi32>], vector<16xf32>,
    %add3A_516 = arith.addf %add3A_507, %gather3A_515 : vector<16xf32>
    %get3A_517 = arith.constant 3 : i32
    %get3A_518 = arith.index_cast %get3A_517 : i32 to index
    %get3A_519 = arith.constant 176 : index
    %get3A_520 = tpu.vector_load %arg12[%get3A_518, %get3A_519] {strides = array<i32>} : memref<4x512xi32, #tpu.memory_space<vmem>>, vector<16xi32>,
    %add3A_521 = arith.constant 3000 : i32
    %add3A_522 = vector.broadcast %add3A_521 : i32 to vector<16xi32>
    %add3A_523 = arith.addi %get3A_520, %add3A_522 : vector<16xi32>
    %gather3A_524 = tpu.vector_load_idx %arg13[%add3A_523] : memref<4128xf32, #tpu.memory_space<vmem>>[vector<16xi32>], vector<16xf32>,
    %add3A_525 = arith.addf %add3A_516, %gather3A_524 : vector<16xf32>
    %swap3A_526 = arith.constant 176 : index
    %swap3A_527 = tpu.vector_load %arg14[%swap3A_526] {strides = array<i32>} : memref<512xf32, #tpu.memory_space<vmem>>, vector<16xf32>,
    tpu.vector_store %arg14[%swap3A_526], %add3A_525 {strides = array<i32>} : memref<512xf32, #tpu.memory_space<vmem>>, vector<16xf32>,
    %get3A_528 = arith.constant 0 : i32
    %get3A_529 = arith.index_cast %get3A_528 : i32 to index
    %get3A_530 = arith.constant 192 : index
    %get3A_531 = tpu.vector_load %arg12[%get3A_529, %get3A_530] {strides = array<i32>} : memref<4x512xi32, #tpu.memory_space<vmem>>, vector<16xi32>,
    %gather3A_532 = tpu.vector_load_idx %arg13[%get3A_531] : memref<4128xf32, #tpu.memory_space<vmem>>[vector<16xi32>], vector<16xf32>,
    %get3A_533 = arith.constant 1 : i32
    %get3A_534 = arith.index_cast %get3A_533 : i32 to index
    %get3A_535 = arith.constant 192 : index
    %get3A_536 = tpu.vector_load %arg12[%get3A_534, %get3A_535] {strides = array<i32>} : memref<4x512xi32, #tpu.memory_space<vmem>>, vector<16xi32>,
    %add3A_537 = arith.constant 1000 : i32
    %add3A_538 = vector.broadcast %add3A_537 : i32 to vector<16xi32>
    %add3A_539 = arith.addi %get3A_536, %add3A_538 : vector<16xi32>
    %gather3A_540 = tpu.vector_load_idx %arg13[%add3A_539] : memref<4128xf32, #tpu.memory_space<vmem>>[vector<16xi32>], vector<16xf32>,
    %add3A_541 = arith.addf %gather3A_532, %gather3A_540 : vector<16xf32>
    %get3A_542 = arith.constant 2 : i32
    %get3A_543 = arith.index_cast %get3A_542 : i32 to index
    %get3A_544 = arith.constant 192 : index
    %get3A_545 = tpu.vector_load %arg12[%get3A_543, %get3A_544] {strides = array<i32>} : memref<4x512xi32, #tpu.memory_space<vmem>>, vector<16xi32>,
    %add3A_546 = arith.constant 2000 : i32
    %add3A_547 = vector.broadcast %add3A_546 : i32 to vector<16xi32>
    %add3A_548 = arith.addi %get3A_545, %add3A_547 : vector<16xi32>
    %gather3A_549 = tpu.vector_load_idx %arg13[%add3A_548] : memref<4128xf32, #tpu.memory_space<vmem>>[vector<16xi32>], vector<16xf32>,
    %add3A_550 = arith.addf %add3A_541, %gather3A_549 : vector<16xf32>
    %get3A_551 = arith.constant 3 : i32
    %get3A_552 = arith.index_cast %get3A_551 : i32 to index
    %get3A_553 = arith.constant 192 : index
    %get3A_554 = tpu.vector_load %arg12[%get3A_552, %get3A_553] {strides = array<i32>} : memref<4x512xi32, #tpu.memory_space<vmem>>, vector<16xi32>,
    %add3A_555 = arith.constant 3000 : i32
    %add3A_556 = vector.broadcast %add3A_555 : i32 to vector<16xi32>
    %add3A_557 = arith.addi %get3A_554, %add3A_556 : vector<16xi32>
    %gather3A_558 = tpu.vector_load_idx %arg13[%add3A_557] : memref<4128xf32, #tpu.memory_space<vmem>>[vector<16xi32>], vector<16xf32>,
    %add3A_559 = arith.addf %add3A_550, %gather3A_558 : vector<16xf32>
    %swap3A_560 = arith.constant 192 : index
    %swap3A_561 = tpu.vector_load %arg14[%swap3A_560] {strides = array<i32>} : memref<512xf32, #tpu.memory_space<vmem>>, vector<16xf32>,
    tpu.vector_store %arg14[%swap3A_560], %add3A_559 {strides = array<i32>} : memref<512xf32, #tpu.memory_space<vmem>>, vector<16xf32>,
    %get3A_562 = arith.constant 0 : i32
    %get3A_563 = arith.index_cast %get3A_562 : i32 to index
    %get3A_564 = arith.constant 208 : index
    %get3A_565 = tpu.vector_load %arg12[%get3A_563, %get3A_564] {strides = array<i32>} : memref<4x512xi32, #tpu.memory_space<vmem>>, vector<16xi32>,
    %gather3A_566 = tpu.vector_load_idx %arg13[%get3A_565] : memref<4128xf32, #tpu.memory_space<vmem>>[vector<16xi32>], vector<16xf32>,
    %get3A_567 = arith.constant 1 : i32
    %get3A_568 = arith.index_cast %get3A_567 : i32 to index
    %get3A_569 = arith.constant 208 : index
    %get3A_570 = tpu.vector_load %arg12[%get3A_568, %get3A_569] {strides = array<i32>} : memref<4x512xi32, #tpu.memory_space<vmem>>, vector<16xi32>,
    %add3A_571 = arith.constant 1000 : i32
    %add3A_572 = vector.broadcast %add3A_571 : i32 to vector<16xi32>
    %add3A_573 = arith.addi %get3A_570, %add3A_572 : vector<16xi32>
    %gather3A_574 = tpu.vector_load_idx %arg13[%add3A_573] : memref<4128xf32, #tpu.memory_space<vmem>>[vector<16xi32>], vector<16xf32>,
    %add3A_575 = arith.addf %gather3A_566, %gather3A_574 : vector<16xf32>
    %get3A_576 = arith.constant 2 : i32
    %get3A_577 = arith.index_cast %get3A_576 : i32 to index
    %get3A_578 = arith.constant 208 : index
    %get3A_579 = tpu.vector_load %arg12[%get3A_577, %get3A_578] {strides = array<i32>} : memref<4x512xi32, #tpu.memory_space<vmem>>, vector<16xi32>,
    %add3A_580 = arith.constant 2000 : i32
    %add3A_581 = vector.broadcast %add3A_580 : i32 to vector<16xi32>
    %add3A_582 = arith.addi %get3A_579, %add3A_581 : vector<16xi32>
    %gather3A_583 = tpu.vector_load_idx %arg13[%add3A_582] : memref<4128xf32, #tpu.memory_space<vmem>>[vector<16xi32>], vector<16xf32>,
    %add3A_584 = arith.addf %add3A_575, %gather3A_583 : vector<16xf32>
    %get3A_585 = arith.constant 3 : i32
    %get3A_586 = arith.index_cast %get3A_585 : i32 to index
    %get3A_587 = arith.constant 208 : index
    %get3A_588 = tpu.vector_load %arg12[%get3A_586, %get3A_587] {strides = array<i32>} : memref<4x512xi32, #tpu.memory_space<vmem>>, vector<16xi32>,
    %add3A_589 = arith.constant 3000 : i32
    %add3A_590 = vector.broadcast %add3A_589 : i32 to vector<16xi32>
    %add3A_591 = arith.addi %get3A_588, %add3A_590 : vector<16xi32>
    %gather3A_592 = tpu.vector_load_idx %arg13[%add3A_591] : memref<4128xf32, #tpu.memory_space<vmem>>[vector<16xi32>], vector<16xf32>,
    %add3A_593 = arith.addf %add3A_584, %gather3A_592 : vector<16xf32>
    %swap3A_594 = arith.constant 208 : index
    %swap3A_595 = tpu.vector_load %arg14[%swap3A_594] {strides = array<i32>} : memref<512xf32, #tpu.memory_space<vmem>>, vector<16xf32>,
    tpu.vector_store %arg14[%swap3A_594], %add3A_593 {strides = array<i32>} : memref<512xf32, #tpu.memory_space<vmem>>, vector<16xf32>,
    %get3A_596 = arith.constant 0 : i32
    %get3A_597 = arith.index_cast %get3A_596 : i32 to index
    %get3A_598 = arith.constant 224 : index
    %get3A_599 = tpu.vector_load %arg12[%get3A_597, %get3A_598] {strides = array<i32>} : memref<4x512xi32, #tpu.memory_space<vmem>>, vector<16xi32>,
    %gather3A_600 = tpu.vector_load_idx %arg13[%get3A_599] : memref<4128xf32, #tpu.memory_space<vmem>>[vector<16xi32>], vector<16xf32>,
    %get3A_601 = arith.constant 1 : i32
    %get3A_602 = arith.index_cast %get3A_601 : i32 to index
    %get3A_603 = arith.constant 224 : index
    %get3A_604 = tpu.vector_load %arg12[%get3A_602, %get3A_603] {strides = array<i32>} : memref<4x512xi32, #tpu.memory_space<vmem>>, vector<16xi32>,
    %add3A_605 = arith.constant 1000 : i32
    %add3A_606 = vector.broadcast %add3A_605 : i32 to vector<16xi32>
    %add3A_607 = arith.addi %get3A_604, %add3A_606 : vector<16xi32>
    %gather3A_608 = tpu.vector_load_idx %arg13[%add3A_607] : memref<4128xf32, #tpu.memory_space<vmem>>[vector<16xi32>], vector<16xf32>,
    %add3A_609 = arith.addf %gather3A_600, %gather3A_608 : vector<16xf32>
    %get3A_610 = arith.constant 2 : i32
    %get3A_611 = arith.index_cast %get3A_610 : i32 to index
    %get3A_612 = arith.constant 224 : index
    %get3A_613 = tpu.vector_load %arg12[%get3A_611, %get3A_612] {strides = array<i32>} : memref<4x512xi32, #tpu.memory_space<vmem>>, vector<16xi32>,
    %add3A_614 = arith.constant 2000 : i32
    %add3A_615 = vector.broadcast %add3A_614 : i32 to vector<16xi32>
    %add3A_616 = arith.addi %get3A_613, %add3A_615 : vector<16xi32>
    %gather3A_617 = tpu.vector_load_idx %arg13[%add3A_616] : memref<4128xf32, #tpu.memory_space<vmem>>[vector<16xi32>], vector<16xf32>,
    %add3A_618 = arith.addf %add3A_609, %gather3A_617 : vector<16xf32>
    %get3A_619 = arith.constant 3 : i32
    %get3A_620 = arith.index_cast %get3A_619 : i32 to index
    %get3A_621 = arith.constant 224 : index
    %get3A_622 = tpu.vector_load %arg12[%get3A_620, %get3A_621] {strides = array<i32>} : memref<4x512xi32, #tpu.memory_space<vmem>>, vector<16xi32>,
    %add3A_623 = arith.constant 3000 : i32
    %add3A_624 = vector.broadcast %add3A_623 : i32 to vector<16xi32>
    %add3A_625 = arith.addi %get3A_622, %add3A_624 : vector<16xi32>
    %gather3A_626 = tpu.vector_load_idx %arg13[%add3A_625] : memref<4128xf32, #tpu.memory_space<vmem>>[vector<16xi32>], vector<16xf32>,
    %add3A_627 = arith.addf %add3A_618, %gather3A_626 : vector<16xf32>
    %swap3A_628 = arith.constant 224 : index
    %swap3A_629 = tpu.vector_load %arg14[%swap3A_628] {strides = array<i32>} : memref<512xf32, #tpu.memory_space<vmem>>, vector<16xf32>,
    tpu.vector_store %arg14[%swap3A_628], %add3A_627 {strides = array<i32>} : memref<512xf32, #tpu.memory_space<vmem>>, vector<16xf32>,
    %get3A_630 = arith.constant 0 : i32
    %get3A_631 = arith.index_cast %get3A_630 : i32 to index
    %get3A_632 = arith.constant 240 : index
    %get3A_633 = tpu.vector_load %arg12[%get3A_631, %get3A_632] {strides = array<i32>} : memref<4x512xi32, #tpu.memory_space<vmem>>, vector<16xi32>,
    %gather3A_634 = tpu.vector_load_idx %arg13[%get3A_633] : memref<4128xf32, #tpu.memory_space<vmem>>[vector<16xi32>], vector<16xf32>,
    %get3A_635 = arith.constant 1 : i32
    %get3A_636 = arith.index_cast %get3A_635 : i32 to index
    %get3A_637 = arith.constant 240 : index
    %get3A_638 = tpu.vector_load %arg12[%get3A_636, %get3A_637] {strides = array<i32>} : memref<4x512xi32, #tpu.memory_space<vmem>>, vector<16xi32>,
    %add3A_639 = arith.constant 1000 : i32
    %add3A_640 = vector.broadcast %add3A_639 : i32 to vector<16xi32>
    %add3A_641 = arith.addi %get3A_638, %add3A_640 : vector<16xi32>
    %gather3A_642 = tpu.vector_load_idx %arg13[%add3A_641] : memref<4128xf32, #tpu.memory_space<vmem>>[vector<16xi32>], vector<16xf32>,
    %add3A_643 = arith.addf %gather3A_634, %gather3A_642 : vector<16xf32>
    %get3A_644 = arith.constant 2 : i32
    %get3A_645 = arith.index_cast %get3A_644 : i32 to index
    %get3A_646 = arith.constant 240 : index
    %get3A_647 = tpu.vector_load %arg12[%get3A_645, %get3A_646] {strides = array<i32>} : memref<4x512xi32, #tpu.memory_space<vmem>>, vector<16xi32>,
    %add3A_648 = arith.constant 2000 : i32
    %add3A_649 = vector.broadcast %add3A_648 : i32 to vector<16xi32>
    %add3A_650 = arith.addi %get3A_647, %add3A_649 : vector<16xi32>
    %gather3A_651 = tpu.vector_load_idx %arg13[%add3A_650] : memref<4128xf32, #tpu.memory_space<vmem>>[vector<16xi32>], vector<16xf32>,
    %add3A_652 = arith.addf %add3A_643, %gather3A_651 : vector<16xf32>
    %get3A_653 = arith.constant 3 : i32
    %get3A_654 = arith.index_cast %get3A_653 : i32 to index
    %get3A_655 = arith.constant 240 : index
    %get3A_656 = tpu.vector_load %arg12[%get3A_654, %get3A_655] {strides = array<i32>} : memref<4x512xi32, #tpu.memory_space<vmem>>, vector<16xi32>,
    %add3A_657 = arith.constant 3000 : i32
    %add3A_658 = vector.broadcast %add3A_657 : i32 to vector<16xi32>
    %add3A_659 = arith.addi %get3A_656, %add3A_658 : vector<16xi32>
    %gather3A_660 = tpu.vector_load_idx %arg13[%add3A_659] : memref<4128xf32, #tpu.memory_space<vmem>>[vector<16xi32>], vector<16xf32>,
    %add3A_661 = arith.addf %add3A_652, %gather3A_660 : vector<16xf32>
    %swap3A_662 = arith.constant 240 : index
    %swap3A_663 = tpu.vector_load %arg14[%swap3A_662] {strides = array<i32>} : memref<512xf32, #tpu.memory_space<vmem>>, vector<16xf32>,
    tpu.vector_store %arg14[%swap3A_662], %add3A_661 {strides = array<i32>} : memref<512xf32, #tpu.memory_space<vmem>>, vector<16xf32>,
    %get3A_664 = arith.constant 0 : i32
    %get3A_665 = arith.index_cast %get3A_664 : i32 to index
    %get3A_666 = arith.constant 256 : index
    %get3A_667 = tpu.vector_load %arg12[%get3A_665, %get3A_666] {strides = array<i32>} : memref<4x512xi32, #tpu.memory_space<vmem>>, vector<16xi32>,
    %gather3A_668 = tpu.vector_load_idx %arg13[%get3A_667] : memref<4128xf32, #tpu.memory_space<vmem>>[vector<16xi32>], vector<16xf32>,
    %get3A_669 = arith.constant 1 : i32
    %get3A_670 = arith.index_cast %get3A_669 : i32 to index
    %get3A_671 = arith.constant 256 : index
    %get3A_672 = tpu.vector_load %arg12[%get3A_670, %get3A_671] {strides = array<i32>} : memref<4x512xi32, #tpu.memory_space<vmem>>, vector<16xi32>,
    %add3A_673 = arith.constant 1000 : i32
    %add3A_674 = vector.broadcast %add3A_673 : i32 to vector<16xi32>
    %add3A_675 = arith.addi %get3A_672, %add3A_674 : vector<16xi32>
    %gather3A_676 = tpu.vector_load_idx %arg13[%add3A_675] : memref<4128xf32, #tpu.memory_space<vmem>>[vector<16xi32>], vector<16xf32>,
    %add3A_677 = arith.addf %gather3A_668, %gather3A_676 : vector<16xf32>
    %get3A_678 = arith.constant 2 : i32
    %get3A_679 = arith.index_cast %get3A_678 : i32 to index
    %get3A_680 = arith.constant 256 : index
    %get3A_681 = tpu.vector_load %arg12[%get3A_679, %get3A_680] {strides = array<i32>} : memref<4x512xi32, #tpu.memory_space<vmem>>, vector<16xi32>,
    %add3A_682 = arith.constant 2000 : i32
    %add3A_683 = vector.broadcast %add3A_682 : i32 to vector<16xi32>
    %add3A_684 = arith.addi %get3A_681, %add3A_683 : vector<16xi32>
    %gather3A_685 = tpu.vector_load_idx %arg13[%add3A_684] : memref<4128xf32, #tpu.memory_space<vmem>>[vector<16xi32>], vector<16xf32>,
    %add3A_686 = arith.addf %add3A_677, %gather3A_685 : vector<16xf32>
    %get3A_687 = arith.constant 3 : i32
    %get3A_688 = arith.index_cast %get3A_687 : i32 to index
    %get3A_689 = arith.constant 256 : index
    %get3A_690 = tpu.vector_load %arg12[%get3A_688, %get3A_689] {strides = array<i32>} : memref<4x512xi32, #tpu.memory_space<vmem>>, vector<16xi32>,
    %add3A_691 = arith.constant 3000 : i32
    %add3A_692 = vector.broadcast %add3A_691 : i32 to vector<16xi32>
    %add3A_693 = arith.addi %get3A_690, %add3A_692 : vector<16xi32>
    %gather3A_694 = tpu.vector_load_idx %arg13[%add3A_693] : memref<4128xf32, #tpu.memory_space<vmem>>[vector<16xi32>], vector<16xf32>,
    %add3A_695 = arith.addf %add3A_686, %gather3A_694 : vector<16xf32>
    %swap3A_696 = arith.constant 256 : index
    %swap3A_697 = tpu.vector_load %arg14[%swap3A_696] {strides = array<i32>} : memref<512xf32, #tpu.memory_space<vmem>>, vector<16xf32>,
    tpu.vector_store %arg14[%swap3A_696], %add3A_695 {strides = array<i32>} : memref<512xf32, #tpu.memory_space<vmem>>, vector<16xf32>,
    %get3A_698 = arith.constant 0 : i32
    %get3A_699 = arith.index_cast %get3A_698 : i32 to index
    %get3A_700 = arith.constant 272 : index
    %get3A_701 = tpu.vector_load %arg12[%get3A_699, %get3A_700] {strides = array<i32>} : memref<4x512xi32, #tpu.memory_space<vmem>>, vector<16xi32>,
    %gather3A_702 = tpu.vector_load_idx %arg13[%get3A_701] : memref<4128xf32, #tpu.memory_space<vmem>>[vector<16xi32>], vector<16xf32>,
    %get3A_703 = arith.constant 1 : i32
    %get3A_704 = arith.index_cast %get3A_703 : i32 to index
    %get3A_705 = arith.constant 272 : index
    %get3A_706 = tpu.vector_load %arg12[%get3A_704, %get3A_705] {strides = array<i32>} : memref<4x512xi32, #tpu.memory_space<vmem>>, vector<16xi32>,
    %add3A_707 = arith.constant 1000 : i32
    %add3A_708 = vector.broadcast %add3A_707 : i32 to vector<16xi32>
    %add3A_709 = arith.addi %get3A_706, %add3A_708 : vector<16xi32>
    %gather3A_710 = tpu.vector_load_idx %arg13[%add3A_709] : memref<4128xf32, #tpu.memory_space<vmem>>[vector<16xi32>], vector<16xf32>,
    %add3A_711 = arith.addf %gather3A_702, %gather3A_710 : vector<16xf32>
    %get3A_712 = arith.constant 2 : i32
    %get3A_713 = arith.index_cast %get3A_712 : i32 to index
    %get3A_714 = arith.constant 272 : index
    %get3A_715 = tpu.vector_load %arg12[%get3A_713, %get3A_714] {strides = array<i32>} : memref<4x512xi32, #tpu.memory_space<vmem>>, vector<16xi32>,
    %add3A_716 = arith.constant 2000 : i32
    %add3A_717 = vector.broadcast %add3A_716 : i32 to vector<16xi32>
    %add3A_718 = arith.addi %get3A_715, %add3A_717 : vector<16xi32>
    %gather3A_719 = tpu.vector_load_idx %arg13[%add3A_718] : memref<4128xf32, #tpu.memory_space<vmem>>[vector<16xi32>], vector<16xf32>,
    %add3A_720 = arith.addf %add3A_711, %gather3A_719 : vector<16xf32>
    %get3A_721 = arith.constant 3 : i32
    %get3A_722 = arith.index_cast %get3A_721 : i32 to index
    %get3A_723 = arith.constant 272 : index
    %get3A_724 = tpu.vector_load %arg12[%get3A_722, %get3A_723] {strides = array<i32>} : memref<4x512xi32, #tpu.memory_space<vmem>>, vector<16xi32>,
    %add3A_725 = arith.constant 3000 : i32
    %add3A_726 = vector.broadcast %add3A_725 : i32 to vector<16xi32>
    %add3A_727 = arith.addi %get3A_724, %add3A_726 : vector<16xi32>
    %gather3A_728 = tpu.vector_load_idx %arg13[%add3A_727] : memref<4128xf32, #tpu.memory_space<vmem>>[vector<16xi32>], vector<16xf32>,
    %add3A_729 = arith.addf %add3A_720, %gather3A_728 : vector<16xf32>
    %swap3A_730 = arith.constant 272 : index
    %swap3A_731 = tpu.vector_load %arg14[%swap3A_730] {strides = array<i32>} : memref<512xf32, #tpu.memory_space<vmem>>, vector<16xf32>,
    tpu.vector_store %arg14[%swap3A_730], %add3A_729 {strides = array<i32>} : memref<512xf32, #tpu.memory_space<vmem>>, vector<16xf32>,
    %get3A_732 = arith.constant 0 : i32
    %get3A_733 = arith.index_cast %get3A_732 : i32 to index
    %get3A_734 = arith.constant 288 : index
    %get3A_735 = tpu.vector_load %arg12[%get3A_733, %get3A_734] {strides = array<i32>} : memref<4x512xi32, #tpu.memory_space<vmem>>, vector<16xi32>,
    %gather3A_736 = tpu.vector_load_idx %arg13[%get3A_735] : memref<4128xf32, #tpu.memory_space<vmem>>[vector<16xi32>], vector<16xf32>,
    %get3A_737 = arith.constant 1 : i32
    %get3A_738 = arith.index_cast %get3A_737 : i32 to index
    %get3A_739 = arith.constant 288 : index
    %get3A_740 = tpu.vector_load %arg12[%get3A_738, %get3A_739] {strides = array<i32>} : memref<4x512xi32, #tpu.memory_space<vmem>>, vector<16xi32>,
    %add3A_741 = arith.constant 1000 : i32
    %add3A_742 = vector.broadcast %add3A_741 : i32 to vector<16xi32>
    %add3A_743 = arith.addi %get3A_740, %add3A_742 : vector<16xi32>
    %gather3A_744 = tpu.vector_load_idx %arg13[%add3A_743] : memref<4128xf32, #tpu.memory_space<vmem>>[vector<16xi32>], vector<16xf32>,
    %add3A_745 = arith.addf %gather3A_736, %gather3A_744 : vector<16xf32>
    %get3A_746 = arith.constant 2 : i32
    %get3A_747 = arith.index_cast %get3A_746 : i32 to index
    %get3A_748 = arith.constant 288 : index
    %get3A_749 = tpu.vector_load %arg12[%get3A_747, %get3A_748] {strides = array<i32>} : memref<4x512xi32, #tpu.memory_space<vmem>>, vector<16xi32>,
    %add3A_750 = arith.constant 2000 : i32
    %add3A_751 = vector.broadcast %add3A_750 : i32 to vector<16xi32>
    %add3A_752 = arith.addi %get3A_749, %add3A_751 : vector<16xi32>
    %gather3A_753 = tpu.vector_load_idx %arg13[%add3A_752] : memref<4128xf32, #tpu.memory_space<vmem>>[vector<16xi32>], vector<16xf32>,
    %add3A_754 = arith.addf %add3A_745, %gather3A_753 : vector<16xf32>
    %get3A_755 = arith.constant 3 : i32
    %get3A_756 = arith.index_cast %get3A_755 : i32 to index
    %get3A_757 = arith.constant 288 : index
    %get3A_758 = tpu.vector_load %arg12[%get3A_756, %get3A_757] {strides = array<i32>} : memref<4x512xi32, #tpu.memory_space<vmem>>, vector<16xi32>,
    %add3A_759 = arith.constant 3000 : i32
    %add3A_760 = vector.broadcast %add3A_759 : i32 to vector<16xi32>
    %add3A_761 = arith.addi %get3A_758, %add3A_760 : vector<16xi32>
    %gather3A_762 = tpu.vector_load_idx %arg13[%add3A_761] : memref<4128xf32, #tpu.memory_space<vmem>>[vector<16xi32>], vector<16xf32>,
    %add3A_763 = arith.addf %add3A_754, %gather3A_762 : vector<16xf32>
    %swap3A_764 = arith.constant 288 : index
    %swap3A_765 = tpu.vector_load %arg14[%swap3A_764] {strides = array<i32>} : memref<512xf32, #tpu.memory_space<vmem>>, vector<16xf32>,
    tpu.vector_store %arg14[%swap3A_764], %add3A_763 {strides = array<i32>} : memref<512xf32, #tpu.memory_space<vmem>>, vector<16xf32>,
    %get3A_766 = arith.constant 0 : i32
    %get3A_767 = arith.index_cast %get3A_766 : i32 to index
    %get3A_768 = arith.constant 304 : index
    %get3A_769 = tpu.vector_load %arg12[%get3A_767, %get3A_768] {strides = array<i32>} : memref<4x512xi32, #tpu.memory_space<vmem>>, vector<16xi32>,
    %gather3A_770 = tpu.vector_load_idx %arg13[%get3A_769] : memref<4128xf32, #tpu.memory_space<vmem>>[vector<16xi32>], vector<16xf32>,
    %get3A_771 = arith.constant 1 : i32
    %get3A_772 = arith.index_cast %get3A_771 : i32 to index
    %get3A_773 = arith.constant 304 : index
    %get3A_774 = tpu.vector_load %arg12[%get3A_772, %get3A_773] {strides = array<i32>} : memref<4x512xi32, #tpu.memory_space<vmem>>, vector<16xi32>,
    %add3A_775 = arith.constant 1000 : i32
    %add3A_776 = vector.broadcast %add3A_775 : i32 to vector<16xi32>
    %add3A_777 = arith.addi %get3A_774, %add3A_776 : vector<16xi32>
    %gather3A_778 = tpu.vector_load_idx %arg13[%add3A_777] : memref<4128xf32, #tpu.memory_space<vmem>>[vector<16xi32>], vector<16xf32>,
    %add3A_779 = arith.addf %gather3A_770, %gather3A_778 : vector<16xf32>
    %get3A_780 = arith.constant 2 : i32
    %get3A_781 = arith.index_cast %get3A_780 : i32 to index
    %get3A_782 = arith.constant 304 : index
    %get3A_783 = tpu.vector_load %arg12[%get3A_781, %get3A_782] {strides = array<i32>} : memref<4x512xi32, #tpu.memory_space<vmem>>, vector<16xi32>,
    %add3A_784 = arith.constant 2000 : i32
    %add3A_785 = vector.broadcast %add3A_784 : i32 to vector<16xi32>
    %add3A_786 = arith.addi %get3A_783, %add3A_785 : vector<16xi32>
    %gather3A_787 = tpu.vector_load_idx %arg13[%add3A_786] : memref<4128xf32, #tpu.memory_space<vmem>>[vector<16xi32>], vector<16xf32>,
    %add3A_788 = arith.addf %add3A_779, %gather3A_787 : vector<16xf32>
    %get3A_789 = arith.constant 3 : i32
    %get3A_790 = arith.index_cast %get3A_789 : i32 to index
    %get3A_791 = arith.constant 304 : index
    %get3A_792 = tpu.vector_load %arg12[%get3A_790, %get3A_791] {strides = array<i32>} : memref<4x512xi32, #tpu.memory_space<vmem>>, vector<16xi32>,
    %add3A_793 = arith.constant 3000 : i32
    %add3A_794 = vector.broadcast %add3A_793 : i32 to vector<16xi32>
    %add3A_795 = arith.addi %get3A_792, %add3A_794 : vector<16xi32>
    %gather3A_796 = tpu.vector_load_idx %arg13[%add3A_795] : memref<4128xf32, #tpu.memory_space<vmem>>[vector<16xi32>], vector<16xf32>,
    %add3A_797 = arith.addf %add3A_788, %gather3A_796 : vector<16xf32>
    %swap3A_798 = arith.constant 304 : index
    %swap3A_799 = tpu.vector_load %arg14[%swap3A_798] {strides = array<i32>} : memref<512xf32, #tpu.memory_space<vmem>>, vector<16xf32>,
    tpu.vector_store %arg14[%swap3A_798], %add3A_797 {strides = array<i32>} : memref<512xf32, #tpu.memory_space<vmem>>, vector<16xf32>,
    %get3A_800 = arith.constant 0 : i32
    %get3A_801 = arith.index_cast %get3A_800 : i32 to index
    %get3A_802 = arith.constant 320 : index
    %get3A_803 = tpu.vector_load %arg12[%get3A_801, %get3A_802] {strides = array<i32>} : memref<4x512xi32, #tpu.memory_space<vmem>>, vector<16xi32>,
    %gather3A_804 = tpu.vector_load_idx %arg13[%get3A_803] : memref<4128xf32, #tpu.memory_space<vmem>>[vector<16xi32>], vector<16xf32>,
    %get3A_805 = arith.constant 1 : i32
    %get3A_806 = arith.index_cast %get3A_805 : i32 to index
    %get3A_807 = arith.constant 320 : index
    %get3A_808 = tpu.vector_load %arg12[%get3A_806, %get3A_807] {strides = array<i32>} : memref<4x512xi32, #tpu.memory_space<vmem>>, vector<16xi32>,
    %add3A_809 = arith.constant 1000 : i32
    %add3A_810 = vector.broadcast %add3A_809 : i32 to vector<16xi32>
    %add3A_811 = arith.addi %get3A_808, %add3A_810 : vector<16xi32>
    %gather3A_812 = tpu.vector_load_idx %arg13[%add3A_811] : memref<4128xf32, #tpu.memory_space<vmem>>[vector<16xi32>], vector<16xf32>,
    %add3A_813 = arith.addf %gather3A_804, %gather3A_812 : vector<16xf32>
    %get3A_814 = arith.constant 2 : i32
    %get3A_815 = arith.index_cast %get3A_814 : i32 to index
    %get3A_816 = arith.constant 320 : index
    %get3A_817 = tpu.vector_load %arg12[%get3A_815, %get3A_816] {strides = array<i32>} : memref<4x512xi32, #tpu.memory_space<vmem>>, vector<16xi32>,
    %add3A_818 = arith.constant 2000 : i32
    %add3A_819 = vector.broadcast %add3A_818 : i32 to vector<16xi32>
    %add3A_820 = arith.addi %get3A_817, %add3A_819 : vector<16xi32>
    %gather3A_821 = tpu.vector_load_idx %arg13[%add3A_820] : memref<4128xf32, #tpu.memory_space<vmem>>[vector<16xi32>], vector<16xf32>,
    %add3A_822 = arith.addf %add3A_813, %gather3A_821 : vector<16xf32>
    %get3A_823 = arith.constant 3 : i32
    %get3A_824 = arith.index_cast %get3A_823 : i32 to index
    %get3A_825 = arith.constant 320 : index
    %get3A_826 = tpu.vector_load %arg12[%get3A_824, %get3A_825] {strides = array<i32>} : memref<4x512xi32, #tpu.memory_space<vmem>>, vector<16xi32>,
    %add3A_827 = arith.constant 3000 : i32
    %add3A_828 = vector.broadcast %add3A_827 : i32 to vector<16xi32>
    %add3A_829 = arith.addi %get3A_826, %add3A_828 : vector<16xi32>
    %gather3A_830 = tpu.vector_load_idx %arg13[%add3A_829] : memref<4128xf32, #tpu.memory_space<vmem>>[vector<16xi32>], vector<16xf32>,
    %add3A_831 = arith.addf %add3A_822, %gather3A_830 : vector<16xf32>
    %swap3A_832 = arith.constant 320 : index
    %swap3A_833 = tpu.vector_load %arg14[%swap3A_832] {strides = array<i32>} : memref<512xf32, #tpu.memory_space<vmem>>, vector<16xf32>,
    tpu.vector_store %arg14[%swap3A_832], %add3A_831 {strides = array<i32>} : memref<512xf32, #tpu.memory_space<vmem>>, vector<16xf32>,
    %get3A_834 = arith.constant 0 : i32
    %get3A_835 = arith.index_cast %get3A_834 : i32 to index
    %get3A_836 = arith.constant 336 : index
    %get3A_837 = tpu.vector_load %arg12[%get3A_835, %get3A_836] {strides = array<i32>} : memref<4x512xi32, #tpu.memory_space<vmem>>, vector<16xi32>,
    %gather3A_838 = tpu.vector_load_idx %arg13[%get3A_837] : memref<4128xf32, #tpu.memory_space<vmem>>[vector<16xi32>], vector<16xf32>,
    %get3A_839 = arith.constant 1 : i32
    %get3A_840 = arith.index_cast %get3A_839 : i32 to index
    %get3A_841 = arith.constant 336 : index
    %get3A_842 = tpu.vector_load %arg12[%get3A_840, %get3A_841] {strides = array<i32>} : memref<4x512xi32, #tpu.memory_space<vmem>>, vector<16xi32>,
    %add3A_843 = arith.constant 1000 : i32
    %add3A_844 = vector.broadcast %add3A_843 : i32 to vector<16xi32>
    %add3A_845 = arith.addi %get3A_842, %add3A_844 : vector<16xi32>
    %gather3A_846 = tpu.vector_load_idx %arg13[%add3A_845] : memref<4128xf32, #tpu.memory_space<vmem>>[vector<16xi32>], vector<16xf32>,
    %add3A_847 = arith.addf %gather3A_838, %gather3A_846 : vector<16xf32>
    %get3A_848 = arith.constant 2 : i32
    %get3A_849 = arith.index_cast %get3A_848 : i32 to index
    %get3A_850 = arith.constant 336 : index
    %get3A_851 = tpu.vector_load %arg12[%get3A_849, %get3A_850] {strides = array<i32>} : memref<4x512xi32, #tpu.memory_space<vmem>>, vector<16xi32>,
    %add3A_852 = arith.constant 2000 : i32
    %add3A_853 = vector.broadcast %add3A_852 : i32 to vector<16xi32>
    %add3A_854 = arith.addi %get3A_851, %add3A_853 : vector<16xi32>
    %gather3A_855 = tpu.vector_load_idx %arg13[%add3A_854] : memref<4128xf32, #tpu.memory_space<vmem>>[vector<16xi32>], vector<16xf32>,
    %add3A_856 = arith.addf %add3A_847, %gather3A_855 : vector<16xf32>
    %get3A_857 = arith.constant 3 : i32
    %get3A_858 = arith.index_cast %get3A_857 : i32 to index
    %get3A_859 = arith.constant 336 : index
    %get3A_860 = tpu.vector_load %arg12[%get3A_858, %get3A_859] {strides = array<i32>} : memref<4x512xi32, #tpu.memory_space<vmem>>, vector<16xi32>,
    %add3A_861 = arith.constant 3000 : i32
    %add3A_862 = vector.broadcast %add3A_861 : i32 to vector<16xi32>
    %add3A_863 = arith.addi %get3A_860, %add3A_862 : vector<16xi32>
    %gather3A_864 = tpu.vector_load_idx %arg13[%add3A_863] : memref<4128xf32, #tpu.memory_space<vmem>>[vector<16xi32>], vector<16xf32>,
    %add3A_865 = arith.addf %add3A_856, %gather3A_864 : vector<16xf32>
    %swap3A_866 = arith.constant 336 : index
    %swap3A_867 = tpu.vector_load %arg14[%swap3A_866] {strides = array<i32>} : memref<512xf32, #tpu.memory_space<vmem>>, vector<16xf32>,
    tpu.vector_store %arg14[%swap3A_866], %add3A_865 {strides = array<i32>} : memref<512xf32, #tpu.memory_space<vmem>>, vector<16xf32>,
    %get3A_868 = arith.constant 0 : i32
    %get3A_869 = arith.index_cast %get3A_868 : i32 to index
    %get3A_870 = arith.constant 352 : index
    %get3A_871 = tpu.vector_load %arg12[%get3A_869, %get3A_870] {strides = array<i32>} : memref<4x512xi32, #tpu.memory_space<vmem>>, vector<16xi32>,
    %gather3A_872 = tpu.vector_load_idx %arg13[%get3A_871] : memref<4128xf32, #tpu.memory_space<vmem>>[vector<16xi32>], vector<16xf32>,
    %get3A_873 = arith.constant 1 : i32
    %get3A_874 = arith.index_cast %get3A_873 : i32 to index
    %get3A_875 = arith.constant 352 : index
    %get3A_876 = tpu.vector_load %arg12[%get3A_874, %get3A_875] {strides = array<i32>} : memref<4x512xi32, #tpu.memory_space<vmem>>, vector<16xi32>,
    %add3A_877 = arith.constant 1000 : i32
    %add3A_878 = vector.broadcast %add3A_877 : i32 to vector<16xi32>
    %add3A_879 = arith.addi %get3A_876, %add3A_878 : vector<16xi32>
    %gather3A_880 = tpu.vector_load_idx %arg13[%add3A_879] : memref<4128xf32, #tpu.memory_space<vmem>>[vector<16xi32>], vector<16xf32>,
    %add3A_881 = arith.addf %gather3A_872, %gather3A_880 : vector<16xf32>
    %get3A_882 = arith.constant 2 : i32
    %get3A_883 = arith.index_cast %get3A_882 : i32 to index
    %get3A_884 = arith.constant 352 : index
    %get3A_885 = tpu.vector_load %arg12[%get3A_883, %get3A_884] {strides = array<i32>} : memref<4x512xi32, #tpu.memory_space<vmem>>, vector<16xi32>,
    %add3A_886 = arith.constant 2000 : i32
    %add3A_887 = vector.broadcast %add3A_886 : i32 to vector<16xi32>
    %add3A_888 = arith.addi %get3A_885, %add3A_887 : vector<16xi32>
    %gather3A_889 = tpu.vector_load_idx %arg13[%add3A_888] : memref<4128xf32, #tpu.memory_space<vmem>>[vector<16xi32>], vector<16xf32>,
    %add3A_890 = arith.addf %add3A_881, %gather3A_889 : vector<16xf32>
    %get3A_891 = arith.constant 3 : i32
    %get3A_892 = arith.index_cast %get3A_891 : i32 to index
    %get3A_893 = arith.constant 352 : index
    %get3A_894 = tpu.vector_load %arg12[%get3A_892, %get3A_893] {strides = array<i32>} : memref<4x512xi32, #tpu.memory_space<vmem>>, vector<16xi32>,
    %add3A_895 = arith.constant 3000 : i32
    %add3A_896 = vector.broadcast %add3A_895 : i32 to vector<16xi32>
    %add3A_897 = arith.addi %get3A_894, %add3A_896 : vector<16xi32>
    %gather3A_898 = tpu.vector_load_idx %arg13[%add3A_897] : memref<4128xf32, #tpu.memory_space<vmem>>[vector<16xi32>], vector<16xf32>,
    %add3A_899 = arith.addf %add3A_890, %gather3A_898 : vector<16xf32>
    %swap3A_900 = arith.constant 352 : index
    %swap3A_901 = tpu.vector_load %arg14[%swap3A_900] {strides = array<i32>} : memref<512xf32, #tpu.memory_space<vmem>>, vector<16xf32>,
    tpu.vector_store %arg14[%swap3A_900], %add3A_899 {strides = array<i32>} : memref<512xf32, #tpu.memory_space<vmem>>, vector<16xf32>,
    %get3A_902 = arith.constant 0 : i32
    %get3A_903 = arith.index_cast %get3A_902 : i32 to index
    %get3A_904 = arith.constant 368 : index
    %get3A_905 = tpu.vector_load %arg12[%get3A_903, %get3A_904] {strides = array<i32>} : memref<4x512xi32, #tpu.memory_space<vmem>>, vector<16xi32>,
    %gather3A_906 = tpu.vector_load_idx %arg13[%get3A_905] : memref<4128xf32, #tpu.memory_space<vmem>>[vector<16xi32>], vector<16xf32>,
    %get3A_907 = arith.constant 1 : i32
    %get3A_908 = arith.index_cast %get3A_907 : i32 to index
    %get3A_909 = arith.constant 368 : index
    %get3A_910 = tpu.vector_load %arg12[%get3A_908, %get3A_909] {strides = array<i32>} : memref<4x512xi32, #tpu.memory_space<vmem>>, vector<16xi32>,
    %add3A_911 = arith.constant 1000 : i32
    %add3A_912 = vector.broadcast %add3A_911 : i32 to vector<16xi32>
    %add3A_913 = arith.addi %get3A_910, %add3A_912 : vector<16xi32>
    %gather3A_914 = tpu.vector_load_idx %arg13[%add3A_913] : memref<4128xf32, #tpu.memory_space<vmem>>[vector<16xi32>], vector<16xf32>,
    %add3A_915 = arith.addf %gather3A_906, %gather3A_914 : vector<16xf32>
    %get3A_916 = arith.constant 2 : i32
    %get3A_917 = arith.index_cast %get3A_916 : i32 to index
    %get3A_918 = arith.constant 368 : index
    %get3A_919 = tpu.vector_load %arg12[%get3A_917, %get3A_918] {strides = array<i32>} : memref<4x512xi32, #tpu.memory_space<vmem>>, vector<16xi32>,
    %add3A_920 = arith.constant 2000 : i32
    %add3A_921 = vector.broadcast %add3A_920 : i32 to vector<16xi32>
    %add3A_922 = arith.addi %get3A_919, %add3A_921 : vector<16xi32>
    %gather3A_923 = tpu.vector_load_idx %arg13[%add3A_922] : memref<4128xf32, #tpu.memory_space<vmem>>[vector<16xi32>], vector<16xf32>,
    %add3A_924 = arith.addf %add3A_915, %gather3A_923 : vector<16xf32>
    %get3A_925 = arith.constant 3 : i32
    %get3A_926 = arith.index_cast %get3A_925 : i32 to index
    %get3A_927 = arith.constant 368 : index
    %get3A_928 = tpu.vector_load %arg12[%get3A_926, %get3A_927] {strides = array<i32>} : memref<4x512xi32, #tpu.memory_space<vmem>>, vector<16xi32>,
    %add3A_929 = arith.constant 3000 : i32
    %add3A_930 = vector.broadcast %add3A_929 : i32 to vector<16xi32>
    %add3A_931 = arith.addi %get3A_928, %add3A_930 : vector<16xi32>
    %gather3A_932 = tpu.vector_load_idx %arg13[%add3A_931] : memref<4128xf32, #tpu.memory_space<vmem>>[vector<16xi32>], vector<16xf32>,
    %add3A_933 = arith.addf %add3A_924, %gather3A_932 : vector<16xf32>
    %swap3A_934 = arith.constant 368 : index
    %swap3A_935 = tpu.vector_load %arg14[%swap3A_934] {strides = array<i32>} : memref<512xf32, #tpu.memory_space<vmem>>, vector<16xf32>,
    tpu.vector_store %arg14[%swap3A_934], %add3A_933 {strides = array<i32>} : memref<512xf32, #tpu.memory_space<vmem>>, vector<16xf32>,
    %get3A_936 = arith.constant 0 : i32
    %get3A_937 = arith.index_cast %get3A_936 : i32 to index
    %get3A_938 = arith.constant 384 : index
    %get3A_939 = tpu.vector_load %arg12[%get3A_937, %get3A_938] {strides = array<i32>} : memref<4x512xi32, #tpu.memory_space<vmem>>, vector<16xi32>,
    %gather3A_940 = tpu.vector_load_idx %arg13[%get3A_939] : memref<4128xf32, #tpu.memory_space<vmem>>[vector<16xi32>], vector<16xf32>,
    %get3A_941 = arith.constant 1 : i32
    %get3A_942 = arith.index_cast %get3A_941 : i32 to index
    %get3A_943 = arith.constant 384 : index
    %get3A_944 = tpu.vector_load %arg12[%get3A_942, %get3A_943] {strides = array<i32>} : memref<4x512xi32, #tpu.memory_space<vmem>>, vector<16xi32>,
    %add3A_945 = arith.constant 1000 : i32
    %add3A_946 = vector.broadcast %add3A_945 : i32 to vector<16xi32>
    %add3A_947 = arith.addi %get3A_944, %add3A_946 : vector<16xi32>
    %gather3A_948 = tpu.vector_load_idx %arg13[%add3A_947] : memref<4128xf32, #tpu.memory_space<vmem>>[vector<16xi32>], vector<16xf32>,
    %add3A_949 = arith.addf %gather3A_940, %gather3A_948 : vector<16xf32>
    %get3A_950 = arith.constant 2 : i32
    %get3A_951 = arith.index_cast %get3A_950 : i32 to index
    %get3A_952 = arith.constant 384 : index
    %get3A_953 = tpu.vector_load %arg12[%get3A_951, %get3A_952] {strides = array<i32>} : memref<4x512xi32, #tpu.memory_space<vmem>>, vector<16xi32>,
    %add3A_954 = arith.constant 2000 : i32
    %add3A_955 = vector.broadcast %add3A_954 : i32 to vector<16xi32>
    %add3A_956 = arith.addi %get3A_953, %add3A_955 : vector<16xi32>
    %gather3A_957 = tpu.vector_load_idx %arg13[%add3A_956] : memref<4128xf32, #tpu.memory_space<vmem>>[vector<16xi32>], vector<16xf32>,
    %add3A_958 = arith.addf %add3A_949, %gather3A_957 : vector<16xf32>
    %get3A_959 = arith.constant 3 : i32
    %get3A_960 = arith.index_cast %get3A_959 : i32 to index
    %get3A_961 = arith.constant 384 : index
    %get3A_962 = tpu.vector_load %arg12[%get3A_960, %get3A_961] {strides = array<i32>} : memref<4x512xi32, #tpu.memory_space<vmem>>, vector<16xi32>,
    %add3A_963 = arith.constant 3000 : i32
    %add3A_964 = vector.broadcast %add3A_963 : i32 to vector<16xi32>
    %add3A_965 = arith.addi %get3A_962, %add3A_964 : vector<16xi32>
    %gather3A_966 = tpu.vector_load_idx %arg13[%add3A_965] : memref<4128xf32, #tpu.memory_space<vmem>>[vector<16xi32>], vector<16xf32>,
    %add3A_967 = arith.addf %add3A_958, %gather3A_966 : vector<16xf32>
    %swap3A_968 = arith.constant 384 : index
    %swap3A_969 = tpu.vector_load %arg14[%swap3A_968] {strides = array<i32>} : memref<512xf32, #tpu.memory_space<vmem>>, vector<16xf32>,
    tpu.vector_store %arg14[%swap3A_968], %add3A_967 {strides = array<i32>} : memref<512xf32, #tpu.memory_space<vmem>>, vector<16xf32>,
    %get3A_970 = arith.constant 0 : i32
    %get3A_971 = arith.index_cast %get3A_970 : i32 to index
    %get3A_972 = arith.constant 400 : index
    %get3A_973 = tpu.vector_load %arg12[%get3A_971, %get3A_972] {strides = array<i32>} : memref<4x512xi32, #tpu.memory_space<vmem>>, vector<16xi32>,
    %gather3A_974 = tpu.vector_load_idx %arg13[%get3A_973] : memref<4128xf32, #tpu.memory_space<vmem>>[vector<16xi32>], vector<16xf32>,
    %get3A_975 = arith.constant 1 : i32
    %get3A_976 = arith.index_cast %get3A_975 : i32 to index
    %get3A_977 = arith.constant 400 : index
    %get3A_978 = tpu.vector_load %arg12[%get3A_976, %get3A_977] {strides = array<i32>} : memref<4x512xi32, #tpu.memory_space<vmem>>, vector<16xi32>,
    %add3A_979 = arith.constant 1000 : i32
    %add3A_980 = vector.broadcast %add3A_979 : i32 to vector<16xi32>
    %add3A_981 = arith.addi %get3A_978, %add3A_980 : vector<16xi32>
    %gather3A_982 = tpu.vector_load_idx %arg13[%add3A_981] : memref<4128xf32, #tpu.memory_space<vmem>>[vector<16xi32>], vector<16xf32>,
    %add3A_983 = arith.addf %gather3A_974, %gather3A_982 : vector<16xf32>
    %get3A_984 = arith.constant 2 : i32
    %get3A_985 = arith.index_cast %get3A_984 : i32 to index
    %get3A_986 = arith.constant 400 : index
    %get3A_987 = tpu.vector_load %arg12[%get3A_985, %get3A_986] {strides = array<i32>} : memref<4x512xi32, #tpu.memory_space<vmem>>, vector<16xi32>,
    %add3A_988 = arith.constant 2000 : i32
    %add3A_989 = vector.broadcast %add3A_988 : i32 to vector<16xi32>
    %add3A_990 = arith.addi %get3A_987, %add3A_989 : vector<16xi32>
    %gather3A_991 = tpu.vector_load_idx %arg13[%add3A_990] : memref<4128xf32, #tpu.memory_space<vmem>>[vector<16xi32>], vector<16xf32>,
    %add3A_992 = arith.addf %add3A_983, %gather3A_991 : vector<16xf32>
    %get3A_993 = arith.constant 3 : i32
    %get3A_994 = arith.index_cast %get3A_993 : i32 to index
    %get3A_995 = arith.constant 400 : index
    %get3A_996 = tpu.vector_load %arg12[%get3A_994, %get3A_995] {strides = array<i32>} : memref<4x512xi32, #tpu.memory_space<vmem>>, vector<16xi32>,
    %add3A_997 = arith.constant 3000 : i32
    %add3A_998 = vector.broadcast %add3A_997 : i32 to vector<16xi32>
    %add3A_999 = arith.addi %get3A_996, %add3A_998 : vector<16xi32>
    %gather3A_1000 = tpu.vector_load_idx %arg13[%add3A_999] : memref<4128xf32, #tpu.memory_space<vmem>>[vector<16xi32>], vector<16xf32>,
    %add3A_1001 = arith.addf %add3A_992, %gather3A_1000 : vector<16xf32>
    %swap3A_1002 = arith.constant 400 : index
    %swap3A_1003 = tpu.vector_load %arg14[%swap3A_1002] {strides = array<i32>} : memref<512xf32, #tpu.memory_space<vmem>>, vector<16xf32>,
    tpu.vector_store %arg14[%swap3A_1002], %add3A_1001 {strides = array<i32>} : memref<512xf32, #tpu.memory_space<vmem>>, vector<16xf32>,
    %get3A_1004 = arith.constant 0 : i32
    %get3A_1005 = arith.index_cast %get3A_1004 : i32 to index
    %get3A_1006 = arith.constant 416 : index
    %get3A_1007 = tpu.vector_load %arg12[%get3A_1005, %get3A_1006] {strides = array<i32>} : memref<4x512xi32, #tpu.memory_space<vmem>>, vector<16xi32>,
    %gather3A_1008 = tpu.vector_load_idx %arg13[%get3A_1007] : memref<4128xf32, #tpu.memory_space<vmem>>[vector<16xi32>], vector<16xf32>,
    %get3A_1009 = arith.constant 1 : i32
    %get3A_1010 = arith.index_cast %get3A_1009 : i32 to index
    %get3A_1011 = arith.constant 416 : index
    %get3A_1012 = tpu.vector_load %arg12[%get3A_1010, %get3A_1011] {strides = array<i32>} : memref<4x512xi32, #tpu.memory_space<vmem>>, vector<16xi32>,
    %add3A_1013 = arith.constant 1000 : i32
    %add3A_1014 = vector.broadcast %add3A_1013 : i32 to vector<16xi32>
    %add3A_1015 = arith.addi %get3A_1012, %add3A_1014 : vector<16xi32>
    %gather3A_1016 = tpu.vector_load_idx %arg13[%add3A_1015] : memref<4128xf32, #tpu.memory_space<vmem>>[vector<16xi32>], vector<16xf32>,
    %add3A_1017 = arith.addf %gather3A_1008, %gather3A_1016 : vector<16xf32>
    %get3A_1018 = arith.constant 2 : i32
    %get3A_1019 = arith.index_cast %get3A_1018 : i32 to index
    %get3A_1020 = arith.constant 416 : index
    %get3A_1021 = tpu.vector_load %arg12[%get3A_1019, %get3A_1020] {strides = array<i32>} : memref<4x512xi32, #tpu.memory_space<vmem>>, vector<16xi32>,
    %add3A_1022 = arith.constant 2000 : i32
    %add3A_1023 = vector.broadcast %add3A_1022 : i32 to vector<16xi32>
    %add3A_1024 = arith.addi %get3A_1021, %add3A_1023 : vector<16xi32>
    %gather3A_1025 = tpu.vector_load_idx %arg13[%add3A_1024] : memref<4128xf32, #tpu.memory_space<vmem>>[vector<16xi32>], vector<16xf32>,
    %add3A_1026 = arith.addf %add3A_1017, %gather3A_1025 : vector<16xf32>
    %get3A_1027 = arith.constant 3 : i32
    %get3A_1028 = arith.index_cast %get3A_1027 : i32 to index
    %get3A_1029 = arith.constant 416 : index
    %get3A_1030 = tpu.vector_load %arg12[%get3A_1028, %get3A_1029] {strides = array<i32>} : memref<4x512xi32, #tpu.memory_space<vmem>>, vector<16xi32>,
    %add3A_1031 = arith.constant 3000 : i32
    %add3A_1032 = vector.broadcast %add3A_1031 : i32 to vector<16xi32>
    %add3A_1033 = arith.addi %get3A_1030, %add3A_1032 : vector<16xi32>
    %gather3A_1034 = tpu.vector_load_idx %arg13[%add3A_1033] : memref<4128xf32, #tpu.memory_space<vmem>>[vector<16xi32>], vector<16xf32>,
    %add3A_1035 = arith.addf %add3A_1026, %gather3A_1034 : vector<16xf32>
    %swap3A_1036 = arith.constant 416 : index
    %swap3A_1037 = tpu.vector_load %arg14[%swap3A_1036] {strides = array<i32>} : memref<512xf32, #tpu.memory_space<vmem>>, vector<16xf32>,
    tpu.vector_store %arg14[%swap3A_1036], %add3A_1035 {strides = array<i32>} : memref<512xf32, #tpu.memory_space<vmem>>, vector<16xf32>,
    %get3A_1038 = arith.constant 0 : i32
    %get3A_1039 = arith.index_cast %get3A_1038 : i32 to index
    %get3A_1040 = arith.constant 432 : index
    %get3A_1041 = tpu.vector_load %arg12[%get3A_1039, %get3A_1040] {strides = array<i32>} : memref<4x512xi32, #tpu.memory_space<vmem>>, vector<16xi32>,
    %gather3A_1042 = tpu.vector_load_idx %arg13[%get3A_1041] : memref<4128xf32, #tpu.memory_space<vmem>>[vector<16xi32>], vector<16xf32>,
    %get3A_1043 = arith.constant 1 : i32
    %get3A_1044 = arith.index_cast %get3A_1043 : i32 to index
    %get3A_1045 = arith.constant 432 : index
    %get3A_1046 = tpu.vector_load %arg12[%get3A_1044, %get3A_1045] {strides = array<i32>} : memref<4x512xi32, #tpu.memory_space<vmem>>, vector<16xi32>,
    %add3A_1047 = arith.constant 1000 : i32
    %add3A_1048 = vector.broadcast %add3A_1047 : i32 to vector<16xi32>
    %add3A_1049 = arith.addi %get3A_1046, %add3A_1048 : vector<16xi32>
    %gather3A_1050 = tpu.vector_load_idx %arg13[%add3A_1049] : memref<4128xf32, #tpu.memory_space<vmem>>[vector<16xi32>], vector<16xf32>,
    %add3A_1051 = arith.addf %gather3A_1042, %gather3A_1050 : vector<16xf32>
    %get3A_1052 = arith.constant 2 : i32
    %get3A_1053 = arith.index_cast %get3A_1052 : i32 to index
    %get3A_1054 = arith.constant 432 : index
    %get3A_1055 = tpu.vector_load %arg12[%get3A_1053, %get3A_1054] {strides = array<i32>} : memref<4x512xi32, #tpu.memory_space<vmem>>, vector<16xi32>,
    %add3A_1056 = arith.constant 2000 : i32
    %add3A_1057 = vector.broadcast %add3A_1056 : i32 to vector<16xi32>
    %add3A_1058 = arith.addi %get3A_1055, %add3A_1057 : vector<16xi32>
    %gather3A_1059 = tpu.vector_load_idx %arg13[%add3A_1058] : memref<4128xf32, #tpu.memory_space<vmem>>[vector<16xi32>], vector<16xf32>,
    %add3A_1060 = arith.addf %add3A_1051, %gather3A_1059 : vector<16xf32>
    %get3A_1061 = arith.constant 3 : i32
    %get3A_1062 = arith.index_cast %get3A_1061 : i32 to index
    %get3A_1063 = arith.constant 432 : index
    %get3A_1064 = tpu.vector_load %arg12[%get3A_1062, %get3A_1063] {strides = array<i32>} : memref<4x512xi32, #tpu.memory_space<vmem>>, vector<16xi32>,
    %add3A_1065 = arith.constant 3000 : i32
    %add3A_1066 = vector.broadcast %add3A_1065 : i32 to vector<16xi32>
    %add3A_1067 = arith.addi %get3A_1064, %add3A_1066 : vector<16xi32>
    %gather3A_1068 = tpu.vector_load_idx %arg13[%add3A_1067] : memref<4128xf32, #tpu.memory_space<vmem>>[vector<16xi32>], vector<16xf32>,
    %add3A_1069 = arith.addf %add3A_1060, %gather3A_1068 : vector<16xf32>
    %swap3A_1070 = arith.constant 432 : index
    %swap3A_1071 = tpu.vector_load %arg14[%swap3A_1070] {strides = array<i32>} : memref<512xf32, #tpu.memory_space<vmem>>, vector<16xf32>,
    tpu.vector_store %arg14[%swap3A_1070], %add3A_1069 {strides = array<i32>} : memref<512xf32, #tpu.memory_space<vmem>>, vector<16xf32>,
    %get3A_1072 = arith.constant 0 : i32
    %get3A_1073 = arith.index_cast %get3A_1072 : i32 to index
    %get3A_1074 = arith.constant 448 : index
    %get3A_1075 = tpu.vector_load %arg12[%get3A_1073, %get3A_1074] {strides = array<i32>} : memref<4x512xi32, #tpu.memory_space<vmem>>, vector<16xi32>,
    %gather3A_1076 = tpu.vector_load_idx %arg13[%get3A_1075] : memref<4128xf32, #tpu.memory_space<vmem>>[vector<16xi32>], vector<16xf32>,
    %get3A_1077 = arith.constant 1 : i32
    %get3A_1078 = arith.index_cast %get3A_1077 : i32 to index
    %get3A_1079 = arith.constant 448 : index
    %get3A_1080 = tpu.vector_load %arg12[%get3A_1078, %get3A_1079] {strides = array<i32>} : memref<4x512xi32, #tpu.memory_space<vmem>>, vector<16xi32>,
    %add3A_1081 = arith.constant 1000 : i32
    %add3A_1082 = vector.broadcast %add3A_1081 : i32 to vector<16xi32>
    %add3A_1083 = arith.addi %get3A_1080, %add3A_1082 : vector<16xi32>
    %gather3A_1084 = tpu.vector_load_idx %arg13[%add3A_1083] : memref<4128xf32, #tpu.memory_space<vmem>>[vector<16xi32>], vector<16xf32>,
    %add3A_1085 = arith.addf %gather3A_1076, %gather3A_1084 : vector<16xf32>
    %get3A_1086 = arith.constant 2 : i32
    %get3A_1087 = arith.index_cast %get3A_1086 : i32 to index
    %get3A_1088 = arith.constant 448 : index
    %get3A_1089 = tpu.vector_load %arg12[%get3A_1087, %get3A_1088] {strides = array<i32>} : memref<4x512xi32, #tpu.memory_space<vmem>>, vector<16xi32>,
    %add3A_1090 = arith.constant 2000 : i32
    %add3A_1091 = vector.broadcast %add3A_1090 : i32 to vector<16xi32>
    %add3A_1092 = arith.addi %get3A_1089, %add3A_1091 : vector<16xi32>
    %gather3A_1093 = tpu.vector_load_idx %arg13[%add3A_1092] : memref<4128xf32, #tpu.memory_space<vmem>>[vector<16xi32>], vector<16xf32>,
    %add3A_1094 = arith.addf %add3A_1085, %gather3A_1093 : vector<16xf32>
    %get3A_1095 = arith.constant 3 : i32
    %get3A_1096 = arith.index_cast %get3A_1095 : i32 to index
    %get3A_1097 = arith.constant 448 : index
    %get3A_1098 = tpu.vector_load %arg12[%get3A_1096, %get3A_1097] {strides = array<i32>} : memref<4x512xi32, #tpu.memory_space<vmem>>, vector<16xi32>,
    %add3A_1099 = arith.constant 3000 : i32
    %add3A_1100 = vector.broadcast %add3A_1099 : i32 to vector<16xi32>
    %add3A_1101 = arith.addi %get3A_1098, %add3A_1100 : vector<16xi32>
    %gather3A_1102 = tpu.vector_load_idx %arg13[%add3A_1101] : memref<4128xf32, #tpu.memory_space<vmem>>[vector<16xi32>], vector<16xf32>,
    %add3A_1103 = arith.addf %add3A_1094, %gather3A_1102 : vector<16xf32>
    %swap3A_1104 = arith.constant 448 : index
    %swap3A_1105 = tpu.vector_load %arg14[%swap3A_1104] {strides = array<i32>} : memref<512xf32, #tpu.memory_space<vmem>>, vector<16xf32>,
    tpu.vector_store %arg14[%swap3A_1104], %add3A_1103 {strides = array<i32>} : memref<512xf32, #tpu.memory_space<vmem>>, vector<16xf32>,
    %get3A_1106 = arith.constant 0 : i32
    %get3A_1107 = arith.index_cast %get3A_1106 : i32 to index
    %get3A_1108 = arith.constant 464 : index
    %get3A_1109 = tpu.vector_load %arg12[%get3A_1107, %get3A_1108] {strides = array<i32>} : memref<4x512xi32, #tpu.memory_space<vmem>>, vector<16xi32>,
    %gather3A_1110 = tpu.vector_load_idx %arg13[%get3A_1109] : memref<4128xf32, #tpu.memory_space<vmem>>[vector<16xi32>], vector<16xf32>,
    %get3A_1111 = arith.constant 1 : i32
    %get3A_1112 = arith.index_cast %get3A_1111 : i32 to index
    %get3A_1113 = arith.constant 464 : index
    %get3A_1114 = tpu.vector_load %arg12[%get3A_1112, %get3A_1113] {strides = array<i32>} : memref<4x512xi32, #tpu.memory_space<vmem>>, vector<16xi32>,
    %add3A_1115 = arith.constant 1000 : i32
    %add3A_1116 = vector.broadcast %add3A_1115 : i32 to vector<16xi32>
    %add3A_1117 = arith.addi %get3A_1114, %add3A_1116 : vector<16xi32>
    %gather3A_1118 = tpu.vector_load_idx %arg13[%add3A_1117] : memref<4128xf32, #tpu.memory_space<vmem>>[vector<16xi32>], vector<16xf32>,
    %add3A_1119 = arith.addf %gather3A_1110, %gather3A_1118 : vector<16xf32>
    %get3A_1120 = arith.constant 2 : i32
    %get3A_1121 = arith.index_cast %get3A_1120 : i32 to index
    %get3A_1122 = arith.constant 464 : index
    %get3A_1123 = tpu.vector_load %arg12[%get3A_1121, %get3A_1122] {strides = array<i32>} : memref<4x512xi32, #tpu.memory_space<vmem>>, vector<16xi32>,
    %add3A_1124 = arith.constant 2000 : i32
    %add3A_1125 = vector.broadcast %add3A_1124 : i32 to vector<16xi32>
    %add3A_1126 = arith.addi %get3A_1123, %add3A_1125 : vector<16xi32>
    %gather3A_1127 = tpu.vector_load_idx %arg13[%add3A_1126] : memref<4128xf32, #tpu.memory_space<vmem>>[vector<16xi32>], vector<16xf32>,
    %add3A_1128 = arith.addf %add3A_1119, %gather3A_1127 : vector<16xf32>
    %get3A_1129 = arith.constant 3 : i32
    %get3A_1130 = arith.index_cast %get3A_1129 : i32 to index
    %get3A_1131 = arith.constant 464 : index
    %get3A_1132 = tpu.vector_load %arg12[%get3A_1130, %get3A_1131] {strides = array<i32>} : memref<4x512xi32, #tpu.memory_space<vmem>>, vector<16xi32>,
    %add3A_1133 = arith.constant 3000 : i32
    %add3A_1134 = vector.broadcast %add3A_1133 : i32 to vector<16xi32>
    %add3A_1135 = arith.addi %get3A_1132, %add3A_1134 : vector<16xi32>
    %gather3A_1136 = tpu.vector_load_idx %arg13[%add3A_1135] : memref<4128xf32, #tpu.memory_space<vmem>>[vector<16xi32>], vector<16xf32>,
    %add3A_1137 = arith.addf %add3A_1128, %gather3A_1136 : vector<16xf32>
    %swap3A_1138 = arith.constant 464 : index
    %swap3A_1139 = tpu.vector_load %arg14[%swap3A_1138] {strides = array<i32>} : memref<512xf32, #tpu.memory_space<vmem>>, vector<16xf32>,
    tpu.vector_store %arg14[%swap3A_1138], %add3A_1137 {strides = array<i32>} : memref<512xf32, #tpu.memory_space<vmem>>, vector<16xf32>,
    %get3A_1140 = arith.constant 0 : i32
    %get3A_1141 = arith.index_cast %get3A_1140 : i32 to index
    %get3A_1142 = arith.constant 480 : index
    %get3A_1143 = tpu.vector_load %arg12[%get3A_1141, %get3A_1142] {strides = array<i32>} : memref<4x512xi32, #tpu.memory_space<vmem>>, vector<16xi32>,
    %gather3A_1144 = tpu.vector_load_idx %arg13[%get3A_1143] : memref<4128xf32, #tpu.memory_space<vmem>>[vector<16xi32>], vector<16xf32>,
    %get3A_1145 = arith.constant 1 : i32
    %get3A_1146 = arith.index_cast %get3A_1145 : i32 to index
    %get3A_1147 = arith.constant 480 : index
    %get3A_1148 = tpu.vector_load %arg12[%get3A_1146, %get3A_1147] {strides = array<i32>} : memref<4x512xi32, #tpu.memory_space<vmem>>, vector<16xi32>,
    %add3A_1149 = arith.constant 1000 : i32
    %add3A_1150 = vector.broadcast %add3A_1149 : i32 to vector<16xi32>
    %add3A_1151 = arith.addi %get3A_1148, %add3A_1150 : vector<16xi32>
    %gather3A_1152 = tpu.vector_load_idx %arg13[%add3A_1151] : memref<4128xf32, #tpu.memory_space<vmem>>[vector<16xi32>], vector<16xf32>,
    %add3A_1153 = arith.addf %gather3A_1144, %gather3A_1152 : vector<16xf32>
    %get3A_1154 = arith.constant 2 : i32
    %get3A_1155 = arith.index_cast %get3A_1154 : i32 to index
    %get3A_1156 = arith.constant 480 : index
    %get3A_1157 = tpu.vector_load %arg12[%get3A_1155, %get3A_1156] {strides = array<i32>} : memref<4x512xi32, #tpu.memory_space<vmem>>, vector<16xi32>,
    %add3A_1158 = arith.constant 2000 : i32
    %add3A_1159 = vector.broadcast %add3A_1158 : i32 to vector<16xi32>
    %add3A_1160 = arith.addi %get3A_1157, %add3A_1159 : vector<16xi32>
    %gather3A_1161 = tpu.vector_load_idx %arg13[%add3A_1160] : memref<4128xf32, #tpu.memory_space<vmem>>[vector<16xi32>], vector<16xf32>,
    %add3A_1162 = arith.addf %add3A_1153, %gather3A_1161 : vector<16xf32>
    %get3A_1163 = arith.constant 3 : i32
    %get3A_1164 = arith.index_cast %get3A_1163 : i32 to index
    %get3A_1165 = arith.constant 480 : index
    %get3A_1166 = tpu.vector_load %arg12[%get3A_1164, %get3A_1165] {strides = array<i32>} : memref<4x512xi32, #tpu.memory_space<vmem>>, vector<16xi32>,
    %add3A_1167 = arith.constant 3000 : i32
    %add3A_1168 = vector.broadcast %add3A_1167 : i32 to vector<16xi32>
    %add3A_1169 = arith.addi %get3A_1166, %add3A_1168 : vector<16xi32>
    %gather3A_1170 = tpu.vector_load_idx %arg13[%add3A_1169] : memref<4128xf32, #tpu.memory_space<vmem>>[vector<16xi32>], vector<16xf32>,
    %add3A_1171 = arith.addf %add3A_1162, %gather3A_1170 : vector<16xf32>
    %swap3A_1172 = arith.constant 480 : index
    %swap3A_1173 = tpu.vector_load %arg14[%swap3A_1172] {strides = array<i32>} : memref<512xf32, #tpu.memory_space<vmem>>, vector<16xf32>,
    tpu.vector_store %arg14[%swap3A_1172], %add3A_1171 {strides = array<i32>} : memref<512xf32, #tpu.memory_space<vmem>>, vector<16xf32>,
    %get3A_1174 = arith.constant 0 : i32
    %get3A_1175 = arith.index_cast %get3A_1174 : i32 to index
    %get3A_1176 = arith.constant 496 : index
    %get3A_1177 = tpu.vector_load %arg12[%get3A_1175, %get3A_1176] {strides = array<i32>} : memref<4x512xi32, #tpu.memory_space<vmem>>, vector<16xi32>,
    %gather3A_1178 = tpu.vector_load_idx %arg13[%get3A_1177] : memref<4128xf32, #tpu.memory_space<vmem>>[vector<16xi32>], vector<16xf32>,
    %get3A_1179 = arith.constant 1 : i32
    %get3A_1180 = arith.index_cast %get3A_1179 : i32 to index
    %get3A_1181 = arith.constant 496 : index
    %get3A_1182 = tpu.vector_load %arg12[%get3A_1180, %get3A_1181] {strides = array<i32>} : memref<4x512xi32, #tpu.memory_space<vmem>>, vector<16xi32>,
    %add3A_1183 = arith.constant 1000 : i32
    %add3A_1184 = vector.broadcast %add3A_1183 : i32 to vector<16xi32>
    %add3A_1185 = arith.addi %get3A_1182, %add3A_1184 : vector<16xi32>
    %gather3A_1186 = tpu.vector_load_idx %arg13[%add3A_1185] : memref<4128xf32, #tpu.memory_space<vmem>>[vector<16xi32>], vector<16xf32>,
    %add3A_1187 = arith.addf %gather3A_1178, %gather3A_1186 : vector<16xf32>
    %get3A_1188 = arith.constant 2 : i32
    %get3A_1189 = arith.index_cast %get3A_1188 : i32 to index
    %get3A_1190 = arith.constant 496 : index
    %get3A_1191 = tpu.vector_load %arg12[%get3A_1189, %get3A_1190] {strides = array<i32>} : memref<4x512xi32, #tpu.memory_space<vmem>>, vector<16xi32>,
    %add3A_1192 = arith.constant 2000 : i32
    %add3A_1193 = vector.broadcast %add3A_1192 : i32 to vector<16xi32>
    %add3A_1194 = arith.addi %get3A_1191, %add3A_1193 : vector<16xi32>
    %gather3A_1195 = tpu.vector_load_idx %arg13[%add3A_1194] : memref<4128xf32, #tpu.memory_space<vmem>>[vector<16xi32>], vector<16xf32>,
    %add3A_1196 = arith.addf %add3A_1187, %gather3A_1195 : vector<16xf32>
    %get3A_1197 = arith.constant 3 : i32
    %get3A_1198 = arith.index_cast %get3A_1197 : i32 to index
    %get3A_1199 = arith.constant 496 : index
    %get3A_1200 = tpu.vector_load %arg12[%get3A_1198, %get3A_1199] {strides = array<i32>} : memref<4x512xi32, #tpu.memory_space<vmem>>, vector<16xi32>,
    %add3A_1201 = arith.constant 3000 : i32
    %add3A_1202 = vector.broadcast %add3A_1201 : i32 to vector<16xi32>
    %add3A_1203 = arith.addi %get3A_1200, %add3A_1202 : vector<16xi32>
    %gather3A_1204 = tpu.vector_load_idx %arg13[%add3A_1203] : memref<4128xf32, #tpu.memory_space<vmem>>[vector<16xi32>], vector<16xf32>,
    %add3A_1205 = arith.addf %add3A_1196, %gather3A_1204 : vector<16xf32>
    %swap3A_1206 = arith.constant 496 : index
    %swap3A_1207 = tpu.vector_load %arg14[%swap3A_1206] {strides = array<i32>} : memref<512xf32, #tpu.memory_space<vmem>>, vector<16xf32>,
    tpu.vector_store %arg14[%swap3A_1206], %add3A_1205 {strides = array<i32>} : memref<512xf32, #tpu.memory_space<vmem>>, vector<16xf32>,
    %broadcast_in_dim3A = arith.constant 0.000000e+00 : f32
    %broadcast_in_dim3A_1208 = vector.broadcast %broadcast_in_dim3A : f32 to vector<16xf32>
    %dma_wait3A_1209 = arith.constant 0 : i32
    %dma_wait3A_1210 = arith.constant 0 : i32
    %dma_wait3A_1211 = arith.constant 0 : i32
    %dma_wait3A_1212 = tpu.memref_slice %arg11[%dma_wait3A_1210, %dma_wait3A_1211] : memref<512x128xf32, #tpu.memory_space<vmem>> -> memref<128x128xf32, #tpu.memory_space<vmem>>
    %dma_wait3A_1213 = arith.constant 0 : i32
    %dma_wait3A_1214 = tpu.memref_slice %arg10[%dma_wait3A_1209, %dma_wait3A_1213] : memref<4x128xi32, #tpu.memory_space<vmem>> -> memref<1x128xi32, #tpu.memory_space<vmem>>
    %dma_wait3A_1215 = tpu.memref_squeeze %dma_wait3A_1214 : memref<1x128xi32, #tpu.memory_space<vmem>> -> memref<128xi32, #tpu.memory_space<vmem>>
    %dma_wait3A_1216 = arith.constant 0 : i32
    %dma_wait3A_1217 = arith.constant 0 : i32
    %dma_wait3A_1218 = tpu.memref_slice %arg7[%dma_wait3A_1216, %dma_wait3A_1217] : memref<100000x128xf32, #tpu.memory_space<hbm>> -> memref<100000x128xf32, #tpu.memory_space<hbm>>
    tpu.wait_indirect_dma semaphore(%arg16 : memref<!tpu.dma_semaphore, #tpu.memory_space<semaphore_mem>>) src(%dma_wait3A_1218 : memref<100000x128xf32, #tpu.memory_space<hbm>>) dst(%dma_wait3A_1212 : memref<128x128xf32, #tpu.memory_space<vmem>>)
    %add3A_1219 = arith.constant 0 : i32
    %add3A_1220 = vector.broadcast %add3A_1219 : i32 to vector<16xi32>
    %add3A_1221 = arith.addi %iota3A, %add3A_1220 : vector<16xi32>
    %add3A_1222 = arith.constant 16 : i32
    %add3A_1223 = vector.broadcast %add3A_1222 : i32 to vector<16xi32>
    %add3A_1224 = arith.addi %iota3A, %add3A_1223 : vector<16xi32>
    %add3A_1225 = arith.constant 32 : i32
    %add3A_1226 = vector.broadcast %add3A_1225 : i32 to vector<16xi32>
    %add3A_1227 = arith.addi %iota3A, %add3A_1226 : vector<16xi32>
    %add3A_1228 = arith.constant 48 : i32
    %add3A_1229 = vector.broadcast %add3A_1228 : i32 to vector<16xi32>
    %add3A_1230 = arith.addi %iota3A, %add3A_1229 : vector<16xi32>
    %add3A_1231 = arith.constant 64 : i32
    %add3A_1232 = vector.broadcast %add3A_1231 : i32 to vector<16xi32>
    %add3A_1233 = arith.addi %iota3A, %add3A_1232 : vector<16xi32>
    %add3A_1234 = arith.constant 80 : i32
    %add3A_1235 = vector.broadcast %add3A_1234 : i32 to vector<16xi32>
    %add3A_1236 = arith.addi %iota3A, %add3A_1235 : vector<16xi32>
    %add3A_1237 = arith.constant 96 : i32
    %add3A_1238 = vector.broadcast %add3A_1237 : i32 to vector<16xi32>
    %add3A_1239 = arith.addi %iota3A, %add3A_1238 : vector<16xi32>
    %add3A_1240 = arith.constant 112 : i32
    %add3A_1241 = vector.broadcast %add3A_1240 : i32 to vector<16xi32>
    %add3A_1242 = arith.addi %iota3A, %add3A_1241 : vector<16xi32>
    %scan3A = arith.constant 0 : i32
    %scan3A_1243 = arith.constant 128 : i32
    %scan3A_1244 = arith.addi %scan3A, %scan3A_1243 : i32
    %scan3A_1245 = arith.constant 1 : i32
    %scan3A_1246:9 = scf.for %scan3A_1528 = %scan3A to %scan3A_1244 step %scan3A_1245 iter_args(%scan3A_1529 = %iota3A, %scan3A_1530 = %broadcast_in_dim3A_1208, %scan3A_1531 = %broadcast_in_dim3A_1208, %scan3A_1532 = %broadcast_in_dim3A_1208, %scan3A_1533 = %broadcast_in_dim3A_1208, %scan3A_1534 = %broadcast_in_dim3A_1208, %scan3A_1535 = %broadcast_in_dim3A_1208, %scan3A_1536 = %broadcast_in_dim3A_1208, %scan3A_1537 = %broadcast_in_dim3A_1208) -> (vector<16xi32>, vector<16xf32>, vector<16xf32>, vector<16xf32>, vector<16xf32>, vector<16xf32>, vector<16xf32>, vector<16xf32>, vector<16xf32>)  : i32 {
      %add3A_1538 = arith.constant 4000 : i32
      %add3A_1539 = vector.broadcast %add3A_1538 : i32 to vector<16xi32>
      %add3A_1540 = arith.addi %scan3A_1529, %add3A_1539 : vector<16xi32>
      %gather3A_1541 = tpu.vector_load_idx %arg13[%add3A_1540] : memref<4128xf32, #tpu.memory_space<vmem>>[vector<16xi32>], vector<16xf32>,
      %gather3A_1542 = tpu.vector_load_idx %arg11[%add3A_1221, %scan3A_1529] : memref<512x128xf32, #tpu.memory_space<vmem>>[vector<16xi32>, vector<16xi32>], vector<16xf32>,
      %mul3A_1543 = arith.mulf %gather3A_1542, %gather3A_1541 : vector<16xf32>
      %add3A_1544 = arith.addf %scan3A_1530, %mul3A_1543 : vector<16xf32>
      %gather3A_1545 = tpu.vector_load_idx %arg11[%add3A_1224, %scan3A_1529] : memref<512x128xf32, #tpu.memory_space<vmem>>[vector<16xi32>, vector<16xi32>], vector<16xf32>,
      %mul3A_1546 = arith.mulf %gather3A_1545, %gather3A_1541 : vector<16xf32>
      %add3A_1547 = arith.addf %scan3A_1531, %mul3A_1546 : vector<16xf32>
      %gather3A_1548 = tpu.vector_load_idx %arg11[%add3A_1227, %scan3A_1529] : memref<512x128xf32, #tpu.memory_space<vmem>>[vector<16xi32>, vector<16xi32>], vector<16xf32>,
      %mul3A_1549 = arith.mulf %gather3A_1548, %gather3A_1541 : vector<16xf32>
      %add3A_1550 = arith.addf %scan3A_1532, %mul3A_1549 : vector<16xf32>
      %gather3A_1551 = tpu.vector_load_idx %arg11[%add3A_1230, %scan3A_1529] : memref<512x128xf32, #tpu.memory_space<vmem>>[vector<16xi32>, vector<16xi32>], vector<16xf32>,
      %mul3A_1552 = arith.mulf %gather3A_1551, %gather3A_1541 : vector<16xf32>
      %add3A_1553 = arith.addf %scan3A_1533, %mul3A_1552 : vector<16xf32>
      %gather3A_1554 = tpu.vector_load_idx %arg11[%add3A_1233, %scan3A_1529] : memref<512x128xf32, #tpu.memory_space<vmem>>[vector<16xi32>, vector<16xi32>], vector<16xf32>,
      %mul3A_1555 = arith.mulf %gather3A_1554, %gather3A_1541 : vector<16xf32>
      %add3A_1556 = arith.addf %scan3A_1534, %mul3A_1555 : vector<16xf32>
      %gather3A_1557 = tpu.vector_load_idx %arg11[%add3A_1236, %scan3A_1529] : memref<512x128xf32, #tpu.memory_space<vmem>>[vector<16xi32>, vector<16xi32>], vector<16xf32>,
      %mul3A_1558 = arith.mulf %gather3A_1557, %gather3A_1541 : vector<16xf32>
      %add3A_1559 = arith.addf %scan3A_1535, %mul3A_1558 : vector<16xf32>
      %gather3A_1560 = tpu.vector_load_idx %arg11[%add3A_1239, %scan3A_1529] : memref<512x128xf32, #tpu.memory_space<vmem>>[vector<16xi32>, vector<16xi32>], vector<16xf32>,
      %mul3A_1561 = arith.mulf %gather3A_1560, %gather3A_1541 : vector<16xf32>
      %add3A_1562 = arith.addf %scan3A_1536, %mul3A_1561 : vector<16xf32>
      %gather3A_1563 = tpu.vector_load_idx %arg11[%add3A_1242, %scan3A_1529] : memref<512x128xf32, #tpu.memory_space<vmem>>[vector<16xi32>, vector<16xi32>], vector<16xf32>,
      %mul3A_1564 = arith.mulf %gather3A_1563, %gather3A_1541 : vector<16xf32>
      %add3A_1565 = arith.addf %scan3A_1537, %mul3A_1564 : vector<16xf32>
      %add3A_1566 = arith.constant 1 : i32
      %add3A_1567 = vector.broadcast %add3A_1566 : i32 to vector<16xi32>
      %add3A_1568 = arith.addi %scan3A_1529, %add3A_1567 : vector<16xi32>
      %and3A = arith.constant 127 : i32
      %and3A_1569 = vector.broadcast %and3A : i32 to vector<16xi32>
      %and3A_1570 = arith.andi %add3A_1568, %and3A_1569 : vector<16xi32>
      scf.yield %and3A_1570, %add3A_1544, %add3A_1547, %add3A_1550, %add3A_1553, %add3A_1556, %add3A_1559, %add3A_1562, %add3A_1565 : vector<16xi32>, vector<16xf32>, vector<16xf32>, vector<16xf32>, vector<16xf32>, vector<16xf32>, vector<16xf32>, vector<16xf32>, vector<16xf32>
    }
    %scan3A_1247 = arith.constant 128 : i32
    %get3A_1248 = arith.constant 0 : index
    %get3A_1249 = tpu.vector_load %arg14[%get3A_1248] {strides = array<i32>} : memref<512xf32, #tpu.memory_space<vmem>>, vector<16xf32>,
    %add3A_1250 = arith.addf %get3A_1249, %scan3A_1246#1 : vector<16xf32>
    %swap3A_1251 = arith.constant 0 : index
    %swap3A_1252 = tpu.vector_load %arg14[%swap3A_1251] {strides = array<i32>} : memref<512xf32, #tpu.memory_space<vmem>>, vector<16xf32>,
    tpu.vector_store %arg14[%swap3A_1251], %add3A_1250 {strides = array<i32>} : memref<512xf32, #tpu.memory_space<vmem>>, vector<16xf32>,
    %get3A_1253 = arith.constant 16 : index
    %get3A_1254 = tpu.vector_load %arg14[%get3A_1253] {strides = array<i32>} : memref<512xf32, #tpu.memory_space<vmem>>, vector<16xf32>,
    %add3A_1255 = arith.addf %get3A_1254, %scan3A_1246#2 : vector<16xf32>
    %swap3A_1256 = arith.constant 16 : index
    %swap3A_1257 = tpu.vector_load %arg14[%swap3A_1256] {strides = array<i32>} : memref<512xf32, #tpu.memory_space<vmem>>, vector<16xf32>,
    tpu.vector_store %arg14[%swap3A_1256], %add3A_1255 {strides = array<i32>} : memref<512xf32, #tpu.memory_space<vmem>>, vector<16xf32>,
    %get3A_1258 = arith.constant 32 : index
    %get3A_1259 = tpu.vector_load %arg14[%get3A_1258] {strides = array<i32>} : memref<512xf32, #tpu.memory_space<vmem>>, vector<16xf32>,
    %add3A_1260 = arith.addf %get3A_1259, %scan3A_1246#3 : vector<16xf32>
    %swap3A_1261 = arith.constant 32 : index
    %swap3A_1262 = tpu.vector_load %arg14[%swap3A_1261] {strides = array<i32>} : memref<512xf32, #tpu.memory_space<vmem>>, vector<16xf32>,
    tpu.vector_store %arg14[%swap3A_1261], %add3A_1260 {strides = array<i32>} : memref<512xf32, #tpu.memory_space<vmem>>, vector<16xf32>,
    %get3A_1263 = arith.constant 48 : index
    %get3A_1264 = tpu.vector_load %arg14[%get3A_1263] {strides = array<i32>} : memref<512xf32, #tpu.memory_space<vmem>>, vector<16xf32>,
    %add3A_1265 = arith.addf %get3A_1264, %scan3A_1246#4 : vector<16xf32>
    %swap3A_1266 = arith.constant 48 : index
    %swap3A_1267 = tpu.vector_load %arg14[%swap3A_1266] {strides = array<i32>} : memref<512xf32, #tpu.memory_space<vmem>>, vector<16xf32>,
    tpu.vector_store %arg14[%swap3A_1266], %add3A_1265 {strides = array<i32>} : memref<512xf32, #tpu.memory_space<vmem>>, vector<16xf32>,
    %get3A_1268 = arith.constant 64 : index
    %get3A_1269 = tpu.vector_load %arg14[%get3A_1268] {strides = array<i32>} : memref<512xf32, #tpu.memory_space<vmem>>, vector<16xf32>,
    %add3A_1270 = arith.addf %get3A_1269, %scan3A_1246#5 : vector<16xf32>
    %swap3A_1271 = arith.constant 64 : index
    %swap3A_1272 = tpu.vector_load %arg14[%swap3A_1271] {strides = array<i32>} : memref<512xf32, #tpu.memory_space<vmem>>, vector<16xf32>,
    tpu.vector_store %arg14[%swap3A_1271], %add3A_1270 {strides = array<i32>} : memref<512xf32, #tpu.memory_space<vmem>>, vector<16xf32>,
    %get3A_1273 = arith.constant 80 : index
    %get3A_1274 = tpu.vector_load %arg14[%get3A_1273] {strides = array<i32>} : memref<512xf32, #tpu.memory_space<vmem>>, vector<16xf32>,
    %add3A_1275 = arith.addf %get3A_1274, %scan3A_1246#6 : vector<16xf32>
    %swap3A_1276 = arith.constant 80 : index
    %swap3A_1277 = tpu.vector_load %arg14[%swap3A_1276] {strides = array<i32>} : memref<512xf32, #tpu.memory_space<vmem>>, vector<16xf32>,
    tpu.vector_store %arg14[%swap3A_1276], %add3A_1275 {strides = array<i32>} : memref<512xf32, #tpu.memory_space<vmem>>, vector<16xf32>,
    %get3A_1278 = arith.constant 96 : index
    %get3A_1279 = tpu.vector_load %arg14[%get3A_1278] {strides = array<i32>} : memref<512xf32, #tpu.memory_space<vmem>>, vector<16xf32>,
    %add3A_1280 = arith.addf %get3A_1279, %scan3A_1246#7 : vector<16xf32>
    %swap3A_1281 = arith.constant 96 : index
    %swap3A_1282 = tpu.vector_load %arg14[%swap3A_1281] {strides = array<i32>} : memref<512xf32, #tpu.memory_space<vmem>>, vector<16xf32>,
    tpu.vector_store %arg14[%swap3A_1281], %add3A_1280 {strides = array<i32>} : memref<512xf32, #tpu.memory_space<vmem>>, vector<16xf32>,
    %get3A_1283 = arith.constant 112 : index
    %get3A_1284 = tpu.vector_load %arg14[%get3A_1283] {strides = array<i32>} : memref<512xf32, #tpu.memory_space<vmem>>, vector<16xf32>,
    %add3A_1285 = arith.addf %get3A_1284, %scan3A_1246#8 : vector<16xf32>
    %swap3A_1286 = arith.constant 112 : index
    %swap3A_1287 = tpu.vector_load %arg14[%swap3A_1286] {strides = array<i32>} : memref<512xf32, #tpu.memory_space<vmem>>, vector<16xf32>,
    tpu.vector_store %arg14[%swap3A_1286], %add3A_1285 {strides = array<i32>} : memref<512xf32, #tpu.memory_space<vmem>>, vector<16xf32>,
    %dma_wait3A_1288 = arith.constant 1 : i32
    %dma_wait3A_1289 = arith.constant 128 : i32
    %dma_wait3A_1290 = arith.constant 0 : i32
    %dma_wait3A_1291 = tpu.memref_slice %arg11[%dma_wait3A_1289, %dma_wait3A_1290] : memref<512x128xf32, #tpu.memory_space<vmem>> -> memref<128x128xf32, #tpu.memory_space<vmem>>
    %dma_wait3A_1292 = arith.constant 0 : i32
    %dma_wait3A_1293 = tpu.memref_slice %arg10[%dma_wait3A_1288, %dma_wait3A_1292] : memref<4x128xi32, #tpu.memory_space<vmem>> -> memref<1x128xi32, #tpu.memory_space<vmem>>
    %dma_wait3A_1294 = tpu.memref_squeeze %dma_wait3A_1293 : memref<1x128xi32, #tpu.memory_space<vmem>> -> memref<128xi32, #tpu.memory_space<vmem>>
    %dma_wait3A_1295 = arith.constant 0 : i32
    %dma_wait3A_1296 = arith.constant 0 : i32
    %dma_wait3A_1297 = tpu.memref_slice %arg7[%dma_wait3A_1295, %dma_wait3A_1296] : memref<100000x128xf32, #tpu.memory_space<hbm>> -> memref<100000x128xf32, #tpu.memory_space<hbm>>
    tpu.wait_indirect_dma semaphore(%arg16 : memref<!tpu.dma_semaphore, #tpu.memory_space<semaphore_mem>>) src(%dma_wait3A_1297 : memref<100000x128xf32, #tpu.memory_space<hbm>>) dst(%dma_wait3A_1291 : memref<128x128xf32, #tpu.memory_space<vmem>>)
    %add3A_1298 = arith.constant 128 : i32
    %add3A_1299 = vector.broadcast %add3A_1298 : i32 to vector<16xi32>
    %add3A_1300 = arith.addi %iota3A, %add3A_1299 : vector<16xi32>
    %add3A_1301 = arith.constant 144 : i32
    %add3A_1302 = vector.broadcast %add3A_1301 : i32 to vector<16xi32>
    %add3A_1303 = arith.addi %iota3A, %add3A_1302 : vector<16xi32>
    %add3A_1304 = arith.constant 160 : i32
    %add3A_1305 = vector.broadcast %add3A_1304 : i32 to vector<16xi32>
    %add3A_1306 = arith.addi %iota3A, %add3A_1305 : vector<16xi32>
    %add3A_1307 = arith.constant 176 : i32
    %add3A_1308 = vector.broadcast %add3A_1307 : i32 to vector<16xi32>
    %add3A_1309 = arith.addi %iota3A, %add3A_1308 : vector<16xi32>
    %add3A_1310 = arith.constant 192 : i32
    %add3A_1311 = vector.broadcast %add3A_1310 : i32 to vector<16xi32>
    %add3A_1312 = arith.addi %iota3A, %add3A_1311 : vector<16xi32>
    %add3A_1313 = arith.constant 208 : i32
    %add3A_1314 = vector.broadcast %add3A_1313 : i32 to vector<16xi32>
    %add3A_1315 = arith.addi %iota3A, %add3A_1314 : vector<16xi32>
    %add3A_1316 = arith.constant 224 : i32
    %add3A_1317 = vector.broadcast %add3A_1316 : i32 to vector<16xi32>
    %add3A_1318 = arith.addi %iota3A, %add3A_1317 : vector<16xi32>
    %add3A_1319 = arith.constant 240 : i32
    %add3A_1320 = vector.broadcast %add3A_1319 : i32 to vector<16xi32>
    %add3A_1321 = arith.addi %iota3A, %add3A_1320 : vector<16xi32>
    %scan3A_1322 = arith.constant 0 : i32
    %scan3A_1323 = arith.constant 128 : i32
    %scan3A_1324 = arith.addi %scan3A_1322, %scan3A_1323 : i32
    %scan3A_1325 = arith.constant 1 : i32
    %scan3A_1326:9 = scf.for %scan3A_1528 = %scan3A_1322 to %scan3A_1324 step %scan3A_1325 iter_args(%scan3A_1529 = %iota3A, %scan3A_1530 = %broadcast_in_dim3A_1208, %scan3A_1531 = %broadcast_in_dim3A_1208, %scan3A_1532 = %broadcast_in_dim3A_1208, %scan3A_1533 = %broadcast_in_dim3A_1208, %scan3A_1534 = %broadcast_in_dim3A_1208, %scan3A_1535 = %broadcast_in_dim3A_1208, %scan3A_1536 = %broadcast_in_dim3A_1208, %scan3A_1537 = %broadcast_in_dim3A_1208) -> (vector<16xi32>, vector<16xf32>, vector<16xf32>, vector<16xf32>, vector<16xf32>, vector<16xf32>, vector<16xf32>, vector<16xf32>, vector<16xf32>)  : i32 {
      %add3A_1538 = arith.constant 4000 : i32
      %add3A_1539 = vector.broadcast %add3A_1538 : i32 to vector<16xi32>
      %add3A_1540 = arith.addi %scan3A_1529, %add3A_1539 : vector<16xi32>
      %gather3A_1541 = tpu.vector_load_idx %arg13[%add3A_1540] : memref<4128xf32, #tpu.memory_space<vmem>>[vector<16xi32>], vector<16xf32>,
      %gather3A_1542 = tpu.vector_load_idx %arg11[%add3A_1300, %scan3A_1529] : memref<512x128xf32, #tpu.memory_space<vmem>>[vector<16xi32>, vector<16xi32>], vector<16xf32>,
      %mul3A_1543 = arith.mulf %gather3A_1542, %gather3A_1541 : vector<16xf32>
      %add3A_1544 = arith.addf %scan3A_1530, %mul3A_1543 : vector<16xf32>
      %gather3A_1545 = tpu.vector_load_idx %arg11[%add3A_1303, %scan3A_1529] : memref<512x128xf32, #tpu.memory_space<vmem>>[vector<16xi32>, vector<16xi32>], vector<16xf32>,
      %mul3A_1546 = arith.mulf %gather3A_1545, %gather3A_1541 : vector<16xf32>
      %add3A_1547 = arith.addf %scan3A_1531, %mul3A_1546 : vector<16xf32>
      %gather3A_1548 = tpu.vector_load_idx %arg11[%add3A_1306, %scan3A_1529] : memref<512x128xf32, #tpu.memory_space<vmem>>[vector<16xi32>, vector<16xi32>], vector<16xf32>,
      %mul3A_1549 = arith.mulf %gather3A_1548, %gather3A_1541 : vector<16xf32>
      %add3A_1550 = arith.addf %scan3A_1532, %mul3A_1549 : vector<16xf32>
      %gather3A_1551 = tpu.vector_load_idx %arg11[%add3A_1309, %scan3A_1529] : memref<512x128xf32, #tpu.memory_space<vmem>>[vector<16xi32>, vector<16xi32>], vector<16xf32>,
      %mul3A_1552 = arith.mulf %gather3A_1551, %gather3A_1541 : vector<16xf32>
      %add3A_1553 = arith.addf %scan3A_1533, %mul3A_1552 : vector<16xf32>
      %gather3A_1554 = tpu.vector_load_idx %arg11[%add3A_1312, %scan3A_1529] : memref<512x128xf32, #tpu.memory_space<vmem>>[vector<16xi32>, vector<16xi32>], vector<16xf32>,
      %mul3A_1555 = arith.mulf %gather3A_1554, %gather3A_1541 : vector<16xf32>
      %add3A_1556 = arith.addf %scan3A_1534, %mul3A_1555 : vector<16xf32>
      %gather3A_1557 = tpu.vector_load_idx %arg11[%add3A_1315, %scan3A_1529] : memref<512x128xf32, #tpu.memory_space<vmem>>[vector<16xi32>, vector<16xi32>], vector<16xf32>,
      %mul3A_1558 = arith.mulf %gather3A_1557, %gather3A_1541 : vector<16xf32>
      %add3A_1559 = arith.addf %scan3A_1535, %mul3A_1558 : vector<16xf32>
      %gather3A_1560 = tpu.vector_load_idx %arg11[%add3A_1318, %scan3A_1529] : memref<512x128xf32, #tpu.memory_space<vmem>>[vector<16xi32>, vector<16xi32>], vector<16xf32>,
      %mul3A_1561 = arith.mulf %gather3A_1560, %gather3A_1541 : vector<16xf32>
      %add3A_1562 = arith.addf %scan3A_1536, %mul3A_1561 : vector<16xf32>
      %gather3A_1563 = tpu.vector_load_idx %arg11[%add3A_1321, %scan3A_1529] : memref<512x128xf32, #tpu.memory_space<vmem>>[vector<16xi32>, vector<16xi32>], vector<16xf32>,
      %mul3A_1564 = arith.mulf %gather3A_1563, %gather3A_1541 : vector<16xf32>
      %add3A_1565 = arith.addf %scan3A_1537, %mul3A_1564 : vector<16xf32>
      %add3A_1566 = arith.constant 1 : i32
      %add3A_1567 = vector.broadcast %add3A_1566 : i32 to vector<16xi32>
      %add3A_1568 = arith.addi %scan3A_1529, %add3A_1567 : vector<16xi32>
      %and3A = arith.constant 127 : i32
      %and3A_1569 = vector.broadcast %and3A : i32 to vector<16xi32>
      %and3A_1570 = arith.andi %add3A_1568, %and3A_1569 : vector<16xi32>
      scf.yield %and3A_1570, %add3A_1544, %add3A_1547, %add3A_1550, %add3A_1553, %add3A_1556, %add3A_1559, %add3A_1562, %add3A_1565 : vector<16xi32>, vector<16xf32>, vector<16xf32>, vector<16xf32>, vector<16xf32>, vector<16xf32>, vector<16xf32>, vector<16xf32>, vector<16xf32>
    }
    %scan3A_1327 = arith.constant 128 : i32
    %get3A_1328 = arith.constant 128 : index
    %get3A_1329 = tpu.vector_load %arg14[%get3A_1328] {strides = array<i32>} : memref<512xf32, #tpu.memory_space<vmem>>, vector<16xf32>,
    %add3A_1330 = arith.addf %get3A_1329, %scan3A_1326#1 : vector<16xf32>
    %swap3A_1331 = arith.constant 128 : index
    %swap3A_1332 = tpu.vector_load %arg14[%swap3A_1331] {strides = array<i32>} : memref<512xf32, #tpu.memory_space<vmem>>, vector<16xf32>,
    tpu.vector_store %arg14[%swap3A_1331], %add3A_1330 {strides = array<i32>} : memref<512xf32, #tpu.memory_space<vmem>>, vector<16xf32>,
    %get3A_1333 = arith.constant 144 : index
    %get3A_1334 = tpu.vector_load %arg14[%get3A_1333] {strides = array<i32>} : memref<512xf32, #tpu.memory_space<vmem>>, vector<16xf32>,
    %add3A_1335 = arith.addf %get3A_1334, %scan3A_1326#2 : vector<16xf32>
    %swap3A_1336 = arith.constant 144 : index
    %swap3A_1337 = tpu.vector_load %arg14[%swap3A_1336] {strides = array<i32>} : memref<512xf32, #tpu.memory_space<vmem>>, vector<16xf32>,
    tpu.vector_store %arg14[%swap3A_1336], %add3A_1335 {strides = array<i32>} : memref<512xf32, #tpu.memory_space<vmem>>, vector<16xf32>,
    %get3A_1338 = arith.constant 160 : index
    %get3A_1339 = tpu.vector_load %arg14[%get3A_1338] {strides = array<i32>} : memref<512xf32, #tpu.memory_space<vmem>>, vector<16xf32>,
    %add3A_1340 = arith.addf %get3A_1339, %scan3A_1326#3 : vector<16xf32>
    %swap3A_1341 = arith.constant 160 : index
    %swap3A_1342 = tpu.vector_load %arg14[%swap3A_1341] {strides = array<i32>} : memref<512xf32, #tpu.memory_space<vmem>>, vector<16xf32>,
    tpu.vector_store %arg14[%swap3A_1341], %add3A_1340 {strides = array<i32>} : memref<512xf32, #tpu.memory_space<vmem>>, vector<16xf32>,
    %get3A_1343 = arith.constant 176 : index
    %get3A_1344 = tpu.vector_load %arg14[%get3A_1343] {strides = array<i32>} : memref<512xf32, #tpu.memory_space<vmem>>, vector<16xf32>,
    %add3A_1345 = arith.addf %get3A_1344, %scan3A_1326#4 : vector<16xf32>
    %swap3A_1346 = arith.constant 176 : index
    %swap3A_1347 = tpu.vector_load %arg14[%swap3A_1346] {strides = array<i32>} : memref<512xf32, #tpu.memory_space<vmem>>, vector<16xf32>,
    tpu.vector_store %arg14[%swap3A_1346], %add3A_1345 {strides = array<i32>} : memref<512xf32, #tpu.memory_space<vmem>>, vector<16xf32>,
    %get3A_1348 = arith.constant 192 : index
    %get3A_1349 = tpu.vector_load %arg14[%get3A_1348] {strides = array<i32>} : memref<512xf32, #tpu.memory_space<vmem>>, vector<16xf32>,
    %add3A_1350 = arith.addf %get3A_1349, %scan3A_1326#5 : vector<16xf32>
    %swap3A_1351 = arith.constant 192 : index
    %swap3A_1352 = tpu.vector_load %arg14[%swap3A_1351] {strides = array<i32>} : memref<512xf32, #tpu.memory_space<vmem>>, vector<16xf32>,
    tpu.vector_store %arg14[%swap3A_1351], %add3A_1350 {strides = array<i32>} : memref<512xf32, #tpu.memory_space<vmem>>, vector<16xf32>,
    %get3A_1353 = arith.constant 208 : index
    %get3A_1354 = tpu.vector_load %arg14[%get3A_1353] {strides = array<i32>} : memref<512xf32, #tpu.memory_space<vmem>>, vector<16xf32>,
    %add3A_1355 = arith.addf %get3A_1354, %scan3A_1326#6 : vector<16xf32>
    %swap3A_1356 = arith.constant 208 : index
    %swap3A_1357 = tpu.vector_load %arg14[%swap3A_1356] {strides = array<i32>} : memref<512xf32, #tpu.memory_space<vmem>>, vector<16xf32>,
    tpu.vector_store %arg14[%swap3A_1356], %add3A_1355 {strides = array<i32>} : memref<512xf32, #tpu.memory_space<vmem>>, vector<16xf32>,
    %get3A_1358 = arith.constant 224 : index
    %get3A_1359 = tpu.vector_load %arg14[%get3A_1358] {strides = array<i32>} : memref<512xf32, #tpu.memory_space<vmem>>, vector<16xf32>,
    %add3A_1360 = arith.addf %get3A_1359, %scan3A_1326#7 : vector<16xf32>
    %swap3A_1361 = arith.constant 224 : index
    %swap3A_1362 = tpu.vector_load %arg14[%swap3A_1361] {strides = array<i32>} : memref<512xf32, #tpu.memory_space<vmem>>, vector<16xf32>,
    tpu.vector_store %arg14[%swap3A_1361], %add3A_1360 {strides = array<i32>} : memref<512xf32, #tpu.memory_space<vmem>>, vector<16xf32>,
    %get3A_1363 = arith.constant 240 : index
    %get3A_1364 = tpu.vector_load %arg14[%get3A_1363] {strides = array<i32>} : memref<512xf32, #tpu.memory_space<vmem>>, vector<16xf32>,
    %add3A_1365 = arith.addf %get3A_1364, %scan3A_1326#8 : vector<16xf32>
    %swap3A_1366 = arith.constant 240 : index
    %swap3A_1367 = tpu.vector_load %arg14[%swap3A_1366] {strides = array<i32>} : memref<512xf32, #tpu.memory_space<vmem>>, vector<16xf32>,
    tpu.vector_store %arg14[%swap3A_1366], %add3A_1365 {strides = array<i32>} : memref<512xf32, #tpu.memory_space<vmem>>, vector<16xf32>,
    %dma_wait3A_1368 = arith.constant 2 : i32
    %dma_wait3A_1369 = arith.constant 256 : i32
    %dma_wait3A_1370 = arith.constant 0 : i32
    %dma_wait3A_1371 = tpu.memref_slice %arg11[%dma_wait3A_1369, %dma_wait3A_1370] : memref<512x128xf32, #tpu.memory_space<vmem>> -> memref<128x128xf32, #tpu.memory_space<vmem>>
    %dma_wait3A_1372 = arith.constant 0 : i32
    %dma_wait3A_1373 = tpu.memref_slice %arg10[%dma_wait3A_1368, %dma_wait3A_1372] : memref<4x128xi32, #tpu.memory_space<vmem>> -> memref<1x128xi32, #tpu.memory_space<vmem>>
    %dma_wait3A_1374 = tpu.memref_squeeze %dma_wait3A_1373 : memref<1x128xi32, #tpu.memory_space<vmem>> -> memref<128xi32, #tpu.memory_space<vmem>>
    %dma_wait3A_1375 = arith.constant 0 : i32
    %dma_wait3A_1376 = arith.constant 0 : i32
    %dma_wait3A_1377 = tpu.memref_slice %arg7[%dma_wait3A_1375, %dma_wait3A_1376] : memref<100000x128xf32, #tpu.memory_space<hbm>> -> memref<100000x128xf32, #tpu.memory_space<hbm>>
    tpu.wait_indirect_dma semaphore(%arg16 : memref<!tpu.dma_semaphore, #tpu.memory_space<semaphore_mem>>) src(%dma_wait3A_1377 : memref<100000x128xf32, #tpu.memory_space<hbm>>) dst(%dma_wait3A_1371 : memref<128x128xf32, #tpu.memory_space<vmem>>)
    %add3A_1378 = arith.constant 256 : i32
    %add3A_1379 = vector.broadcast %add3A_1378 : i32 to vector<16xi32>
    %add3A_1380 = arith.addi %iota3A, %add3A_1379 : vector<16xi32>
    %add3A_1381 = arith.constant 272 : i32
    %add3A_1382 = vector.broadcast %add3A_1381 : i32 to vector<16xi32>
    %add3A_1383 = arith.addi %iota3A, %add3A_1382 : vector<16xi32>
    %add3A_1384 = arith.constant 288 : i32
    %add3A_1385 = vector.broadcast %add3A_1384 : i32 to vector<16xi32>
    %add3A_1386 = arith.addi %iota3A, %add3A_1385 : vector<16xi32>
    %add3A_1387 = arith.constant 304 : i32
    %add3A_1388 = vector.broadcast %add3A_1387 : i32 to vector<16xi32>
    %add3A_1389 = arith.addi %iota3A, %add3A_1388 : vector<16xi32>
    %add3A_1390 = arith.constant 320 : i32
    %add3A_1391 = vector.broadcast %add3A_1390 : i32 to vector<16xi32>
    %add3A_1392 = arith.addi %iota3A, %add3A_1391 : vector<16xi32>
    %add3A_1393 = arith.constant 336 : i32
    %add3A_1394 = vector.broadcast %add3A_1393 : i32 to vector<16xi32>
    %add3A_1395 = arith.addi %iota3A, %add3A_1394 : vector<16xi32>
    %add3A_1396 = arith.constant 352 : i32
    %add3A_1397 = vector.broadcast %add3A_1396 : i32 to vector<16xi32>
    %add3A_1398 = arith.addi %iota3A, %add3A_1397 : vector<16xi32>
    %add3A_1399 = arith.constant 368 : i32
    %add3A_1400 = vector.broadcast %add3A_1399 : i32 to vector<16xi32>
    %add3A_1401 = arith.addi %iota3A, %add3A_1400 : vector<16xi32>
    %scan3A_1402 = arith.constant 0 : i32
    %scan3A_1403 = arith.constant 128 : i32
    %scan3A_1404 = arith.addi %scan3A_1402, %scan3A_1403 : i32
    %scan3A_1405 = arith.constant 1 : i32
    %scan3A_1406:9 = scf.for %scan3A_1528 = %scan3A_1402 to %scan3A_1404 step %scan3A_1405 iter_args(%scan3A_1529 = %iota3A, %scan3A_1530 = %broadcast_in_dim3A_1208, %scan3A_1531 = %broadcast_in_dim3A_1208, %scan3A_1532 = %broadcast_in_dim3A_1208, %scan3A_1533 = %broadcast_in_dim3A_1208, %scan3A_1534 = %broadcast_in_dim3A_1208, %scan3A_1535 = %broadcast_in_dim3A_1208, %scan3A_1536 = %broadcast_in_dim3A_1208, %scan3A_1537 = %broadcast_in_dim3A_1208) -> (vector<16xi32>, vector<16xf32>, vector<16xf32>, vector<16xf32>, vector<16xf32>, vector<16xf32>, vector<16xf32>, vector<16xf32>, vector<16xf32>)  : i32 {
      %add3A_1538 = arith.constant 4000 : i32
      %add3A_1539 = vector.broadcast %add3A_1538 : i32 to vector<16xi32>
      %add3A_1540 = arith.addi %scan3A_1529, %add3A_1539 : vector<16xi32>
      %gather3A_1541 = tpu.vector_load_idx %arg13[%add3A_1540] : memref<4128xf32, #tpu.memory_space<vmem>>[vector<16xi32>], vector<16xf32>,
      %gather3A_1542 = tpu.vector_load_idx %arg11[%add3A_1380, %scan3A_1529] : memref<512x128xf32, #tpu.memory_space<vmem>>[vector<16xi32>, vector<16xi32>], vector<16xf32>,
      %mul3A_1543 = arith.mulf %gather3A_1542, %gather3A_1541 : vector<16xf32>
      %add3A_1544 = arith.addf %scan3A_1530, %mul3A_1543 : vector<16xf32>
      %gather3A_1545 = tpu.vector_load_idx %arg11[%add3A_1383, %scan3A_1529] : memref<512x128xf32, #tpu.memory_space<vmem>>[vector<16xi32>, vector<16xi32>], vector<16xf32>,
      %mul3A_1546 = arith.mulf %gather3A_1545, %gather3A_1541 : vector<16xf32>
      %add3A_1547 = arith.addf %scan3A_1531, %mul3A_1546 : vector<16xf32>
      %gather3A_1548 = tpu.vector_load_idx %arg11[%add3A_1386, %scan3A_1529] : memref<512x128xf32, #tpu.memory_space<vmem>>[vector<16xi32>, vector<16xi32>], vector<16xf32>,
      %mul3A_1549 = arith.mulf %gather3A_1548, %gather3A_1541 : vector<16xf32>
      %add3A_1550 = arith.addf %scan3A_1532, %mul3A_1549 : vector<16xf32>
      %gather3A_1551 = tpu.vector_load_idx %arg11[%add3A_1389, %scan3A_1529] : memref<512x128xf32, #tpu.memory_space<vmem>>[vector<16xi32>, vector<16xi32>], vector<16xf32>,
      %mul3A_1552 = arith.mulf %gather3A_1551, %gather3A_1541 : vector<16xf32>
      %add3A_1553 = arith.addf %scan3A_1533, %mul3A_1552 : vector<16xf32>
      %gather3A_1554 = tpu.vector_load_idx %arg11[%add3A_1392, %scan3A_1529] : memref<512x128xf32, #tpu.memory_space<vmem>>[vector<16xi32>, vector<16xi32>], vector<16xf32>,
      %mul3A_1555 = arith.mulf %gather3A_1554, %gather3A_1541 : vector<16xf32>
      %add3A_1556 = arith.addf %scan3A_1534, %mul3A_1555 : vector<16xf32>
      %gather3A_1557 = tpu.vector_load_idx %arg11[%add3A_1395, %scan3A_1529] : memref<512x128xf32, #tpu.memory_space<vmem>>[vector<16xi32>, vector<16xi32>], vector<16xf32>,
      %mul3A_1558 = arith.mulf %gather3A_1557, %gather3A_1541 : vector<16xf32>
      %add3A_1559 = arith.addf %scan3A_1535, %mul3A_1558 : vector<16xf32>
      %gather3A_1560 = tpu.vector_load_idx %arg11[%add3A_1398, %scan3A_1529] : memref<512x128xf32, #tpu.memory_space<vmem>>[vector<16xi32>, vector<16xi32>], vector<16xf32>,
      %mul3A_1561 = arith.mulf %gather3A_1560, %gather3A_1541 : vector<16xf32>
      %add3A_1562 = arith.addf %scan3A_1536, %mul3A_1561 : vector<16xf32>
      %gather3A_1563 = tpu.vector_load_idx %arg11[%add3A_1401, %scan3A_1529] : memref<512x128xf32, #tpu.memory_space<vmem>>[vector<16xi32>, vector<16xi32>], vector<16xf32>,
      %mul3A_1564 = arith.mulf %gather3A_1563, %gather3A_1541 : vector<16xf32>
      %add3A_1565 = arith.addf %scan3A_1537, %mul3A_1564 : vector<16xf32>
      %add3A_1566 = arith.constant 1 : i32
      %add3A_1567 = vector.broadcast %add3A_1566 : i32 to vector<16xi32>
      %add3A_1568 = arith.addi %scan3A_1529, %add3A_1567 : vector<16xi32>
      %and3A = arith.constant 127 : i32
      %and3A_1569 = vector.broadcast %and3A : i32 to vector<16xi32>
      %and3A_1570 = arith.andi %add3A_1568, %and3A_1569 : vector<16xi32>
      scf.yield %and3A_1570, %add3A_1544, %add3A_1547, %add3A_1550, %add3A_1553, %add3A_1556, %add3A_1559, %add3A_1562, %add3A_1565 : vector<16xi32>, vector<16xf32>, vector<16xf32>, vector<16xf32>, vector<16xf32>, vector<16xf32>, vector<16xf32>, vector<16xf32>, vector<16xf32>
    }
    %scan3A_1407 = arith.constant 128 : i32
    %get3A_1408 = arith.constant 256 : index
    %get3A_1409 = tpu.vector_load %arg14[%get3A_1408] {strides = array<i32>} : memref<512xf32, #tpu.memory_space<vmem>>, vector<16xf32>,
    %add3A_1410 = arith.addf %get3A_1409, %scan3A_1406#1 : vector<16xf32>
    %swap3A_1411 = arith.constant 256 : index
    %swap3A_1412 = tpu.vector_load %arg14[%swap3A_1411] {strides = array<i32>} : memref<512xf32, #tpu.memory_space<vmem>>, vector<16xf32>,
    tpu.vector_store %arg14[%swap3A_1411], %add3A_1410 {strides = array<i32>} : memref<512xf32, #tpu.memory_space<vmem>>, vector<16xf32>,
    %get3A_1413 = arith.constant 272 : index
    %get3A_1414 = tpu.vector_load %arg14[%get3A_1413] {strides = array<i32>} : memref<512xf32, #tpu.memory_space<vmem>>, vector<16xf32>,
    %add3A_1415 = arith.addf %get3A_1414, %scan3A_1406#2 : vector<16xf32>
    %swap3A_1416 = arith.constant 272 : index
    %swap3A_1417 = tpu.vector_load %arg14[%swap3A_1416] {strides = array<i32>} : memref<512xf32, #tpu.memory_space<vmem>>, vector<16xf32>,
    tpu.vector_store %arg14[%swap3A_1416], %add3A_1415 {strides = array<i32>} : memref<512xf32, #tpu.memory_space<vmem>>, vector<16xf32>,
    %get3A_1418 = arith.constant 288 : index
    %get3A_1419 = tpu.vector_load %arg14[%get3A_1418] {strides = array<i32>} : memref<512xf32, #tpu.memory_space<vmem>>, vector<16xf32>,
    %add3A_1420 = arith.addf %get3A_1419, %scan3A_1406#3 : vector<16xf32>
    %swap3A_1421 = arith.constant 288 : index
    %swap3A_1422 = tpu.vector_load %arg14[%swap3A_1421] {strides = array<i32>} : memref<512xf32, #tpu.memory_space<vmem>>, vector<16xf32>,
    tpu.vector_store %arg14[%swap3A_1421], %add3A_1420 {strides = array<i32>} : memref<512xf32, #tpu.memory_space<vmem>>, vector<16xf32>,
    %get3A_1423 = arith.constant 304 : index
    %get3A_1424 = tpu.vector_load %arg14[%get3A_1423] {strides = array<i32>} : memref<512xf32, #tpu.memory_space<vmem>>, vector<16xf32>,
    %add3A_1425 = arith.addf %get3A_1424, %scan3A_1406#4 : vector<16xf32>
    %swap3A_1426 = arith.constant 304 : index
    %swap3A_1427 = tpu.vector_load %arg14[%swap3A_1426] {strides = array<i32>} : memref<512xf32, #tpu.memory_space<vmem>>, vector<16xf32>,
    tpu.vector_store %arg14[%swap3A_1426], %add3A_1425 {strides = array<i32>} : memref<512xf32, #tpu.memory_space<vmem>>, vector<16xf32>,
    %get3A_1428 = arith.constant 320 : index
    %get3A_1429 = tpu.vector_load %arg14[%get3A_1428] {strides = array<i32>} : memref<512xf32, #tpu.memory_space<vmem>>, vector<16xf32>,
    %add3A_1430 = arith.addf %get3A_1429, %scan3A_1406#5 : vector<16xf32>
    %swap3A_1431 = arith.constant 320 : index
    %swap3A_1432 = tpu.vector_load %arg14[%swap3A_1431] {strides = array<i32>} : memref<512xf32, #tpu.memory_space<vmem>>, vector<16xf32>,
    tpu.vector_store %arg14[%swap3A_1431], %add3A_1430 {strides = array<i32>} : memref<512xf32, #tpu.memory_space<vmem>>, vector<16xf32>,
    %get3A_1433 = arith.constant 336 : index
    %get3A_1434 = tpu.vector_load %arg14[%get3A_1433] {strides = array<i32>} : memref<512xf32, #tpu.memory_space<vmem>>, vector<16xf32>,
    %add3A_1435 = arith.addf %get3A_1434, %scan3A_1406#6 : vector<16xf32>
    %swap3A_1436 = arith.constant 336 : index
    %swap3A_1437 = tpu.vector_load %arg14[%swap3A_1436] {strides = array<i32>} : memref<512xf32, #tpu.memory_space<vmem>>, vector<16xf32>,
    tpu.vector_store %arg14[%swap3A_1436], %add3A_1435 {strides = array<i32>} : memref<512xf32, #tpu.memory_space<vmem>>, vector<16xf32>,
    %get3A_1438 = arith.constant 352 : index
    %get3A_1439 = tpu.vector_load %arg14[%get3A_1438] {strides = array<i32>} : memref<512xf32, #tpu.memory_space<vmem>>, vector<16xf32>,
    %add3A_1440 = arith.addf %get3A_1439, %scan3A_1406#7 : vector<16xf32>
    %swap3A_1441 = arith.constant 352 : index
    %swap3A_1442 = tpu.vector_load %arg14[%swap3A_1441] {strides = array<i32>} : memref<512xf32, #tpu.memory_space<vmem>>, vector<16xf32>,
    tpu.vector_store %arg14[%swap3A_1441], %add3A_1440 {strides = array<i32>} : memref<512xf32, #tpu.memory_space<vmem>>, vector<16xf32>,
    %get3A_1443 = arith.constant 368 : index
    %get3A_1444 = tpu.vector_load %arg14[%get3A_1443] {strides = array<i32>} : memref<512xf32, #tpu.memory_space<vmem>>, vector<16xf32>,
    %add3A_1445 = arith.addf %get3A_1444, %scan3A_1406#8 : vector<16xf32>
    %swap3A_1446 = arith.constant 368 : index
    %swap3A_1447 = tpu.vector_load %arg14[%swap3A_1446] {strides = array<i32>} : memref<512xf32, #tpu.memory_space<vmem>>, vector<16xf32>,
    tpu.vector_store %arg14[%swap3A_1446], %add3A_1445 {strides = array<i32>} : memref<512xf32, #tpu.memory_space<vmem>>, vector<16xf32>,
    %dma_wait3A_1448 = arith.constant 3 : i32
    %dma_wait3A_1449 = arith.constant 384 : i32
    %dma_wait3A_1450 = arith.constant 0 : i32
    %dma_wait3A_1451 = tpu.memref_slice %arg11[%dma_wait3A_1449, %dma_wait3A_1450] : memref<512x128xf32, #tpu.memory_space<vmem>> -> memref<128x128xf32, #tpu.memory_space<vmem>>
    %dma_wait3A_1452 = arith.constant 0 : i32
    %dma_wait3A_1453 = tpu.memref_slice %arg10[%dma_wait3A_1448, %dma_wait3A_1452] : memref<4x128xi32, #tpu.memory_space<vmem>> -> memref<1x128xi32, #tpu.memory_space<vmem>>
    %dma_wait3A_1454 = tpu.memref_squeeze %dma_wait3A_1453 : memref<1x128xi32, #tpu.memory_space<vmem>> -> memref<128xi32, #tpu.memory_space<vmem>>
    %dma_wait3A_1455 = arith.constant 0 : i32
    %dma_wait3A_1456 = arith.constant 0 : i32
    %dma_wait3A_1457 = tpu.memref_slice %arg7[%dma_wait3A_1455, %dma_wait3A_1456] : memref<100000x128xf32, #tpu.memory_space<hbm>> -> memref<100000x128xf32, #tpu.memory_space<hbm>>
    tpu.wait_indirect_dma semaphore(%arg16 : memref<!tpu.dma_semaphore, #tpu.memory_space<semaphore_mem>>) src(%dma_wait3A_1457 : memref<100000x128xf32, #tpu.memory_space<hbm>>) dst(%dma_wait3A_1451 : memref<128x128xf32, #tpu.memory_space<vmem>>)
    %add3A_1458 = arith.constant 384 : i32
    %add3A_1459 = vector.broadcast %add3A_1458 : i32 to vector<16xi32>
    %add3A_1460 = arith.addi %iota3A, %add3A_1459 : vector<16xi32>
    %add3A_1461 = arith.constant 400 : i32
    %add3A_1462 = vector.broadcast %add3A_1461 : i32 to vector<16xi32>
    %add3A_1463 = arith.addi %iota3A, %add3A_1462 : vector<16xi32>
    %add3A_1464 = arith.constant 416 : i32
    %add3A_1465 = vector.broadcast %add3A_1464 : i32 to vector<16xi32>
    %add3A_1466 = arith.addi %iota3A, %add3A_1465 : vector<16xi32>
    %add3A_1467 = arith.constant 432 : i32
    %add3A_1468 = vector.broadcast %add3A_1467 : i32 to vector<16xi32>
    %add3A_1469 = arith.addi %iota3A, %add3A_1468 : vector<16xi32>
    %add3A_1470 = arith.constant 448 : i32
    %add3A_1471 = vector.broadcast %add3A_1470 : i32 to vector<16xi32>
    %add3A_1472 = arith.addi %iota3A, %add3A_1471 : vector<16xi32>
    %add3A_1473 = arith.constant 464 : i32
    %add3A_1474 = vector.broadcast %add3A_1473 : i32 to vector<16xi32>
    %add3A_1475 = arith.addi %iota3A, %add3A_1474 : vector<16xi32>
    %add3A_1476 = arith.constant 480 : i32
    %add3A_1477 = vector.broadcast %add3A_1476 : i32 to vector<16xi32>
    %add3A_1478 = arith.addi %iota3A, %add3A_1477 : vector<16xi32>
    %add3A_1479 = arith.constant 496 : i32
    %add3A_1480 = vector.broadcast %add3A_1479 : i32 to vector<16xi32>
    %add3A_1481 = arith.addi %iota3A, %add3A_1480 : vector<16xi32>
    %scan3A_1482 = arith.constant 0 : i32
    %scan3A_1483 = arith.constant 128 : i32
    %scan3A_1484 = arith.addi %scan3A_1482, %scan3A_1483 : i32
    %scan3A_1485 = arith.constant 1 : i32
    %scan3A_1486:9 = scf.for %scan3A_1528 = %scan3A_1482 to %scan3A_1484 step %scan3A_1485 iter_args(%scan3A_1529 = %iota3A, %scan3A_1530 = %broadcast_in_dim3A_1208, %scan3A_1531 = %broadcast_in_dim3A_1208, %scan3A_1532 = %broadcast_in_dim3A_1208, %scan3A_1533 = %broadcast_in_dim3A_1208, %scan3A_1534 = %broadcast_in_dim3A_1208, %scan3A_1535 = %broadcast_in_dim3A_1208, %scan3A_1536 = %broadcast_in_dim3A_1208, %scan3A_1537 = %broadcast_in_dim3A_1208) -> (vector<16xi32>, vector<16xf32>, vector<16xf32>, vector<16xf32>, vector<16xf32>, vector<16xf32>, vector<16xf32>, vector<16xf32>, vector<16xf32>)  : i32 {
      %add3A_1538 = arith.constant 4000 : i32
      %add3A_1539 = vector.broadcast %add3A_1538 : i32 to vector<16xi32>
      %add3A_1540 = arith.addi %scan3A_1529, %add3A_1539 : vector<16xi32>
      %gather3A_1541 = tpu.vector_load_idx %arg13[%add3A_1540] : memref<4128xf32, #tpu.memory_space<vmem>>[vector<16xi32>], vector<16xf32>,
      %gather3A_1542 = tpu.vector_load_idx %arg11[%add3A_1460, %scan3A_1529] : memref<512x128xf32, #tpu.memory_space<vmem>>[vector<16xi32>, vector<16xi32>], vector<16xf32>,
      %mul3A_1543 = arith.mulf %gather3A_1542, %gather3A_1541 : vector<16xf32>
      %add3A_1544 = arith.addf %scan3A_1530, %mul3A_1543 : vector<16xf32>
      %gather3A_1545 = tpu.vector_load_idx %arg11[%add3A_1463, %scan3A_1529] : memref<512x128xf32, #tpu.memory_space<vmem>>[vector<16xi32>, vector<16xi32>], vector<16xf32>,
      %mul3A_1546 = arith.mulf %gather3A_1545, %gather3A_1541 : vector<16xf32>
      %add3A_1547 = arith.addf %scan3A_1531, %mul3A_1546 : vector<16xf32>
      %gather3A_1548 = tpu.vector_load_idx %arg11[%add3A_1466, %scan3A_1529] : memref<512x128xf32, #tpu.memory_space<vmem>>[vector<16xi32>, vector<16xi32>], vector<16xf32>,
      %mul3A_1549 = arith.mulf %gather3A_1548, %gather3A_1541 : vector<16xf32>
      %add3A_1550 = arith.addf %scan3A_1532, %mul3A_1549 : vector<16xf32>
      %gather3A_1551 = tpu.vector_load_idx %arg11[%add3A_1469, %scan3A_1529] : memref<512x128xf32, #tpu.memory_space<vmem>>[vector<16xi32>, vector<16xi32>], vector<16xf32>,
      %mul3A_1552 = arith.mulf %gather3A_1551, %gather3A_1541 : vector<16xf32>
      %add3A_1553 = arith.addf %scan3A_1533, %mul3A_1552 : vector<16xf32>
      %gather3A_1554 = tpu.vector_load_idx %arg11[%add3A_1472, %scan3A_1529] : memref<512x128xf32, #tpu.memory_space<vmem>>[vector<16xi32>, vector<16xi32>], vector<16xf32>,
      %mul3A_1555 = arith.mulf %gather3A_1554, %gather3A_1541 : vector<16xf32>
      %add3A_1556 = arith.addf %scan3A_1534, %mul3A_1555 : vector<16xf32>
      %gather3A_1557 = tpu.vector_load_idx %arg11[%add3A_1475, %scan3A_1529] : memref<512x128xf32, #tpu.memory_space<vmem>>[vector<16xi32>, vector<16xi32>], vector<16xf32>,
      %mul3A_1558 = arith.mulf %gather3A_1557, %gather3A_1541 : vector<16xf32>
      %add3A_1559 = arith.addf %scan3A_1535, %mul3A_1558 : vector<16xf32>
      %gather3A_1560 = tpu.vector_load_idx %arg11[%add3A_1478, %scan3A_1529] : memref<512x128xf32, #tpu.memory_space<vmem>>[vector<16xi32>, vector<16xi32>], vector<16xf32>,
      %mul3A_1561 = arith.mulf %gather3A_1560, %gather3A_1541 : vector<16xf32>
      %add3A_1562 = arith.addf %scan3A_1536, %mul3A_1561 : vector<16xf32>
      %gather3A_1563 = tpu.vector_load_idx %arg11[%add3A_1481, %scan3A_1529] : memref<512x128xf32, #tpu.memory_space<vmem>>[vector<16xi32>, vector<16xi32>], vector<16xf32>,
      %mul3A_1564 = arith.mulf %gather3A_1563, %gather3A_1541 : vector<16xf32>
      %add3A_1565 = arith.addf %scan3A_1537, %mul3A_1564 : vector<16xf32>
      %add3A_1566 = arith.constant 1 : i32
      %add3A_1567 = vector.broadcast %add3A_1566 : i32 to vector<16xi32>
      %add3A_1568 = arith.addi %scan3A_1529, %add3A_1567 : vector<16xi32>
      %and3A = arith.constant 127 : i32
      %and3A_1569 = vector.broadcast %and3A : i32 to vector<16xi32>
      %and3A_1570 = arith.andi %add3A_1568, %and3A_1569 : vector<16xi32>
      scf.yield %and3A_1570, %add3A_1544, %add3A_1547, %add3A_1550, %add3A_1553, %add3A_1556, %add3A_1559, %add3A_1562, %add3A_1565 : vector<16xi32>, vector<16xf32>, vector<16xf32>, vector<16xf32>, vector<16xf32>, vector<16xf32>, vector<16xf32>, vector<16xf32>, vector<16xf32>
    }
    %scan3A_1487 = arith.constant 128 : i32
    %get3A_1488 = arith.constant 384 : index
    %get3A_1489 = tpu.vector_load %arg14[%get3A_1488] {strides = array<i32>} : memref<512xf32, #tpu.memory_space<vmem>>, vector<16xf32>,
    %add3A_1490 = arith.addf %get3A_1489, %scan3A_1486#1 : vector<16xf32>
    %swap3A_1491 = arith.constant 384 : index
    %swap3A_1492 = tpu.vector_load %arg14[%swap3A_1491] {strides = array<i32>} : memref<512xf32, #tpu.memory_space<vmem>>, vector<16xf32>,
    tpu.vector_store %arg14[%swap3A_1491], %add3A_1490 {strides = array<i32>} : memref<512xf32, #tpu.memory_space<vmem>>, vector<16xf32>,
    %get3A_1493 = arith.constant 400 : index
    %get3A_1494 = tpu.vector_load %arg14[%get3A_1493] {strides = array<i32>} : memref<512xf32, #tpu.memory_space<vmem>>, vector<16xf32>,
    %add3A_1495 = arith.addf %get3A_1494, %scan3A_1486#2 : vector<16xf32>
    %swap3A_1496 = arith.constant 400 : index
    %swap3A_1497 = tpu.vector_load %arg14[%swap3A_1496] {strides = array<i32>} : memref<512xf32, #tpu.memory_space<vmem>>, vector<16xf32>,
    tpu.vector_store %arg14[%swap3A_1496], %add3A_1495 {strides = array<i32>} : memref<512xf32, #tpu.memory_space<vmem>>, vector<16xf32>,
    %get3A_1498 = arith.constant 416 : index
    %get3A_1499 = tpu.vector_load %arg14[%get3A_1498] {strides = array<i32>} : memref<512xf32, #tpu.memory_space<vmem>>, vector<16xf32>,
    %add3A_1500 = arith.addf %get3A_1499, %scan3A_1486#3 : vector<16xf32>
    %swap3A_1501 = arith.constant 416 : index
    %swap3A_1502 = tpu.vector_load %arg14[%swap3A_1501] {strides = array<i32>} : memref<512xf32, #tpu.memory_space<vmem>>, vector<16xf32>,
    tpu.vector_store %arg14[%swap3A_1501], %add3A_1500 {strides = array<i32>} : memref<512xf32, #tpu.memory_space<vmem>>, vector<16xf32>,
    %get3A_1503 = arith.constant 432 : index
    %get3A_1504 = tpu.vector_load %arg14[%get3A_1503] {strides = array<i32>} : memref<512xf32, #tpu.memory_space<vmem>>, vector<16xf32>,
    %add3A_1505 = arith.addf %get3A_1504, %scan3A_1486#4 : vector<16xf32>
    %swap3A_1506 = arith.constant 432 : index
    %swap3A_1507 = tpu.vector_load %arg14[%swap3A_1506] {strides = array<i32>} : memref<512xf32, #tpu.memory_space<vmem>>, vector<16xf32>,
    tpu.vector_store %arg14[%swap3A_1506], %add3A_1505 {strides = array<i32>} : memref<512xf32, #tpu.memory_space<vmem>>, vector<16xf32>,
    %get3A_1508 = arith.constant 448 : index
    %get3A_1509 = tpu.vector_load %arg14[%get3A_1508] {strides = array<i32>} : memref<512xf32, #tpu.memory_space<vmem>>, vector<16xf32>,
    %add3A_1510 = arith.addf %get3A_1509, %scan3A_1486#5 : vector<16xf32>
    %swap3A_1511 = arith.constant 448 : index
    %swap3A_1512 = tpu.vector_load %arg14[%swap3A_1511] {strides = array<i32>} : memref<512xf32, #tpu.memory_space<vmem>>, vector<16xf32>,
    tpu.vector_store %arg14[%swap3A_1511], %add3A_1510 {strides = array<i32>} : memref<512xf32, #tpu.memory_space<vmem>>, vector<16xf32>,
    %get3A_1513 = arith.constant 464 : index
    %get3A_1514 = tpu.vector_load %arg14[%get3A_1513] {strides = array<i32>} : memref<512xf32, #tpu.memory_space<vmem>>, vector<16xf32>,
    %add3A_1515 = arith.addf %get3A_1514, %scan3A_1486#6 : vector<16xf32>
    %swap3A_1516 = arith.constant 464 : index
    %swap3A_1517 = tpu.vector_load %arg14[%swap3A_1516] {strides = array<i32>} : memref<512xf32, #tpu.memory_space<vmem>>, vector<16xf32>,
    tpu.vector_store %arg14[%swap3A_1516], %add3A_1515 {strides = array<i32>} : memref<512xf32, #tpu.memory_space<vmem>>, vector<16xf32>,
    %get3A_1518 = arith.constant 480 : index
    %get3A_1519 = tpu.vector_load %arg14[%get3A_1518] {strides = array<i32>} : memref<512xf32, #tpu.memory_space<vmem>>, vector<16xf32>,
    %add3A_1520 = arith.addf %get3A_1519, %scan3A_1486#7 : vector<16xf32>
    %swap3A_1521 = arith.constant 480 : index
    %swap3A_1522 = tpu.vector_load %arg14[%swap3A_1521] {strides = array<i32>} : memref<512xf32, #tpu.memory_space<vmem>>, vector<16xf32>,
    tpu.vector_store %arg14[%swap3A_1521], %add3A_1520 {strides = array<i32>} : memref<512xf32, #tpu.memory_space<vmem>>, vector<16xf32>,
    %get3A_1523 = arith.constant 496 : index
    %get3A_1524 = tpu.vector_load %arg14[%get3A_1523] {strides = array<i32>} : memref<512xf32, #tpu.memory_space<vmem>>, vector<16xf32>,
    %add3A_1525 = arith.addf %get3A_1524, %scan3A_1486#8 : vector<16xf32>
    %swap3A_1526 = arith.constant 496 : index
    %swap3A_1527 = tpu.vector_load %arg14[%swap3A_1526] {strides = array<i32>} : memref<512xf32, #tpu.memory_space<vmem>>, vector<16xf32>,
    tpu.vector_store %arg14[%swap3A_1526], %add3A_1525 {strides = array<i32>} : memref<512xf32, #tpu.memory_space<vmem>>, vector<16xf32>,
    "tpu.region"() ({
      %run_scoped3A = tpu.sem_alloc : memref<!tpu.dma_semaphore, #tpu.memory_space<semaphore_mem>>
      %dma_start3A_1528 = tpu.memref_slice %arg9[%mul3A_2] : memref<16384xf32, #tpu.memory_space<hbm>> -> memref<512xf32, #tpu.memory_space<hbm>>
      %dma_start3A_1529 = tpu.memref_slice %arg9[%mul3A_2] : memref<16384xf32, #tpu.memory_space<hbm>> -> memref<512xf32, #tpu.memory_space<hbm>>
      tpu.enqueue_dma source(%arg14 : memref<512xf32, #tpu.memory_space<vmem>>) target(%dma_start3A_1529 : memref<512xf32, #tpu.memory_space<hbm>>) target_semaphore(%run_scoped3A : memref<!tpu.dma_semaphore, #tpu.memory_space<semaphore_mem>>)
      %dma_wait3A_1530 = tpu.memref_slice %arg9[%mul3A_2] : memref<16384xf32, #tpu.memory_space<hbm>> -> memref<512xf32, #tpu.memory_space<hbm>>
      %dma_wait3A_1531 = tpu.memref_slice %arg9[%mul3A_2] : memref<16384xf32, #tpu.memory_space<hbm>> -> memref<512xf32, #tpu.memory_space<hbm>>
      tpu.wait_dma2 semaphore(%run_scoped3A : memref<!tpu.dma_semaphore, #tpu.memory_space<semaphore_mem>>) src(%arg14 : memref<512xf32, #tpu.memory_space<vmem>>) dst(%dma_wait3A_1531 : memref<512xf32, #tpu.memory_space<hbm>>)
      tpu.yield
    }) : () -> ()
    return
  }
}

module attributes {stable_mosaic.version = 14 : i64} {
  func.func @_aux_body(%arg0: memref<1000x128xf32, #tpu.memory_space<vmem>>, %arg1: memref<1000x128xf32, #tpu.memory_space<vmem>>, %arg2: memref<1000x128xf32, #tpu.memory_space<vmem>>, %arg3: memref<1000x128xf32, #tpu.memory_space<vmem>>, %arg4: memref<128x1xf32, #tpu.memory_space<vmem>>, %arg5: memref<1x1xf32, #tpu.memory_space<vmem>>, %arg6: memref<4128x1xf32, #tpu.memory_space<vmem>>) attributes {dimension_semantics = [], scalar_prefetch = 0 : i64, scratch_operands = 0 : i64, tpu.core_type = #tpu.core_type<tc>} {
    %get3A = arith.constant 0 : index
    %get3A_0 = arith.constant 0 : index
    %get3A_1 = vector.load %arg4[%get3A, %get3A_0] : memref<128x1xf32, #tpu.memory_space<vmem>>, vector<128x1xf32>
    %get3A_2 = arith.constant 0 : index
    %get3A_3 = arith.constant 0 : index
    %get3A_4 = vector.load %arg0[%get3A_2, %get3A_3] : memref<1000x128xf32, #tpu.memory_space<vmem>>, vector<1000x128xf32>
    %dot_general3A = arith.constant dense<0.000000e+00> : vector<1000x1xf32>
    %dot_general3A_5 = tpu.matmul %get3A_4, %get3A_1, %dot_general3A {dimension_numbers = #tpu.dot_dimension_numbers<[1], [0], [0], [1], [0, 0, 1, 1], [], []>, transpose_lhs_hint = false} : vector<1000x128xf32>, vector<128x1xf32>, vector<1000x1xf32> -> vector<1000x1xf32>
    %get3A_6 = arith.constant 0 : index
    %get3A_7 = arith.constant 0 : index
    %get3A_8 = vector.load %arg5[%get3A_6, %get3A_7] : memref<1x1xf32, #tpu.memory_space<vmem>>, vector<1x1xf32>
    %add3A = vector.broadcast %get3A_8 : vector<1x1xf32> to vector<1000x1xf32>
    %add3A_9 = arith.addf %dot_general3A_5, %add3A : vector<1000x1xf32>
    %swap3A = arith.constant 0 : index
    %swap3A_10 = arith.constant 0 : index
    %swap3A_11 = vector.load %arg6[%swap3A, %swap3A_10] : memref<4128x1xf32, #tpu.memory_space<vmem>>, vector<1000x1xf32>
    tpu.vector_store %arg6[%swap3A, %swap3A_10], %add3A_9 {strides = array<i32>} : memref<4128x1xf32, #tpu.memory_space<vmem>>, vector<1000x1xf32>,
    %get3A_12 = arith.constant 0 : index
    %get3A_13 = arith.constant 0 : index
    %get3A_14 = vector.load %arg1[%get3A_12, %get3A_13] : memref<1000x128xf32, #tpu.memory_space<vmem>>, vector<1000x128xf32>
    %dot_general3A_15 = arith.constant dense<0.000000e+00> : vector<1000x1xf32>
    %dot_general3A_16 = tpu.matmul %get3A_14, %get3A_1, %dot_general3A_15 {dimension_numbers = #tpu.dot_dimension_numbers<[1], [0], [0], [1], [0, 0, 1, 1], [], []>, transpose_lhs_hint = false} : vector<1000x128xf32>, vector<128x1xf32>, vector<1000x1xf32> -> vector<1000x1xf32>
    %swap3A_17 = arith.constant 1000 : index
    %swap3A_18 = arith.constant 0 : index
    %swap3A_19 = vector.load %arg6[%swap3A_17, %swap3A_18] : memref<4128x1xf32, #tpu.memory_space<vmem>>, vector<1000x1xf32>
    tpu.vector_store %arg6[%swap3A_17, %swap3A_18], %dot_general3A_16 {strides = array<i32>} : memref<4128x1xf32, #tpu.memory_space<vmem>>, vector<1000x1xf32>,
    %get3A_20 = arith.constant 0 : index
    %get3A_21 = arith.constant 0 : index
    %get3A_22 = vector.load %arg2[%get3A_20, %get3A_21] : memref<1000x128xf32, #tpu.memory_space<vmem>>, vector<1000x128xf32>
    %dot_general3A_23 = arith.constant dense<0.000000e+00> : vector<1000x1xf32>
    %dot_general3A_24 = tpu.matmul %get3A_22, %get3A_1, %dot_general3A_23 {dimension_numbers = #tpu.dot_dimension_numbers<[1], [0], [0], [1], [0, 0, 1, 1], [], []>, transpose_lhs_hint = false} : vector<1000x128xf32>, vector<128x1xf32>, vector<1000x1xf32> -> vector<1000x1xf32>
    %swap3A_25 = arith.constant 2000 : index
    %swap3A_26 = arith.constant 0 : index
    %swap3A_27 = vector.load %arg6[%swap3A_25, %swap3A_26] : memref<4128x1xf32, #tpu.memory_space<vmem>>, vector<1000x1xf32>
    tpu.vector_store %arg6[%swap3A_25, %swap3A_26], %dot_general3A_24 {strides = array<i32>} : memref<4128x1xf32, #tpu.memory_space<vmem>>, vector<1000x1xf32>,
    %get3A_28 = arith.constant 0 : index
    %get3A_29 = arith.constant 0 : index
    %get3A_30 = vector.load %arg3[%get3A_28, %get3A_29] : memref<1000x128xf32, #tpu.memory_space<vmem>>, vector<1000x128xf32>
    %dot_general3A_31 = arith.constant dense<0.000000e+00> : vector<1000x1xf32>
    %dot_general3A_32 = tpu.matmul %get3A_30, %get3A_1, %dot_general3A_31 {dimension_numbers = #tpu.dot_dimension_numbers<[1], [0], [0], [1], [0, 0, 1, 1], [], []>, transpose_lhs_hint = false} : vector<1000x128xf32>, vector<128x1xf32>, vector<1000x1xf32> -> vector<1000x1xf32>
    %swap3A_33 = arith.constant 3000 : index
    %swap3A_34 = arith.constant 0 : index
    %swap3A_35 = vector.load %arg6[%swap3A_33, %swap3A_34] : memref<4128x1xf32, #tpu.memory_space<vmem>>, vector<1000x1xf32>
    tpu.vector_store %arg6[%swap3A_33, %swap3A_34], %dot_general3A_32 {strides = array<i32>} : memref<4128x1xf32, #tpu.memory_space<vmem>>, vector<1000x1xf32>,
    %swap3A_36 = arith.constant 4000 : index
    %swap3A_37 = arith.constant 0 : index
    %swap3A_38 = vector.load %arg6[%swap3A_36, %swap3A_37] : memref<4128x1xf32, #tpu.memory_space<vmem>>, vector<128x1xf32>
    tpu.vector_store %arg6[%swap3A_36, %swap3A_37], %get3A_1 {strides = array<i32>} : memref<4128x1xf32, #tpu.memory_space<vmem>>, vector<128x1xf32>,
    return
  }
}

</mosaic_0001>

<sc_bundles>
// kernel: kernel.4.cloned.1.call-start
scs
__scs_entry_jumppad:
0x0: {  	(pc) =	sbr.rel $0x88, $3  }
0x1: {  	(tag) =	ssettag $0x0;
	lr =	simm.s32 $0x1  }
0x2: {  	[smem:$0x3F95] =	sst lr;
	_ =	strace $0xD0000000  }
0x3: {  	_ = 	snop  }
0x4: {  	_ = 	snop  }
0x5: {  	_ = 	snop  }
0x6: {  	_ = 	snop  }
0x7: {  	_ = 	snop  }
__scs_overlays_trampoline_lowered:
0x8: {  	[smem:$0x3FA4] =	sst s0  }
0x9: {  	[smem:$0x3FA5] =	sst s1  }
0xa: {  	[smem:$0x3FA6] =	sst s2  }
0xb: {  	[smem:$0x3FA7] =	sst s3  }
0xc: {  	[smem:$0x3FA8] =	sst s4  }
0xd: {  	[smem:$0x3FA9] =	sst s5  }
0xe: {  	[smem:$0x3FAA] =	sst s6  }
0xf: {  	[smem:$0x3FAB] =	sst s7  }
0x10: {  	[smem:$0x3FAC] =	sst s8  }
0x11: {  	[smem:$0x3FAD] =	sst s9;
	s0 =	simm.s32 @!p0 $0x0  }
0x12: {  	s1 =	sld [smem:$0x3F93];
	s0 =	simm.s32 @p0 $0x1  }
0x13: {  	[smem:$0x3FAE] =	sst s0;
	s0 =	simm.s32 @!p1 $0x0  }
0x14: {  	s2 =	sld [smem:$0x3F92];
	s0 =	simm.s32 @p1 $0x1  }
0x15: {  	[smem:$0x3FAF] =	sst s0;
	s0 =	simm.s32 @!p2 $0x0  }
0x16: {  	s3 =	sld [smem:$0x3FDB];
	s0 =	simm.s32 @p2 $0x1  }
0x17: {  	s4 =	simm.s32 $0x1BF5;
	[smem:$0x3FB1] =	sst s0  }
0x18: {  	s0 =	sld [smem:$0x3F94];
	_ =	swait.ge [sflag:s4], $0x0  }
0x19: {  	s7 =	sld [smem:$0x3F95]  }
0x1a: {  	s8 =	sadd.s32 $0xFFFFE003, lr  }
0x1b: {  	s9 =	sadd.s32 $0xFFFFFEF7, lr;
	s5 =	simm.s32 $0xFFFFFFFF;
	p2 =	slt.u32 s8, $0xFFFFF086  }
0x1c: {  	p1 =	slt.u32 s9, $0xF7A;
	s5 =	simm.s32 @!p2 $0x0  }
0x1d: {  	s5 =	simm.s32 @p1 $0x1;
	p0 =	seq.s32 s7, s2  }
0x1e: {  	s7 =	smul.u32 @!p0 $0xF7A, s2;
	p2 =	seq.s32 @!p0 s5, $0x0  }
0x1f: {  	s9 =	smul.u32 $0xF7A, s1;
	s8 =	simm.s32 @!p0 $0x1BF5;
	p2 =	por !p2, p0  }
0x20: {  	[sflag:s8] =	ssyncset.s32 @!p0 $0xFFFFF086;
	s6 =	sadd.s32 @!p0 s3, s7;
	s7 =	simm.s32 @!p0 $0x108  }
0x21: {  	s3 =	sadd.s32 s3, s9;
	s6 =	sadd.s32 @!p0 $0x88, s6;
	s7 =	simm.s32 @p2 $0x1082  }
0x22: {  	[simem:s7], [sflag:s8] =	dma.local @!p0 [hbm:s6], $0xF7A  }
0x23: {  	s9 =	sor.u32 $0xD0000000, s2;
	s6 =	simm.s32 $0x108;
	_ =	swait.ge @!p0 [sflag:s8], $0x0  }
0x24: {  	s3 =	sadd.s32 $0x88, s3;
	s6 =	simm.s32 @!p1 $0x1082;
	[sflag:s4] =	ssyncset.s32 $0xFFFFF086  }
0x25: {  	[simem:s6], [sflag:s4] =	dma.local [hbm:s3], $0xF7A  }
0x26: {  	[smem:$0x3F95] =	sst s1;
	(tag) =	ssettag s2;
	_ =	strace s9  }
0x27: {  	s1 =	sld [smem:$0x3FA5]  }
0x28: {  	s2 =	sld [smem:$0x3FA6]  }
0x29: {  	s4 =	sld [smem:$0x3FA8]  }
0x2a: {  	p0 =	seq.s32 s5, $0x0;
	s5 =	sld [smem:$0x3FA9]  }
0x2b: {  	s6 =	sld [smem:$0x3FAA]  }
0x2c: {  	s7 =	sld [smem:$0x3FAB]  }
0x2d: {  	s3 =	simm.s32 $0x108;
	s8 =	sld [smem:$0x3FAC]  }
0x2e: {  	s3 =	simm.s32 @!p0 $0x1082;
	s9 =	sld [smem:$0x3FAD]  }
0x2f: {  	lr =	sadd.s32 s0, s3;
	s0 =	sld [smem:$0x3FA4]  }
0x30: {  	s3 =	sld [smem:$0x3FA7]  }
0x31: {  	[smem:$0x3FB0] =	sst s10  }
0x32: {  	s10 =	sld [smem:$0x3FAE];
	_ =	sdelay $0x3  }
0x33: {  	p0 =	seq.s32 s10, $0x1;
	s10 =	sld [smem:$0x3FB0];
	_ =	sdelay $0x3  }
0x34: {  	[smem:$0x3FB0] =	sst s10  }
0x35: {  	s10 =	sld [smem:$0x3FAF];
	_ =	sdelay $0x3  }
0x36: {  	p1 =	seq.s32 s10, $0x1;
	s10 =	sld [smem:$0x3FB0];
	_ =	sdelay $0x3  }
0x37: {  	[smem:$0x3FB0] =	sst s10  }
0x38: {  	s10 =	sld [smem:$0x3FB1]  }
0x39: {  	_ = 	snop;
	(pc) =	sbr.ind lr, $3  }
0x3a: {  	_ = 	snop  }
0x3b: {  	_ = 	snop  }
0x3c: {  	p2 =	seq.s32 s10, $0x1;
	s10 =	sld [smem:$0x3FB0]  }
0x3d: {  	_ =	shalt  }
0x3e: {  	_ =	shalt  }
0x3f: {  	_ =	shalt  }
0x40: {  	_ =	shalt  }
0x41: {  	_ =	shalt  }
0x42: {  	_ =	shalt  }
0x43: {  	_ =	shalt  }
0x44: {  	_ =	shalt  }
0x45: {  	_ =	shalt  }
0x46: {  	_ =	shalt  }
0x47: {  	_ =	shalt  }
0x48: {  	_ =	shalt  }
0x49: {  	_ =	shalt  }
0x4a: {  	_ =	shalt  }
0x4b: {  	_ =	shalt  }
0x4c: {  	_ =	shalt  }
0x4d: {  	_ =	shalt  }
0x4e: {  	_ =	shalt  }
0x4f: {  	_ =	shalt  }
0x50: {  	_ =	shalt  }
0x51: {  	_ =	shalt  }
0x52: {  	_ =	shalt  }
0x53: {  	_ =	shalt  }
0x54: {  	_ =	shalt  }
0x55: {  	_ =	shalt  }
0x56: {  	_ =	shalt  }
0x57: {  	_ =	shalt  }
0x58: {  	_ =	shalt  }
0x59: {  	_ =	shalt  }
0x5a: {  	_ =	shalt  }
0x5b: {  	_ =	shalt  }
0x5c: {  	_ =	shalt  }
0x5d: {  	_ =	shalt  }
0x5e: {  	_ =	shalt  }
0x5f: {  	_ =	shalt  }
0x60: {  	_ =	shalt  }
0x61: {  	_ =	shalt  }
0x62: {  	_ =	shalt  }
0x63: {  	_ =	shalt  }
0x64: {  	_ =	shalt  }
0x65: {  	_ =	shalt  }
0x66: {  	_ =	shalt  }
0x67: {  	_ =	shalt  }
0x68: {  	_ =	shalt  }
0x69: {  	_ =	shalt  }
0x6a: {  	_ =	shalt  }
0x6b: {  	_ =	shalt  }
0x6c: {  	_ =	shalt  }
0x6d: {  	_ =	shalt  }
0x6e: {  	_ =	shalt  }
0x6f: {  	_ =	shalt  }
0x70: {  	_ =	shalt  }
0x71: {  	_ =	shalt  }
0x72: {  	_ =	shalt  }
0x73: {  	_ =	shalt  }
0x74: {  	_ =	shalt  }
0x75: {  	_ =	shalt  }
0x76: {  	_ =	shalt  }
0x77: {  	_ =	shalt  }
0x78: {  	_ =	shalt  }
0x79: {  	_ =	shalt  }
0x7a: {  	_ =	shalt  }
0x7b: {  	_ =	shalt  }
0x7c: {  	_ =	shalt  }
0x7d: {  	_ =	shalt  }
0x7e: {  	_ =	shalt  }
0x7f: {  	_ =	shalt  }
0x80: {  	_ =	shalt  }
0x81: {  	_ =	shalt  }
0x82: {  	_ =	shalt  }
0x83: {  	_ =	shalt  }
0x84: {  	_ =	shalt  }
0x85: {  	_ =	shalt  }
0x86: {  	_ =	shalt  }
0x87: {  	_ =	shalt  }
.Lfunc_end0:
.L_simem_size_0:
called_computation_lowered:
.L_overlay_start_0:
0x88: {  	s2 =	sld [smem:$0x3FD9]  }
0x89: {  	s3 =	sld [smem:$0x3FFE];
	_ =	sdelay $0x1  }
0x8a: {  	s1 =	srdreg.scid  }
0x8b: {  	s0 =	sand.u32 $0x1, s1  }
0x8c: {  	s17 =	sshll.u32 s0, $0xA;
	s2 =	sadd.s32 s3, s2  }
0x8d: {  	s2 =	sadd.s32 s2, s17  }
0x8e: {  	[smem:$0x3FBC] =	sst s2  }
0x8f: {  	_ = 	snop  }
0x90: {  	s2 =	sld [smem:$0x3FC9]  }
0x91: {  	s18 =	sld [smem:$0x3FC8]  }
0x92: {  	s4 =	sld [smem:$0x3FC7]  }
0x93: {  	s5 =	sld [smem:$0x3FC6]  }
0x94: {  	s6 =	sld [smem:$0x3FC5]  }
0x95: {  	s7 =	sld [smem:$0x3FC4]  }
0x96: {  	s8 =	sld [smem:$0x3FD0];
	(tm) =	ssettm $0x1  }
0x97: {  	s9 =	sld [smem:$0x3FFB];
	_ =	sdelay $0x3  }
0x98: {  	_ =	strace s9  }
0x99: {  	s9 =	sld [smem:$0x3FFC];
	_ =	sdelay $0x3  }
0x9a: {  	_ =	strace s9  }
0x9b: {  	s9 =	sld [smem:$0x3FFD];
	_ =	sdelay $0x3  }
0x9c: {  	_ =	strace s9  }
0x9d: {  	_ =	strace $0x8FFFFFFF  }
0x9e: {  	s19 =	sld [smem:$0x3FDB];
	_ =	sdelay $0x1  }
0x9f: {  	s10 =	simm.s32 $_scs_section_size  }
0xa0: {  	s11 =	simm.s32 $_size__tile_overlayer_lowered;
	s12 =	simm.s32 $_tile_overlayer_lowered  }
0xa1: {  	s22 =	simm.s32 $0x1BFF;
	s21 =	sshll.u32 s12, $0x1;
	s9 =	sadd.s32 s10, s19  }
0xa2: {  	s13 =	simm.s32 $0x0;
	s20 =	sshll.u32 s11, $0x1;
	s11 =	sadd.s32 s21, s9  }
0xa3: {  	[timem:s13], [sflag:s22] =	dma.local [hbm:s11], s20  }
0xa4: {  	_ =	swait.ge [sflag:s22], s20  }
0xa5: {  	s10 =	ssub.s32 $0x0, s20;
	[sflag:s22] =	ssyncset.done $0x0  }
0xa6: {  	[sflag:s22] =	ssyncadd.s32 s10;
	_ =	sdelay $0x1  }
0xa7: {  	s23 =	simm.s32 $0x1B8B  }
0xa8: {  	_ =	swait.ge [sflag:s23], $0x1  }
0xa9: {  	[sflag:s23] =	ssyncset.done $0x0  }
0xaa: {  	s25 =	simm.s32 $0x1B8E;
	s24 =	sld [smem:$0x3FFE];
	[sflag:s23] =	ssyncadd.s32 $0xFFFFFFFF  }
0xab: {  	s26 =	simm.s32 $execute0_lowered;
	[smem:$0x3FD2] =	sst s25  }
0xac: {  	s11 =	sshll.u32 s26, $0x1;
	_ =	strace $0x80000046;
	[dreg:$0x1] =	wrdreg $0xFFFFFFFF  }
0xad: {  	s28 =	simm.s32 $_size_execute0_lowered;
	s9 =	sadd.s32 s9, s11;
	[dreg:$0x0] =	wrdreg $0x0  }
0xae: {  	s11 =	sshll.u32 s28, $0x1;
	[dreg:$0x2] =	wrdreg s9  }
0xaf: {  	[dreg:$0x3] =	wrdreg s11  }
0xb0: {  	[dreg:$0x4] =	wrdreg $0xC0  }
0xb1: {  	_ =	task [dreg:s13], $0x5FFFF  }
0xb2: {  	[dreg:$0x1] =	wrdreg $0xFFFFFFFF  }
0xb3: {  	[dreg:$0x0] =	wrdreg $0x60  }
0xb4: {  	[dreg:$0x2] =	wrdreg s2  }
0xb5: {  	[dreg:$0x3] =	wrdreg s18  }
0xb6: {  	[dreg:$0x4] =	wrdreg s4  }
0xb7: {  	[dreg:$0x5] =	wrdreg s5  }
0xb8: {  	[dreg:$0x6] =	wrdreg s6  }
0xb9: {  	[dreg:$0x7] =	wrdreg s7  }
0xba: {  	[dreg:$0x8] =	wrdreg s24  }
0xbb: {  	[dreg:$0x9] =	wrdreg s8  }
0xbc: {  	[dreg:$0xa] =	wrdreg $0x9  }
0xbd: {  	_ =	task.clear_ibuf [dreg:s13], $0xBFFFF;
	_ =	strace $0x90000046  }
0xbe: {  	s29 =	simm.s32 $0x9;
	_ =	strace $0x80000048  }
0xbf: {  	_ =	swait.ge [sflag:s29], $0x1  }
0xc0: {  	[sflag:s29] =	ssyncadd.s32 $0xFFFFFFFF  }
0xc1: {  	_ =	strace $0x90000048  }
0xc2: {  	_ =	sfence  }
0xc3: {  	s30 =	sld [smem:$0x0];
	_ =	sdelay $0x2  }
0xc4: {  	s31 =	sshll.u32 s1, $0xD;
	s1 =	sshrl.u32 s1, $0x2  }
0xc5: {  	s3 =	sand.u32 $0x4000, s31;
	s1 =	sadd.s32 s1, s30  }
0xc6: {  	s0 =	sor.u32 s3, s0;
	s1 =	sshll.u32 s1, $0x11  }
0xc7: {  	s0 =	sor.u32 s1, s0  }
0xc8: {  	s0 =	sadd.s32 $0x8F2B, s0  }
0xc9: {  	[sflag:s0] =	ssyncadd.remote.s32 $0x1  }
0xca: {  	_ =	sfence.sel $0xFFFF  }
0xcb: {  	[dreg:$0x0] =	wrdreg $0xFFFFFFFF;
	(pc) =	sbr.abs _section_cstart, $3  }
0xcc: {  	[dreg:$0x1] =	wrdreg $0xFFFFFFFF  }
0xcd: {  	_ =	task.clear_ibuf [dreg:s13], $0x2FFFF;
	_ =	strace $0x9FFFFFFF  }
0xce: {  	(tm) =	ssettm $0x7FFFFFFF  }
0xcf: {  	_ =	shalt  }
tec
execute0_lowered:
.L_overlay_start_1:
0x0: {  	(tag) =	ssettag $0x1  }
0x1: {  	s0 =	rddreg [dreg:$0x0]  }
0x2: {  	s3 =	rddreg [dreg:$0x1]  }
0x3: {  	s7 =	rddreg [dreg:$0x2]  }
0x4: {  	s8 =	rddreg [dreg:$0x3]  }
0x5: {  	s9 =	rddreg [dreg:$0x4]  }
0x6: {  	s1 =	rddreg [dreg:$0x5]  }
0x7: {  	s4 =	rddreg [dreg:$0x6]  }
0x8: {  	s10 =	rddreg [dreg:$0x7];
	s2 =	simm.s32 $0x0;
	s5 =	srdreg.scid  }
0x9: {  	s12 =	stileid.u32;
	s24 =	simm.s32 $0x200;
	s31 =	simm.s32 $0x3  }
0xa: {  	s25 =	simm.s32 $0x2;
	s28 =	simm.s32 $0x4;
	s29 =	simm.s32 $0x0  }
0xb: {  	[smem:$0x7FF] =	sst s2;
	s5 =	sand.u32 $0x1, s5;
	s4 =	sadd.s32 $0x800, s4  }
0xc: {  	s12 =	sshll.u32 s12, $0x7;
	_ =	strace $0x80000047;
	s6 =	ssub.s32 $0x2, s5  }
0xd: {  	v0 =	vlaneseq.u32;
	[dreg:$0x9] =	wrdreg s4;
	s5 =	sshll.u32 s5, $0x6;
	s11 =	sshrl.u32 s6, $0x1  }
0xe: {  	v1 =	vmul.u32 $0x80, v0;
	s0 =	sadd.s32 s0, s5;
	s13 =	sor.u32 s5, s12;
	s11 =	ssub.s32 s6, s11  }
0xf: {  	s5 =	sadd.s32 s12, s0;
	s6 =	sadd.s32 s3, s13;
	s7 =	sadd.s32 s7, s13  }
0x10: {  	v2 =	vor.u32 $0x800, v1;
	v3 =	vor.u32 $0x1000, v1;
	v4 =	vor.u32 $0x1800, v1;
	s8 =	sadd.s32 s8, s13;
	s9 =	sadd.s32 s9, s13;
	s10 =	sadd.s32 s10, s13  }
0x11: {  	v5 =	vor.u32 $0x2000, v1;
	v6 =	vor.u32 $0x2800, v1;
	v7 =	vor.u32 $0x3000, v1;
	s0 =	simm.s32 $0x10A00;
	s3 =	simm.s32 $0x1;
	s11 =	smax.u32 s11, $0x1  }
0x12: {  	v8 =	vor.u32 $0x3800, v1;
	v9 =	vor.u32 $0x4000, v1;
	v10 =	vor.u32 $0x4800, v1;
	s12 =	sadd.s32 $0x10, s6;
	s13 =	sadd.s32 $0x20, s6;
	s14 =	sadd.s32 $0x30, s6  }
0x13: {  	v11 =	vor.u32 $0x5000, v1;
	v12 =	vor.u32 $0x5800, v1;
	v13 =	vor.u32 $0x6000, v1;
	s15 =	sadd.s32 $0x10, s7;
	s16 =	sadd.s32 $0x20, s7;
	s17 =	sadd.s32 $0x30, s7  }
0x14: {  	v14 =	vor.u32 $0x6800, v1;
	v15 =	vor.u32 $0x7000, v1;
	v16 =	vor.u32 $0x7800, v1;
	s18 =	sadd.s32 $0x10, s8;
	s19 =	sadd.s32 $0x20, s8;
	s20 =	sadd.s32 $0x30, s8  }
0x15: {  	v17 =	vor.u32 $0x8000, v1;
	v18 =	vor.u32 $0x8800, v1;
	v19 =	vor.u32 $0x9000, v1;
	s21 =	sadd.s32 $0x10, s9;
	s22 =	sadd.s32 $0x20, s9;
	s23 =	sadd.s32 $0x30, s9  }
.LBB2_1:
0x16: {  	[tilespmem:s2], [sflag:$0x1] =	stream.linear.gather [hbm4b:s5+s2], $0x200, $0x38;
	[tilespmem:$0x11C80] =	vst v63  }
0x17: {  	s30 =	simm.s32 $0x10200  }
0x18: {  	[tilespmem:s30], [sflag:$0x3] =	stream.linear.gather [hbm4b:s6+s2], $0x80, $0x38;
	[tilespmem:$0x11C80] =	vst v63  }
0x19: {  	s30 =	simm.s32 $0x10400  }
0x1a: {  	[tilespmem:s30], [sflag:$0x3] =	stream.linear.gather [hbm4b:s12+s2], $0x80, $0x38;
	[tilespmem:$0x11C80] =	vst v63  }
0x1b: {  	s30 =	simm.s32 $0x10600  }
0x1c: {  	[tilespmem:s30], [sflag:$0x3] =	stream.linear.gather [hbm4b:s13+s2], $0x80, $0x38;
	[tilespmem:$0x11C80] =	vst v63  }
0x1d: {  	s30 =	simm.s32 $0x10800  }
0x1e: {  	[tilespmem:s30], [sflag:$0x3] =	stream.linear.gather [hbm4b:s14+s2], $0x80, $0x38;
	[tilespmem:$0x11C80] =	vst v63  }
0x1f: {  	s30 =	simm.s32 $0x10280  }
0x20: {  	[tilespmem:s30], [sflag:$0x3] =	stream.linear.gather [hbm4b:s7+s2], $0x80, $0x38;
	[tilespmem:$0x11C80] =	vst v63  }
0x21: {  	s30 =	simm.s32 $0x10480  }
0x22: {  	[tilespmem:s30], [sflag:$0x3] =	stream.linear.gather [hbm4b:s15+s2], $0x80, $0x38;
	[tilespmem:$0x11C80] =	vst v63  }
0x23: {  	s30 =	simm.s32 $0x10680  }
0x24: {  	[tilespmem:s30], [sflag:$0x3] =	stream.linear.gather [hbm4b:s16+s2], $0x80, $0x38;
	[tilespmem:$0x11C80] =	vst v63  }
0x25: {  	s30 =	simm.s32 $0x10880  }
0x26: {  	[tilespmem:s30], [sflag:$0x3] =	stream.linear.gather [hbm4b:s17+s2], $0x80, $0x38;
	[tilespmem:$0x11C80] =	vst v63  }
0x27: {  	s30 =	simm.s32 $0x10300  }
0x28: {  	[tilespmem:s30], [sflag:$0x3] =	stream.linear.gather [hbm4b:s8+s2], $0x80, $0x38;
	[tilespmem:$0x11C80] =	vst v63  }
0x29: {  	s30 =	simm.s32 $0x10500  }
0x2a: {  	[tilespmem:s30], [sflag:$0x3] =	stream.linear.gather [hbm4b:s18+s2], $0x80, $0x38;
	[tilespmem:$0x11C80] =	vst v63  }
0x2b: {  	s30 =	simm.s32 $0x10700  }
0x2c: {  	[tilespmem:s30], [sflag:$0x3] =	stream.linear.gather [hbm4b:s19+s2], $0x80, $0x38;
	[tilespmem:$0x11C80] =	vst v63  }
0x2d: {  	s30 =	simm.s32 $0x10900  }
0x2e: {  	[tilespmem:s30], [sflag:$0x3] =	stream.linear.gather [hbm4b:s20+s2], $0x80, $0x38;
	[tilespmem:$0x11C80] =	vst v63  }
0x2f: {  	s30 =	simm.s32 $0x10380  }
0x30: {  	[tilespmem:s30], [sflag:$0x3] =	stream.linear.gather [hbm4b:s9+s2], $0x80, $0x38;
	[tilespmem:$0x11C80] =	vst v63  }
0x31: {  	s30 =	simm.s32 $0x10580  }
0x32: {  	[tilespmem:s30], [sflag:$0x3] =	stream.linear.gather [hbm4b:s21+s2], $0x80, $0x38;
	[tilespmem:$0x11C80] =	vst v63  }
0x33: {  	s30 =	simm.s32 $0x10780  }
0x34: {  	[tilespmem:s30], [sflag:$0x3] =	stream.linear.gather [hbm4b:s22+s2], $0x80, $0x38;
	[tilespmem:$0x11C80] =	vst v63  }
0x35: {  	s30 =	simm.s32 $0x10980  }
0x36: {  	[tilespmem:s30], [sflag:$0x3] =	stream.linear.gather [hbm4b:s23+s2], $0x80, $0x38;
	[tilespmem:$0x11C80] =	vst v63  }
0x37: {  	s4 =	rddreg [dreg:$0x9]  }
0x38: {  	[tilespmem:s0], [sflag:$0x3] =	stream.linear.gather [hbm4b:s4+s2], $0x1080, $0x38;
	[tilespmem:$0x11C80] =	vst v63  }
0x39: {  	_ =	swait.ge [sflag:s3], $0x200  }
0x3a: {  	[sflag:s3] =	ssyncset.done $0x0  }
0x3b: {  	s30 =	simm.s32 $0x80;
	[sflag:s3] =	ssyncadd.s32 $0xFFFFFE00  }
0x3c: {  	[tilespmem:s24], [sflag:$0x2] =	stream.indirect.gather [hbm4b:s1+s30], $0x80, s2, s30, $0xb8;
	[tilespmem:$0x11C80] =	vst v63  }
0x3d: {  	s26 =	simm.s32 $0x4200  }
0x3e: {  	[tilespmem:s26], [sflag:$0x2] =	stream.indirect.gather [hbm4b:s1+s30], $0x80, s30, s30, $0xb8;
	[tilespmem:$0x11C80] =	vst v63  }
0x3f: {  	s4 =	simm.s32 $0x8200;
	s26 =	simm.s32 $0x100  }
0x40: {  	[tilespmem:s4], [sflag:$0x2] =	stream.indirect.gather [hbm4b:s1+s30], $0x80, s26, s30, $0xb8;
	[tilespmem:$0x11C80] =	vst v63  }
0x41: {  	s4 =	simm.s32 $0x180;
	s26 =	simm.s32 $0xC200  }
0x42: {  	[tilespmem:s26], [sflag:$0x2] =	stream.indirect.gather [hbm4b:s1+s30], $0x80, s4, s30, $0xb8;
	[tilespmem:$0x11C80] =	vst v63  }
0x43: {  	_ =	swait.ge [sflag:s31], $0x200  }
0x44: {  	[sflag:s31] =	ssyncset.done $0x0  }
0x45: {  	[sflag:s31] =	ssyncadd.s32 $0xFFFFFE00  }
0x46: {  	_ =	swait.ge [sflag:s31], $0x200  }
0x47: {  	[sflag:s31] =	ssyncset.done $0x0  }
0x48: {  	[sflag:s31] =	ssyncadd.s32 $0xFFFFFE00  }
0x49: {  	_ =	swait.ge [sflag:s31], $0x200  }
0x4a: {  	[sflag:s31] =	ssyncset.done $0x0  }
0x4b: {  	[sflag:s31] =	ssyncadd.s32 $0xFFFFFE00  }
0x4c: {  	_ =	swait.ge [sflag:s31], $0x200  }
0x4d: {  	[sflag:s31] =	ssyncset.done $0x0  }
0x4e: {  	[sflag:s31] =	ssyncadd.s32 $0xFFFFFE00  }
0x4f: {  	_ =	swait.ge [sflag:s31], $0x1080  }
0x50: {  	[sflag:s31] =	ssyncset.done $0x0  }
0x51: {  	[sflag:s31] =	ssyncadd.s32 $0xFFFFEF80  }
0x52: {  	v20 =	vld [tilespmem:$0x10280]  }
0x53: {  	v0 =	vld [tilespmem:$0x10200]  }
0x54: {  	v21 =	vld [tilespmem:$0x10300];
	_ =	sdelay $0x1  }
0x55: {  	v22 =	vld [tilespmem:$0x10380]  }
0x56: {  	v20 =	vadd.s32 $0x3E8, v20;
	_ =	sdelay $0x1  }
0x57: {  	v21 =	vadd.s32 $0x7D0, v21;
	_ =	sdelay $0x1  }
0x58: {  	v22 =	vadd.s32 $0xBB8, v22;
	v0 =	vld.idx.msk [tilespmem:v0+s0+$0x0], $0xffff  }
0x59: {  	v20 =	vld.idx.msk [tilespmem:v20+s0+$0x0], $0xffff  }
0x5a: {  	v23 =	vld [tilespmem:$0x10210]  }
0x5b: {  	v21 =	vld.idx.msk [tilespmem:v21+s0+$0x0], $0xffff  }
0x5c: {  	v24 =	vld [tilespmem:$0x10290]  }
0x5d: {  	v22 =	vld.idx.msk [tilespmem:v22+s0+$0x0], $0xffff  }
0x5e: {  	v25 =	vld [tilespmem:$0x10310];
	v0 =	vadd.f32 v20, v0;
	_ =	sdelay $0x1  }
0x5f: {  	v20 =	vld [tilespmem:$0x10390];
	v0 =	vadd.f32 v21, v0  }
0x60: {  	v21 =	vadd.s32 $0x3E8, v24  }
0x61: {  	v44 =	vadd.f32 v22, v0  }
0x62: {  	v0 =	vadd.s32 $0x7D0, v25  }
0x63: {  	[tilespmem:$0x11A80] =	vst v44  }
0x64: {  	v20 =	vadd.s32 $0xBB8, v20;
	v22 =	vld.idx.msk [tilespmem:v23+s0+$0x0], $0xffff  }
0x65: {  	v21 =	vld.idx.msk [tilespmem:v21+s0+$0x0], $0xffff  }
0x66: {  	v24 =	vld [tilespmem:$0x102A0]  }
0x67: {  	v0 =	vld.idx.msk [tilespmem:v0+s0+$0x0], $0xffff  }
0x68: {  	v23 =	vld [tilespmem:$0x10220]  }
0x69: {  	v20 =	vld.idx.msk [tilespmem:v20+s0+$0x0], $0xffff  }
0x6a: {  	v25 =	vld [tilespmem:$0x10320];
	v21 =	vadd.f32 v21, v22;
	_ =	sdelay $0x1  }
0x6b: {  	v22 =	vld [tilespmem:$0x103A0];
	v0 =	vadd.f32 v0, v21  }
0x6c: {  	v21 =	vadd.s32 $0x3E8, v24  }
0x6d: {  	v45 =	vadd.f32 v20, v0  }
0x6e: {  	v0 =	vadd.s32 $0x7D0, v25  }
0x6f: {  	[tilespmem:$0x11A90] =	vst v45  }
0x70: {  	v20 =	vadd.s32 $0xBB8, v22;
	v22 =	vld.idx.msk [tilespmem:v23+s0+$0x0], $0xffff  }
0x71: {  	v21 =	vld.idx.msk [tilespmem:v21+s0+$0x0], $0xffff  }
0x72: {  	v24 =	vld [tilespmem:$0x102B0]  }
0x73: {  	v0 =	vld.idx.msk [tilespmem:v0+s0+$0x0], $0xffff  }
0x74: {  	v23 =	vld [tilespmem:$0x10230]  }
0x75: {  	v20 =	vld.idx.msk [tilespmem:v20+s0+$0x0], $0xffff  }
0x76: {  	v25 =	vld [tilespmem:$0x10330];
	v21 =	vadd.f32 v21, v22;
	_ =	sdelay $0x1  }
0x77: {  	v22 =	vld [tilespmem:$0x103B0];
	v0 =	vadd.f32 v0, v21  }
0x78: {  	v21 =	vadd.s32 $0x3E8, v24  }
0x79: {  	v46 =	vadd.f32 v20, v0  }
0x7a: {  	v0 =	vadd.s32 $0x7D0, v25  }
0x7b: {  	[tilespmem:$0x11AA0] =	vst v46  }
0x7c: {  	v20 =	vadd.s32 $0xBB8, v22;
	v22 =	vld.idx.msk [tilespmem:v23+s0+$0x0], $0xffff  }
0x7d: {  	v21 =	vld.idx.msk [tilespmem:v21+s0+$0x0], $0xffff  }
0x7e: {  	v24 =	vld [tilespmem:$0x102C0]  }
0x7f: {  	v0 =	vld.idx.msk [tilespmem:v0+s0+$0x0], $0xffff  }
0x80: {  	v23 =	vld [tilespmem:$0x10240]  }
0x81: {  	v20 =	vld.idx.msk [tilespmem:v20+s0+$0x0], $0xffff  }
0x82: {  	v25 =	vld [tilespmem:$0x10340];
	v21 =	vadd.f32 v21, v22;
	_ =	sdelay $0x1  }
0x83: {  	v22 =	vld [tilespmem:$0x103C0];
	v0 =	vadd.f32 v0, v21  }
0x84: {  	v21 =	vadd.s32 $0x3E8, v24  }
0x85: {  	v47 =	vadd.f32 v20, v0  }
0x86: {  	v0 =	vadd.s32 $0x7D0, v25  }
0x87: {  	[tilespmem:$0x11AB0] =	vst v47  }
0x88: {  	v20 =	vadd.s32 $0xBB8, v22;
	v22 =	vld.idx.msk [tilespmem:v23+s0+$0x0], $0xffff  }
0x89: {  	v21 =	vld.idx.msk [tilespmem:v21+s0+$0x0], $0xffff  }
0x8a: {  	v24 =	vld [tilespmem:$0x102D0]  }
0x8b: {  	v0 =	vld.idx.msk [tilespmem:v0+s0+$0x0], $0xffff  }
0x8c: {  	v23 =	vld [tilespmem:$0x10250]  }
0x8d: {  	v20 =	vld.idx.msk [tilespmem:v20+s0+$0x0], $0xffff  }
0x8e: {  	v25 =	vld [tilespmem:$0x10350];
	v21 =	vadd.f32 v21, v22;
	_ =	sdelay $0x1  }
0x8f: {  	v22 =	vld [tilespmem:$0x103D0];
	v0 =	vadd.f32 v0, v21  }
0x90: {  	v21 =	vadd.s32 $0x3E8, v24  }
0x91: {  	v48 =	vadd.f32 v20, v0  }
0x92: {  	v0 =	vadd.s32 $0x7D0, v25  }
0x93: {  	[tilespmem:$0x11AC0] =	vst v48  }
0x94: {  	v20 =	vadd.s32 $0xBB8, v22;
	v22 =	vld.idx.msk [tilespmem:v23+s0+$0x0], $0xffff  }
0x95: {  	v21 =	vld.idx.msk [tilespmem:v21+s0+$0x0], $0xffff  }
0x96: {  	v24 =	vld [tilespmem:$0x102E0]  }
0x97: {  	v0 =	vld.idx.msk [tilespmem:v0+s0+$0x0], $0xffff  }
0x98: {  	v23 =	vld [tilespmem:$0x10260]  }
0x99: {  	v20 =	vld.idx.msk [tilespmem:v20+s0+$0x0], $0xffff  }
0x9a: {  	v25 =	vld [tilespmem:$0x10360];
	v21 =	vadd.f32 v21, v22;
	_ =	sdelay $0x1  }
0x9b: {  	v22 =	vld [tilespmem:$0x103E0];
	v0 =	vadd.f32 v0, v21  }
0x9c: {  	v21 =	vadd.s32 $0x3E8, v24  }
0x9d: {  	v49 =	vadd.f32 v20, v0  }
0x9e: {  	v0 =	vadd.s32 $0x7D0, v25  }
0x9f: {  	[tilespmem:$0x11AD0] =	vst v49  }
0xa0: {  	v20 =	vadd.s32 $0xBB8, v22;
	v22 =	vld.idx.msk [tilespmem:v23+s0+$0x0], $0xffff  }
0xa1: {  	v21 =	vld.idx.msk [tilespmem:v21+s0+$0x0], $0xffff  }
0xa2: {  	v24 =	vld [tilespmem:$0x102F0]  }
0xa3: {  	v0 =	vld.idx.msk [tilespmem:v0+s0+$0x0], $0xffff  }
0xa4: {  	v23 =	vld [tilespmem:$0x10270]  }
0xa5: {  	v20 =	vld.idx.msk [tilespmem:v20+s0+$0x0], $0xffff  }
0xa6: {  	v25 =	vld [tilespmem:$0x10370];
	v21 =	vadd.f32 v21, v22;
	_ =	sdelay $0x1  }
0xa7: {  	v22 =	vld [tilespmem:$0x103F0];
	v0 =	vadd.f32 v0, v21  }
0xa8: {  	v21 =	vadd.s32 $0x3E8, v24  }
0xa9: {  	v50 =	vadd.f32 v20, v0  }
0xaa: {  	v0 =	vadd.s32 $0x7D0, v25  }
0xab: {  	[tilespmem:$0x11AE0] =	vst v50  }
0xac: {  	v20 =	vadd.s32 $0xBB8, v22;
	v22 =	vld.idx.msk [tilespmem:v23+s0+$0x0], $0xffff  }
0xad: {  	v21 =	vld.idx.msk [tilespmem:v21+s0+$0x0], $0xffff  }
0xae: {  	v24 =	vld [tilespmem:$0x10480]  }
0xaf: {  	v0 =	vld.idx.msk [tilespmem:v0+s0+$0x0], $0xffff  }
0xb0: {  	v23 =	vld [tilespmem:$0x10400]  }
0xb1: {  	v20 =	vld.idx.msk [tilespmem:v20+s0+$0x0], $0xffff  }
0xb2: {  	v25 =	vld [tilespmem:$0x10500];
	v21 =	vadd.f32 v21, v22;
	_ =	sdelay $0x1  }
0xb3: {  	v22 =	vld [tilespmem:$0x10580];
	v0 =	vadd.f32 v0, v21  }
0xb4: {  	v21 =	vadd.s32 $0x3E8, v24  }
0xb5: {  	v51 =	vadd.f32 v20, v0  }
0xb6: {  	v0 =	vadd.s32 $0x7D0, v25  }
0xb7: {  	[tilespmem:$0x11AF0] =	vst v51  }
0xb8: {  	v20 =	vadd.s32 $0xBB8, v22;
	v22 =	vld.idx.msk [tilespmem:v23+s0+$0x0], $0xffff  }
0xb9: {  	v21 =	vld.idx.msk [tilespmem:v21+s0+$0x0], $0xffff  }
0xba: {  	v24 =	vld [tilespmem:$0x10490]  }
0xbb: {  	v0 =	vld.idx.msk [tilespmem:v0+s0+$0x0], $0xffff  }
0xbc: {  	v23 =	vld [tilespmem:$0x10410]  }
0xbd: {  	v20 =	vld.idx.msk [tilespmem:v20+s0+$0x0], $0xffff  }
0xbe: {  	v25 =	vld [tilespmem:$0x10510];
	v21 =	vadd.f32 v21, v22;
	_ =	sdelay $0x1  }
0xbf: {  	v22 =	vld [tilespmem:$0x10590];
	v0 =	vadd.f32 v0, v21  }
0xc0: {  	v21 =	vadd.s32 $0x3E8, v24  }
0xc1: {  	v24 =	vadd.f32 v20, v0  }
0xc2: {  	v0 =	vadd.s32 $0x7D0, v25  }
0xc3: {  	[tilespmem:$0x11B00] =	vst v24  }
0xc4: {  	v20 =	vadd.s32 $0xBB8, v22;
	v22 =	vld.idx.msk [tilespmem:v23+s0+$0x0], $0xffff  }
0xc5: {  	v21 =	vld.idx.msk [tilespmem:v21+s0+$0x0], $0xffff  }
0xc6: {  	[tilespmem:$0x1FEB0] =	vst v24;
	v24 =	vld [tilespmem:$0x104A0]  }
0xc7: {  	v0 =	vld.idx.msk [tilespmem:v0+s0+$0x0], $0xffff  }
0xc8: {  	v23 =	vld [tilespmem:$0x10420]  }
0xc9: {  	v20 =	vld.idx.msk [tilespmem:v20+s0+$0x0], $0xffff  }
0xca: {  	v25 =	vld [tilespmem:$0x10520];
	v21 =	vadd.f32 v21, v22;
	_ =	sdelay $0x1  }
0xcb: {  	v22 =	vld [tilespmem:$0x105A0];
	v0 =	vadd.f32 v0, v21  }
0xcc: {  	v21 =	vadd.s32 $0x3E8, v24  }
0xcd: {  	v24 =	vadd.f32 v20, v0  }
0xce: {  	v0 =	vadd.s32 $0x7D0, v25  }
0xcf: {  	[tilespmem:$0x11B10] =	vst v24  }
0xd0: {  	v20 =	vadd.s32 $0xBB8, v22;
	v22 =	vld.idx.msk [tilespmem:v23+s0+$0x0], $0xffff  }
0xd1: {  	v21 =	vld.idx.msk [tilespmem:v21+s0+$0x0], $0xffff  }
0xd2: {  	[tilespmem:$0x1FEC0] =	vst v24;
	v24 =	vld [tilespmem:$0x104B0]  }
0xd3: {  	v0 =	vld.idx.msk [tilespmem:v0+s0+$0x0], $0xffff  }
0xd4: {  	v23 =	vld [tilespmem:$0x10430]  }
0xd5: {  	v20 =	vld.idx.msk [tilespmem:v20+s0+$0x0], $0xffff  }
0xd6: {  	v25 =	vld [tilespmem:$0x10530];
	v21 =	vadd.f32 v21, v22;
	_ =	sdelay $0x1  }
0xd7: {  	v22 =	vld [tilespmem:$0x105B0];
	v0 =	vadd.f32 v0, v21  }
0xd8: {  	v21 =	vadd.s32 $0x3E8, v24  }
0xd9: {  	v24 =	vadd.f32 v20, v0  }
0xda: {  	v0 =	vadd.s32 $0x7D0, v25  }
0xdb: {  	[tilespmem:$0x11B20] =	vst v24  }
0xdc: {  	v20 =	vadd.s32 $0xBB8, v22;
	v22 =	vld.idx.msk [tilespmem:v23+s0+$0x0], $0xffff  }
0xdd: {  	v21 =	vld.idx.msk [tilespmem:v21+s0+$0x0], $0xffff  }
0xde: {  	[tilespmem:$0x1FED0] =	vst v24;
	v24 =	vld [tilespmem:$0x104C0]  }
0xdf: {  	v0 =	vld.idx.msk [tilespmem:v0+s0+$0x0], $0xffff  }
0xe0: {  	v23 =	vld [tilespmem:$0x10440]  }
0xe1: {  	v20 =	vld.idx.msk [tilespmem:v20+s0+$0x0], $0xffff  }
0xe2: {  	v25 =	vld [tilespmem:$0x10540];
	v21 =	vadd.f32 v21, v22;
	_ =	sdelay $0x1  }
0xe3: {  	v22 =	vld [tilespmem:$0x105C0];
	v0 =	vadd.f32 v0, v21  }
0xe4: {  	v21 =	vadd.s32 $0x3E8, v24  }
0xe5: {  	v24 =	vadd.f32 v20, v0  }
0xe6: {  	v0 =	vadd.s32 $0x7D0, v25  }
0xe7: {  	[tilespmem:$0x11B30] =	vst v24  }
0xe8: {  	v20 =	vadd.s32 $0xBB8, v22;
	v22 =	vld.idx.msk [tilespmem:v23+s0+$0x0], $0xffff  }
0xe9: {  	v21 =	vld.idx.msk [tilespmem:v21+s0+$0x0], $0xffff  }
0xea: {  	[tilespmem:$0x1FEE0] =	vst v24;
	v24 =	vld [tilespmem:$0x104D0]  }
0xeb: {  	v0 =	vld.idx.msk [tilespmem:v0+s0+$0x0], $0xffff  }
0xec: {  	v23 =	vld [tilespmem:$0x10450]  }
0xed: {  	v20 =	vld.idx.msk [tilespmem:v20+s0+$0x0], $0xffff  }
0xee: {  	v25 =	vld [tilespmem:$0x10550];
	v21 =	vadd.f32 v21, v22;
	_ =	sdelay $0x1  }
0xef: {  	v22 =	vld [tilespmem:$0x105D0];
	v0 =	vadd.f32 v0, v21  }
0xf0: {  	v21 =	vadd.s32 $0x3E8, v24  }
0xf1: {  	v24 =	vadd.f32 v20, v0  }
0xf2: {  	v0 =	vadd.s32 $0x7D0, v25  }
0xf3: {  	[tilespmem:$0x11B40] =	vst v24  }
0xf4: {  	v20 =	vadd.s32 $0xBB8, v22;
	v22 =	vld.idx.msk [tilespmem:v23+s0+$0x0], $0xffff  }
0xf5: {  	v21 =	vld.idx.msk [tilespmem:v21+s0+$0x0], $0xffff  }
0xf6: {  	[tilespmem:$0x1FEF0] =	vst v24;
	v24 =	vld [tilespmem:$0x104E0]  }
0xf7: {  	v0 =	vld.idx.msk [tilespmem:v0+s0+$0x0], $0xffff  }
0xf8: {  	v23 =	vld [tilespmem:$0x10460]  }
0xf9: {  	v20 =	vld.idx.msk [tilespmem:v20+s0+$0x0], $0xffff  }
0xfa: {  	v25 =	vld [tilespmem:$0x10560];
	v21 =	vadd.f32 v21, v22;
	_ =	sdelay $0x1  }
0xfb: {  	v22 =	vld [tilespmem:$0x105E0];
	v0 =	vadd.f32 v0, v21  }
0xfc: {  	v21 =	vadd.s32 $0x3E8, v24  }
0xfd: {  	v41 =	vadd.f32 v20, v0  }
0xfe: {  	v0 =	vadd.s32 $0x7D0, v25  }
0xff: {  	[tilespmem:$0x11B50] =	vst v41  }
0x100: {  	v20 =	vadd.s32 $0xBB8, v22;
	v22 =	vld.idx.msk [tilespmem:v23+s0+$0x0], $0xffff  }
0x101: {  	v21 =	vld.idx.msk [tilespmem:v21+s0+$0x0], $0xffff  }
0x102: {  	v24 =	vld [tilespmem:$0x104F0]  }
0x103: {  	v0 =	vld.idx.msk [tilespmem:v0+s0+$0x0], $0xffff  }
0x104: {  	v23 =	vld [tilespmem:$0x10470]  }
0x105: {  	v20 =	vld.idx.msk [tilespmem:v20+s0+$0x0], $0xffff  }
0x106: {  	v25 =	vld [tilespmem:$0x10570];
	v21 =	vadd.f32 v21, v22;
	_ =	sdelay $0x1  }
0x107: {  	v22 =	vld [tilespmem:$0x105F0];
	v0 =	vadd.f32 v0, v21  }
0x108: {  	v21 =	vadd.s32 $0x3E8, v24  }
0x109: {  	v42 =	vadd.f32 v20, v0  }
0x10a: {  	v0 =	vadd.s32 $0x7D0, v25  }
0x10b: {  	[tilespmem:$0x11B60] =	vst v42  }
0x10c: {  	v20 =	vadd.s32 $0xBB8, v22;
	v22 =	vld.idx.msk [tilespmem:v23+s0+$0x0], $0xffff  }
0x10d: {  	v21 =	vld.idx.msk [tilespmem:v21+s0+$0x0], $0xffff  }
0x10e: {  	v24 =	vld [tilespmem:$0x10680]  }
0x10f: {  	v0 =	vld.idx.msk [tilespmem:v0+s0+$0x0], $0xffff  }
0x110: {  	v23 =	vld [tilespmem:$0x10600]  }
0x111: {  	v20 =	vld.idx.msk [tilespmem:v20+s0+$0x0], $0xffff  }
0x112: {  	v25 =	vld [tilespmem:$0x10700];
	v21 =	vadd.f32 v21, v22;
	_ =	sdelay $0x1  }
0x113: {  	v22 =	vld [tilespmem:$0x10780];
	v0 =	vadd.f32 v0, v21  }
0x114: {  	v21 =	vadd.s32 $0x3E8, v24  }
0x115: {  	v43 =	vadd.f32 v20, v0  }
0x116: {  	v0 =	vadd.s32 $0x7D0, v25  }
0x117: {  	[tilespmem:$0x11B70] =	vst v43  }
0x118: {  	v20 =	vadd.s32 $0xBB8, v22;
	v22 =	vld.idx.msk [tilespmem:v23+s0+$0x0], $0xffff  }
0x119: {  	v21 =	vld.idx.msk [tilespmem:v21+s0+$0x0], $0xffff  }
0x11a: {  	v24 =	vld [tilespmem:$0x10690]  }
0x11b: {  	v0 =	vld.idx.msk [tilespmem:v0+s0+$0x0], $0xffff  }
0x11c: {  	v23 =	vld [tilespmem:$0x10610]  }
0x11d: {  	v20 =	vld.idx.msk [tilespmem:v20+s0+$0x0], $0xffff  }
0x11e: {  	v25 =	vld [tilespmem:$0x10710];
	v21 =	vadd.f32 v21, v22;
	_ =	sdelay $0x1  }
0x11f: {  	v22 =	vld [tilespmem:$0x10790];
	v0 =	vadd.f32 v0, v21  }
0x120: {  	v21 =	vadd.s32 $0x3E8, v24  }
0x121: {  	v24 =	vadd.f32 v20, v0  }
0x122: {  	v0 =	vadd.s32 $0x7D0, v25  }
0x123: {  	[tilespmem:$0x11B80] =	vst v24  }
0x124: {  	v20 =	vadd.s32 $0xBB8, v22;
	v22 =	vld.idx.msk [tilespmem:v23+s0+$0x0], $0xffff  }
0x125: {  	v21 =	vld.idx.msk [tilespmem:v21+s0+$0x0], $0xffff  }
0x126: {  	[tilespmem:$0x1FF00] =	vst v24;
	v24 =	vld [tilespmem:$0x106A0]  }
0x127: {  	v0 =	vld.idx.msk [tilespmem:v0+s0+$0x0], $0xffff  }
0x128: {  	v23 =	vld [tilespmem:$0x10620]  }
0x129: {  	v20 =	vld.idx.msk [tilespmem:v20+s0+$0x0], $0xffff  }
0x12a: {  	v25 =	vld [tilespmem:$0x10720];
	v21 =	vadd.f32 v21, v22;
	_ =	sdelay $0x1  }
0x12b: {  	v22 =	vld [tilespmem:$0x107A0];
	v0 =	vadd.f32 v0, v21  }
0x12c: {  	v21 =	vadd.s32 $0x3E8, v24  }
0x12d: {  	v24 =	vadd.f32 v20, v0  }
0x12e: {  	v0 =	vadd.s32 $0x7D0, v25  }
0x12f: {  	[tilespmem:$0x11B90] =	vst v24  }
0x130: {  	v20 =	vadd.s32 $0xBB8, v22;
	v22 =	vld.idx.msk [tilespmem:v23+s0+$0x0], $0xffff  }
0x131: {  	v21 =	vld.idx.msk [tilespmem:v21+s0+$0x0], $0xffff  }
0x132: {  	[tilespmem:$0x1FF10] =	vst v24;
	v24 =	vld [tilespmem:$0x106B0]  }
0x133: {  	v0 =	vld.idx.msk [tilespmem:v0+s0+$0x0], $0xffff  }
0x134: {  	v23 =	vld [tilespmem:$0x10630]  }
0x135: {  	v20 =	vld.idx.msk [tilespmem:v20+s0+$0x0], $0xffff  }
0x136: {  	v25 =	vld [tilespmem:$0x10730];
	v21 =	vadd.f32 v21, v22;
	_ =	sdelay $0x1  }
0x137: {  	v22 =	vld [tilespmem:$0x107B0];
	v0 =	vadd.f32 v0, v21  }
0x138: {  	v21 =	vadd.s32 $0x3E8, v24  }
0x139: {  	v24 =	vadd.f32 v20, v0  }
0x13a: {  	v0 =	vadd.s32 $0x7D0, v25  }
0x13b: {  	[tilespmem:$0x11BA0] =	vst v24  }
0x13c: {  	v20 =	vadd.s32 $0xBB8, v22;
	v22 =	vld.idx.msk [tilespmem:v23+s0+$0x0], $0xffff  }
0x13d: {  	v21 =	vld.idx.msk [tilespmem:v21+s0+$0x0], $0xffff  }
0x13e: {  	[tilespmem:$0x1FF20] =	vst v24;
	v24 =	vld [tilespmem:$0x106C0]  }
0x13f: {  	v0 =	vld.idx.msk [tilespmem:v0+s0+$0x0], $0xffff  }
0x140: {  	v23 =	vld [tilespmem:$0x10640]  }
0x141: {  	v20 =	vld.idx.msk [tilespmem:v20+s0+$0x0], $0xffff  }
0x142: {  	v25 =	vld [tilespmem:$0x10740];
	v21 =	vadd.f32 v21, v22;
	_ =	sdelay $0x1  }
0x143: {  	v22 =	vld [tilespmem:$0x107C0];
	v0 =	vadd.f32 v0, v21  }
0x144: {  	v21 =	vadd.s32 $0x3E8, v24  }
0x145: {  	v24 =	vadd.f32 v20, v0  }
0x146: {  	v0 =	vadd.s32 $0x7D0, v25  }
0x147: {  	[tilespmem:$0x11BB0] =	vst v24  }
0x148: {  	v20 =	vadd.s32 $0xBB8, v22;
	v22 =	vld.idx.msk [tilespmem:v23+s0+$0x0], $0xffff  }
0x149: {  	v21 =	vld.idx.msk [tilespmem:v21+s0+$0x0], $0xffff  }
0x14a: {  	[tilespmem:$0x1FF30] =	vst v24;
	v24 =	vld [tilespmem:$0x106D0]  }
0x14b: {  	v0 =	vld.idx.msk [tilespmem:v0+s0+$0x0], $0xffff  }
0x14c: {  	v23 =	vld [tilespmem:$0x10650]  }
0x14d: {  	v20 =	vld.idx.msk [tilespmem:v20+s0+$0x0], $0xffff  }
0x14e: {  	v25 =	vld [tilespmem:$0x10750];
	v21 =	vadd.f32 v21, v22;
	_ =	sdelay $0x1  }
0x14f: {  	v22 =	vld [tilespmem:$0x107D0];
	v0 =	vadd.f32 v0, v21  }
0x150: {  	v21 =	vadd.s32 $0x3E8, v24  }
0x151: {  	v24 =	vadd.f32 v20, v0  }
0x152: {  	v0 =	vadd.s32 $0x7D0, v25  }
0x153: {  	[tilespmem:$0x11BC0] =	vst v24  }
0x154: {  	v20 =	vadd.s32 $0xBB8, v22;
	v22 =	vld.idx.msk [tilespmem:v23+s0+$0x0], $0xffff  }
0x155: {  	v21 =	vld.idx.msk [tilespmem:v21+s0+$0x0], $0xffff  }
0x156: {  	[tilespmem:$0x1FF40] =	vst v24;
	v24 =	vld [tilespmem:$0x106E0]  }
0x157: {  	v0 =	vld.idx.msk [tilespmem:v0+s0+$0x0], $0xffff  }
0x158: {  	v23 =	vld [tilespmem:$0x10660]  }
0x159: {  	v20 =	vld.idx.msk [tilespmem:v20+s0+$0x0], $0xffff  }
0x15a: {  	v25 =	vld [tilespmem:$0x10760];
	v21 =	vadd.f32 v21, v22;
	_ =	sdelay $0x1  }
0x15b: {  	v22 =	vld [tilespmem:$0x107E0];
	v0 =	vadd.f32 v0, v21  }
0x15c: {  	v21 =	vadd.s32 $0x3E8, v24  }
0x15d: {  	v24 =	vadd.f32 v20, v0  }
0x15e: {  	v0 =	vadd.s32 $0x7D0, v25  }
0x15f: {  	[tilespmem:$0x11BD0] =	vst v24  }
0x160: {  	v20 =	vadd.s32 $0xBB8, v22;
	v22 =	vld.idx.msk [tilespmem:v23+s0+$0x0], $0xffff  }
0x161: {  	v21 =	vld.idx.msk [tilespmem:v21+s0+$0x0], $0xffff  }
0x162: {  	[tilespmem:$0x1FF50] =	vst v24;
	v24 =	vld [tilespmem:$0x106F0]  }
0x163: {  	v0 =	vld.idx.msk [tilespmem:v0+s0+$0x0], $0xffff  }
0x164: {  	v23 =	vld [tilespmem:$0x10670]  }
0x165: {  	v20 =	vld.idx.msk [tilespmem:v20+s0+$0x0], $0xffff  }
0x166: {  	v25 =	vld [tilespmem:$0x10770];
	v21 =	vadd.f32 v21, v22;
	_ =	sdelay $0x1  }
0x167: {  	v22 =	vld [tilespmem:$0x107F0];
	v0 =	vadd.f32 v0, v21  }
0x168: {  	v21 =	vadd.s32 $0x3E8, v24  }
0x169: {  	v24 =	vadd.f32 v20, v0  }
0x16a: {  	v0 =	vadd.s32 $0x7D0, v25  }
0x16b: {  	[tilespmem:$0x11BE0] =	vst v24  }
0x16c: {  	v20 =	vadd.s32 $0xBB8, v22;
	v22 =	vld.idx.msk [tilespmem:v23+s0+$0x0], $0xffff  }
0x16d: {  	v21 =	vld.idx.msk [tilespmem:v21+s0+$0x0], $0xffff  }
0x16e: {  	[tilespmem:$0x1FF60] =	vst v24;
	v24 =	vld [tilespmem:$0x10880]  }
0x16f: {  	v0 =	vld.idx.msk [tilespmem:v0+s0+$0x0], $0xffff  }
0x170: {  	v23 =	vld [tilespmem:$0x10800]  }
0x171: {  	v20 =	vld.idx.msk [tilespmem:v20+s0+$0x0], $0xffff  }
0x172: {  	v25 =	vld [tilespmem:$0x10900];
	v21 =	vadd.f32 v21, v22;
	_ =	sdelay $0x1  }
0x173: {  	v22 =	vld [tilespmem:$0x10980];
	v0 =	vadd.f32 v0, v21  }
0x174: {  	v21 =	vadd.s32 $0x3E8, v24  }
0x175: {  	v24 =	vadd.f32 v20, v0  }
0x176: {  	v0 =	vadd.s32 $0x7D0, v25  }
0x177: {  	[tilespmem:$0x11BF0] =	vst v24  }
0x178: {  	v20 =	vadd.s32 $0xBB8, v22;
	v22 =	vld.idx.msk [tilespmem:v23+s0+$0x0], $0xffff  }
0x179: {  	v21 =	vld.idx.msk [tilespmem:v21+s0+$0x0], $0xffff  }
0x17a: {  	[tilespmem:$0x1FF70] =	vst v24;
	v24 =	vld [tilespmem:$0x10890]  }
0x17b: {  	v0 =	vld.idx.msk [tilespmem:v0+s0+$0x0], $0xffff  }
0x17c: {  	v23 =	vld [tilespmem:$0x10810]  }
0x17d: {  	v20 =	vld.idx.msk [tilespmem:v20+s0+$0x0], $0xffff  }
0x17e: {  	v25 =	vld [tilespmem:$0x10910];
	v21 =	vadd.f32 v21, v22;
	_ =	sdelay $0x1  }
0x17f: {  	v22 =	vld [tilespmem:$0x10990];
	v0 =	vadd.f32 v0, v21  }
0x180: {  	v21 =	vadd.s32 $0x3E8, v24  }
0x181: {  	v24 =	vadd.f32 v20, v0  }
0x182: {  	v0 =	vadd.s32 $0x7D0, v25  }
0x183: {  	[tilespmem:$0x11C00] =	vst v24  }
0x184: {  	v20 =	vadd.s32 $0xBB8, v22;
	v22 =	vld.idx.msk [tilespmem:v23+s0+$0x0], $0xffff  }
0x185: {  	v21 =	vld.idx.msk [tilespmem:v21+s0+$0x0], $0xffff  }
0x186: {  	[tilespmem:$0x1FF80] =	vst v24;
	v24 =	vld [tilespmem:$0x108A0]  }
0x187: {  	v0 =	vld.idx.msk [tilespmem:v0+s0+$0x0], $0xffff  }
0x188: {  	v23 =	vld [tilespmem:$0x10820]  }
0x189: {  	v20 =	vld.idx.msk [tilespmem:v20+s0+$0x0], $0xffff  }
0x18a: {  	v25 =	vld [tilespmem:$0x10920];
	v21 =	vadd.f32 v21, v22;
	_ =	sdelay $0x1  }
0x18b: {  	v22 =	vld [tilespmem:$0x109A0];
	v0 =	vadd.f32 v0, v21  }
0x18c: {  	v21 =	vadd.s32 $0x3E8, v24  }
0x18d: {  	v24 =	vadd.f32 v20, v0  }
0x18e: {  	v0 =	vadd.s32 $0x7D0, v25  }
0x18f: {  	[tilespmem:$0x11C10] =	vst v24  }
0x190: {  	v20 =	vadd.s32 $0xBB8, v22;
	v22 =	vld.idx.msk [tilespmem:v23+s0+$0x0], $0xffff  }
0x191: {  	v21 =	vld.idx.msk [tilespmem:v21+s0+$0x0], $0xffff  }
0x192: {  	[tilespmem:$0x1FF90] =	vst v24;
	v24 =	vld [tilespmem:$0x108B0]  }
0x193: {  	v0 =	vld.idx.msk [tilespmem:v0+s0+$0x0], $0xffff  }
0x194: {  	v23 =	vld [tilespmem:$0x10830]  }
0x195: {  	v20 =	vld.idx.msk [tilespmem:v20+s0+$0x0], $0xffff  }
0x196: {  	v25 =	vld [tilespmem:$0x10930];
	v21 =	vadd.f32 v21, v22;
	_ =	sdelay $0x1  }
0x197: {  	v22 =	vld [tilespmem:$0x109B0];
	v0 =	vadd.f32 v0, v21  }
0x198: {  	v21 =	vadd.s32 $0x3E8, v24  }
0x199: {  	v24 =	vadd.f32 v20, v0  }
0x19a: {  	v0 =	vadd.s32 $0x7D0, v25  }
0x19b: {  	[tilespmem:$0x11C20] =	vst v24  }
0x19c: {  	v20 =	vadd.s32 $0xBB8, v22;
	v22 =	vld.idx.msk [tilespmem:v23+s0+$0x0], $0xffff  }
0x19d: {  	v21 =	vld.idx.msk [tilespmem:v21+s0+$0x0], $0xffff  }
0x19e: {  	[tilespmem:$0x1FFA0] =	vst v24;
	v24 =	vld [tilespmem:$0x108C0]  }
0x19f: {  	v0 =	vld.idx.msk [tilespmem:v0+s0+$0x0], $0xffff  }
0x1a0: {  	v23 =	vld [tilespmem:$0x10840]  }
0x1a1: {  	v20 =	vld.idx.msk [tilespmem:v20+s0+$0x0], $0xffff  }
0x1a2: {  	v25 =	vld [tilespmem:$0x10940];
	v21 =	vadd.f32 v21, v22;
	_ =	sdelay $0x1  }
0x1a3: {  	v22 =	vld [tilespmem:$0x109C0];
	v0 =	vadd.f32 v0, v21  }
0x1a4: {  	v21 =	vadd.s32 $0x3E8, v24  }
0x1a5: {  	v24 =	vadd.f32 v20, v0  }
0x1a6: {  	v0 =	vadd.s32 $0x7D0, v25  }
0x1a7: {  	[tilespmem:$0x11C30] =	vst v24  }
0x1a8: {  	v20 =	vadd.s32 $0xBB8, v22;
	v22 =	vld.idx.msk [tilespmem:v23+s0+$0x0], $0xffff  }
0x1a9: {  	v21 =	vld.idx.msk [tilespmem:v21+s0+$0x0], $0xffff  }
0x1aa: {  	[tilespmem:$0x1FFB0] =	vst v24;
	v24 =	vld [tilespmem:$0x108D0]  }
0x1ab: {  	v0 =	vld.idx.msk [tilespmem:v0+s0+$0x0], $0xffff  }
0x1ac: {  	v23 =	vld [tilespmem:$0x10850]  }
0x1ad: {  	v20 =	vld.idx.msk [tilespmem:v20+s0+$0x0], $0xffff  }
0x1ae: {  	v25 =	vld [tilespmem:$0x10950];
	v21 =	vadd.f32 v21, v22;
	_ =	sdelay $0x1  }
0x1af: {  	v22 =	vld [tilespmem:$0x109D0];
	v0 =	vadd.f32 v0, v21  }
0x1b0: {  	v21 =	vadd.s32 $0x3E8, v24  }
0x1b1: {  	v24 =	vadd.f32 v20, v0  }
0x1b2: {  	v0 =	vadd.s32 $0x7D0, v25  }
0x1b3: {  	[tilespmem:$0x11C40] =	vst v24  }
0x1b4: {  	v20 =	vadd.s32 $0xBB8, v22;
	v22 =	vld.idx.msk [tilespmem:v23+s0+$0x0], $0xffff  }
0x1b5: {  	v21 =	vld.idx.msk [tilespmem:v21+s0+$0x0], $0xffff  }
0x1b6: {  	[tilespmem:$0x1FFC0] =	vst v24;
	v24 =	vld [tilespmem:$0x108E0]  }
0x1b7: {  	v0 =	vld.idx.msk [tilespmem:v0+s0+$0x0], $0xffff  }
0x1b8: {  	v23 =	vld [tilespmem:$0x10860]  }
0x1b9: {  	v20 =	vld.idx.msk [tilespmem:v20+s0+$0x0], $0xffff  }
0x1ba: {  	v25 =	vld [tilespmem:$0x10960];
	v21 =	vadd.f32 v21, v22;
	_ =	sdelay $0x1  }
0x1bb: {  	v22 =	vld [tilespmem:$0x109E0];
	v0 =	vadd.f32 v0, v21  }
0x1bc: {  	v21 =	vadd.s32 $0x3E8, v24  }
0x1bd: {  	v24 =	vadd.f32 v20, v0  }
0x1be: {  	v0 =	vadd.s32 $0x7D0, v25  }
0x1bf: {  	[tilespmem:$0x11C50] =	vst v24  }
0x1c0: {  	v20 =	vadd.s32 $0xBB8, v22;
	v22 =	vld.idx.msk [tilespmem:v23+s0+$0x0], $0xffff  }
0x1c1: {  	v21 =	vld.idx.msk [tilespmem:v21+s0+$0x0], $0xffff  }
0x1c2: {  	[tilespmem:$0x1FFD0] =	vst v24;
	v24 =	vld [tilespmem:$0x10870]  }
0x1c3: {  	v0 =	vld.idx.msk [tilespmem:v0+s0+$0x0], $0xffff  }
0x1c4: {  	v23 =	vld [tilespmem:$0x108F0]  }
0x1c5: {  	v20 =	vld.idx.msk [tilespmem:v20+s0+$0x0], $0xffff  }
0x1c6: {  	v21 =	vadd.f32 v21, v22;
	v22 =	vld [tilespmem:$0x10970];
	_ =	sdelay $0x1  }
0x1c7: {  	v0 =	vadd.f32 v0, v21;
	v21 =	vld [tilespmem:$0x109F0]  }
0x1c8: {  	v23 =	vadd.s32 $0x3E8, v23  }
0x1c9: {  	v20 =	vadd.f32 v20, v0  }
0x1ca: {  	v0 =	vadd.s32 $0x7D0, v22  }
0x1cb: {  	[tilespmem:$0x11C60] =	vst v20  }
0x1cc: {  	[tilespmem:$0x1FFE0] =	vst v20;
	v20 =	vld.idx.msk [tilespmem:v24+s0+$0x0], $0xffff;
	v21 =	vadd.s32 $0xBB8, v21  }
0x1cd: {  	v22 =	vld.idx.msk [tilespmem:v23+s0+$0x0], $0xffff;
	_ =	sdelay $0x1  }
0x1ce: {  	v0 =	vld.idx.msk [tilespmem:v0+s0+$0x0], $0xffff;
	_ =	sdelay $0x1  }
0x1cf: {  	v21 =	vld.idx.msk [tilespmem:v21+s0+$0x0], $0xffff  }
0x1d0: {  	v20 =	vadd.f32 v22, v20;
	_ =	sdelay $0x1  }
0x1d1: {  	v0 =	vadd.f32 v0, v20;
	_ =	sdelay $0x1  }
0x1d2: {  	v20 =	vadd.f32 v21, v0  }
0x1d3: {  	v27 =	vlaneseq.u32  }
0x1d4: {  	v0 =	vor.u32 v1, v27;
	[tilespmem:$0x1FFF0] =	vst v20  }
0x1d5: {  	v21 =	vadd.s32 $0xFA0, v27;
	[tilespmem:$0x11C70] =	vst v20  }
0x1d6: {  	v22 =	vor.u32 v3, v27;
	_ =	swait.ge [sflag:s25], $0x4000  }
0x1d7: {  	v23 =	vor.u32 v4, v27;
	[sflag:s25] =	ssyncset.done $0x0  }
0x1d8: {  	v24 =	vor.u32 v5, v27;
	[sflag:s25] =	ssyncadd.s32 $0xFFFFC000  }
0x1d9: {  	v25 =	vor.u32 v6, v27;
	v0 =	vld.idx.msk [tilespmem:v0+s24+$0x0], $0xffff  }
0x1da: {  	v20 =	vor.u32 v2, v27;
	v28 =	vld.idx.msk [tilespmem:v21+s0+$0x0], $0xffff  }
0x1db: {  	v26 =	vor.u32 v7, v27;
	v21 =	vadd.s32 $0x1, v27;
	v22 =	vld.idx.msk [tilespmem:v22+s24+$0x0], $0xffff  }
0x1dc: {  	v27 =	vor.u32 v8, v27;
	v23 =	vld.idx.msk [tilespmem:v23+s24+$0x0], $0xffff;
	v21 =	vand.u32 $0x7F, v21  }
0x1dd: {  	v24 =	vld.idx.msk [tilespmem:v24+s24+$0x0], $0xffff;
	v29 =	vor.u32 v1, v21  }
0x1de: {  	v25 =	vld.idx.msk [tilespmem:v25+s24+$0x0], $0xffff;
	v30 =	vor.u32 v2, v21  }
0x1df: {  	v20 =	vld.idx.msk [tilespmem:v20+s24+$0x0], $0xffff;
	v32 =	vadd.s32 $0xFA0, v21  }
0x1e0: {  	v35 =	vld.idx.msk [tilespmem:v26+s24+$0x0], $0xffff;
	v31 =	vor.u32 v3, v21  }
0x1e1: {  	v34 =	vor.u32 v5, v21;
	v62 =	vld.idx.msk [tilespmem:v27+s24+$0x0], $0xffff  }
0x1e2: {  	v52 =	vimm.f32 $0.0e+00;
	v33 =	vor.u32 v4, v21;
	v59 =	vor.u32 v7, v21;
	v37 =	vld.idx.msk [tilespmem:v29+s24+$0x0], $0xffff  }
0x1e3: {  	v58 =	vor.u32 v6, v21;
	v0 =	vmul.f32 v0, v28;
	v22 =	vmul.f32 v22, v28;
	v38 =	vld.idx.msk [tilespmem:v30+s24+$0x0], $0xffff  }
0x1e4: {  	v36 =	vor.u32 v8, v21;
	v39 =	vmul.f32 v25, v28;
	v20 =	vmul.f32 v20, v28;
	v53 =	vld.idx.msk [tilespmem:v32+s0+$0x0], $0xffff  }
0x1e5: {  	v57 =	vadd.f32 v0, v52;
	v0 =	vmul.f32 v23, v28;
	v55 =	vadd.f32 v22, v52;
	v26 =	vld.idx.msk [tilespmem:v31+s24+$0x0], $0xffff  }
0x1e6: {  	v32 =	vmul.f32 v24, v28;
	v23 =	vld.idx.msk [tilespmem:v34+s24+$0x0], $0xffff;
	v54 =	vadd.f32 v20, v52;
	v20 =	vadd.s32 $0x1, v21  }
0x1e7: {  	v34 =	vmul.f32 v35, v28;
	v60 =	vld.idx.msk [tilespmem:v59+s24+$0x0], $0xffff;
	v59 =	vadd.f32 v39, v52;
	v21 =	vand.u32 $0x7F, v20  }
0x1e8: {  	v25 =	vld.idx.msk [tilespmem:v58+s24+$0x0], $0xffff;
	v56 =	vadd.f32 v0, v52;
	v58 =	vadd.f32 v32, v52;
	v30 =	vor.u32 v1, v21  }
0x1e9: {  	v29 =	vor.u32 v2, v21;
	v22 =	vor.u32 v3, v21;
	v20 =	vor.u32 v4, v21  }
0x1ea: {  	v24 =	vld.idx.msk [tilespmem:v33+s24+$0x0], $0xffff;
	v63 =	vor.u32 v5, v21;
	v61 =	vor.u32 v6, v21;
	v31 =	vadd.s32 $0xFA0, v21  }
0x1eb: {  	v0 =	vor.u32 v7, v21;
	v27 =	vor.u32 v8, v21;
	v35 =	vmul.f32 v62, v28  }
0x1ec: {  	s30 =	simm.s32 $0x7C;
	v62 =	vld.idx.msk [tilespmem:v36+s24+$0x0], $0xffff;
	v28 =	vimm.f32 $0.0e+00;
	v33 =	vmul.f32 v37, v53;
	v32 =	vmul.f32 v38, v53  }
.LBB2_2:
0x1ed: {  	v36 =	vld.idx.msk [tilespmem:v30+s24+$0x0], $0xffff;
	v26 =	vmul.f32 v26, v53  }
0x1ee: {  	p0 =	sne.s32 s30, $0x1;
	v52 =	vadd.f32 v34, v52;
	v28 =	vadd.f32 v35, v28;
	v35 =	vmovc v53;
	v37 =	vmovc v0;
	v38 =	vmov v27  }
0x1ef: {  	v39 =	vld.idx.msk [tilespmem:v29+s24+$0x0], $0xffff;
	v57 =	vadd.f32 v33, v57;
	v54 =	vadd.f32 v32, v54;
	v0 =	vmul.f32 v24, v35  }
0x1f0: {  	v21 =	vadd.s32 $0x1, v21;
	v32 =	vmul.f32 v23, v35;
	v53 =	vld.idx.msk [tilespmem:v31+s0+$0x0], $0xffff;
	v55 =	vadd.f32 v26, v55  }
0x1f1: {  	v21 =	vand.u32 $0x7F, v21;
	v40 =	vmul.f32 v25, v35;
	v26 =	vld.idx.msk [tilespmem:v22+s24+$0x0], $0xffff;
	v56 =	vadd.f32 v0, v56  }
.Ltmp0:
0x1f2: {  	v30 =	vor.u32 v1, v21;
	v29 =	vor.u32 v2, v21;
	v22 =	vor.u32 v3, v21;
	v24 =	vld.idx.msk [tilespmem:v20+s24+$0x0], $0xffff;
	(pc) =	sbr.rel @p0 .LBB2_2-.Ltmp0, $4  }
0x1f3: {  	v33 =	vor.u32 v6, v21;
	v20 =	vor.u32 v4, v21;
	v23 =	vld.idx.msk [tilespmem:v63+s24+$0x0], $0xffff;
	v63 =	vor.u32 v5, v21  }
0x1f4: {  	v31 =	vadd.s32 $0xFA0, v21;
	v27 =	vor.u32 v8, v21;
	v0 =	vor.u32 v7, v21;
	v25 =	vld.idx.msk [tilespmem:v61+s24+$0x0], $0xffff;
	v61 =	vmovc v33  }
0x1f5: {  	v58 =	vadd.f32 v32, v58;
	v34 =	vmul.f32 v60, v35;
	v35 =	vmul.f32 v62, v35;
	v60 =	vld.idx.msk [tilespmem:v37+s24+$0x0], $0xffff  }
0x1f6: {  	s30 =	sadd.s32 $0xFFFFFFFF, s30;
	v59 =	vadd.f32 v40, v59;
	v33 =	vmul.f32 v36, v53;
	v32 =	vmul.f32 v39, v53;
	v62 =	vld.idx.msk [tilespmem:v38+s24+$0x0], $0xffff  }
0x1f7: {  	_ =	sdelay $0x3  }
0x1f8: {  	v30 =	vld.idx.msk [tilespmem:v30+s24+$0x0], $0xffff  }
0x1f9: {  	v29 =	vld.idx.msk [tilespmem:v29+s24+$0x0], $0xffff  }
0x1fa: {  	v31 =	vld.idx.msk [tilespmem:v31+s0+$0x0], $0xffff;
	v21 =	vadd.s32 $0x1, v21  }
0x1fb: {  	v26 =	vmul.f32 v26, v53;
	v34 =	vadd.f32 v34, v52;
	v22 =	vld.idx.msk [tilespmem:v22+s24+$0x0], $0xffff;
	v21 =	vand.u32 $0x7F, v21  }
0x1fc: {  	v28 =	vadd.f32 v35, v28;
	v20 =	vld.idx.msk [tilespmem:v20+s24+$0x0], $0xffff;
	v24 =	vmul.f32 v24, v53;
	v35 =	vor.u32 v1, v21  }
0x1fd: {  	v36 =	vld.idx.msk [tilespmem:v63+s24+$0x0], $0xffff;
	v33 =	vadd.f32 v33, v57;
	v32 =	vadd.f32 v32, v54;
	v37 =	vadd.s32 $0xFA0, v21  }
0x1fe: {  	v39 =	vld.idx.msk [tilespmem:v61+s24+$0x0], $0xffff;
	v23 =	vmul.f32 v23, v53;
	v26 =	vadd.f32 v26, v55;
	v38 =	vor.u32 v2, v21  }
0x1ff: {  	v0 =	vld.idx.msk [tilespmem:v0+s24+$0x0], $0xffff;
	v24 =	vadd.f32 v24, v56;
	v25 =	vmul.f32 v25, v53;
	v40 =	vor.u32 v3, v21  }
0x200: {  	v27 =	vld.idx.msk [tilespmem:v27+s24+$0x0], $0xffff;
	v52 =	vor.u32 v4, v21;
	v54 =	vor.u32 v5, v21;
	v55 =	vor.u32 v6, v21  }
0x201: {  	v56 =	vor.u32 v7, v21;
	v21 =	vor.u32 v8, v21;
	v61 =	vmul.f32 v60, v53;
	v35 =	vld.idx.msk [tilespmem:v35+s24+$0x0], $0xffff  }
0x202: {  	v23 =	vadd.f32 v23, v58;
	v62 =	vmul.f32 v62, v53;
	v30 =	vmul.f32 v30, v31;
	v37 =	vld.idx.msk [tilespmem:v37+s0+$0x0], $0xffff  }
0x203: {  	v25 =	vadd.f32 v25, v59;
	v29 =	vmul.f32 v29, v31;
	v22 =	vmul.f32 v22, v31;
	v38 =	vld.idx.msk [tilespmem:v38+s24+$0x0], $0xffff  }
0x204: {  	v34 =	vadd.f32 v61, v34;
	v20 =	vmul.f32 v20, v31;
	v63 =	vmul.f32 v36, v31;
	v40 =	vld.idx.msk [tilespmem:v40+s24+$0x0], $0xffff  }
0x205: {  	v0 =	vmul.f32 v0, v31;
	v28 =	vadd.f32 v62, v28;
	v30 =	vadd.f32 v30, v33;
	v53 =	vld.idx.msk [tilespmem:v52+s24+$0x0], $0xffff  }
0x206: {  	v27 =	vmul.f32 v27, v31;
	v29 =	vadd.f32 v29, v32;
	v22 =	vadd.f32 v22, v26;
	v26 =	vld.idx.msk [tilespmem:v54+s24+$0x0], $0xffff  }
0x207: {  	v20 =	vadd.f32 v20, v24;
	v24 =	vmul.f32 v39, v31;
	v54 =	vld.idx.msk [tilespmem:v55+s24+$0x0], $0xffff;
	v55 =	vmul.f32 v35, v37  }
0x208: {  	v23 =	vadd.f32 v63, v23;
	v57 =	vld.idx.msk [tilespmem:v56+s24+$0x0], $0xffff;
	v0 =	vadd.f32 v0, v34;
	v31 =	vmul.f32 v38, v37  }
0x209: {  	v21 =	vld.idx.msk [tilespmem:v21+s24+$0x0], $0xffff;
	v24 =	vadd.f32 v24, v25;
	v25 =	vmul.f32 v40, v37;
	v30 =	vadd.f32 v55, v30  }
0x20a: {  	v27 =	vadd.f32 v27, v28;
	v28 =	vadd.f32 v31, v29;
	v29 =	vmul.f32 v53, v37  }
0x20b: {  	v22 =	vadd.f32 v25, v22;
	v25 =	vmul.f32 v26, v37;
	v26 =	vadd.f32 v30, v44  }
0x20c: {  	v20 =	vadd.f32 v29, v20;
	v29 =	vmul.f32 v54, v37;
	v28 =	vadd.f32 v28, v45  }
0x20d: {  	v23 =	vadd.f32 v25, v23;
	v25 =	vmul.f32 v57, v37;
	v22 =	vadd.f32 v22, v46;
	[tilespmem:$0x11A80] =	vst v26  }
0x20e: {  	v21 =	vmul.f32 v21, v37;
	v24 =	vadd.f32 v29, v24;
	[tilespmem:$0x11A90] =	vst v28;
	v20 =	vadd.f32 v20, v47  }
0x20f: {  	v0 =	vadd.f32 v25, v0;
	[tilespmem:$0x11AA0] =	vst v22;
	v22 =	vadd.f32 v23, v48  }
0x210: {  	v21 =	vadd.f32 v21, v27;
	[tilespmem:$0x11AB0] =	vst v20;
	v20 =	vadd.f32 v24, v49  }
0x211: {  	[tilespmem:$0x11AC0] =	vst v22;
	v0 =	vadd.f32 v0, v50  }
0x212: {  	[tilespmem:$0x11AD0] =	vst v20;
	v20 =	vadd.f32 v21, v51;
	v21 =	vlaneseq.u32  }
0x213: {  	[tilespmem:$0x11AE0] =	vst v0;
	v0 =	vor.u32 v9, v21  }
0x214: {  	v22 =	vadd.s32 $0xFA0, v21;
	[tilespmem:$0x11AF0] =	vst v20  }
0x215: {  	v23 =	vor.u32 v11, v21;
	_ =	swait.ge [sflag:s25], $0x4000  }
0x216: {  	v24 =	vor.u32 v12, v21;
	[sflag:s25] =	ssyncset.done $0x0  }
0x217: {  	v25 =	vor.u32 v13, v21;
	[sflag:s25] =	ssyncadd.s32 $0xFFFFC000  }
0x218: {  	v20 =	vor.u32 v10, v21;
	v0 =	vld.idx.msk [tilespmem:v0+s24+$0x0], $0xffff  }
0x219: {  	v26 =	vor.u32 v14, v21;
	v28 =	vld.idx.msk [tilespmem:v22+s0+$0x0], $0xffff  }
0x21a: {  	v23 =	vld.idx.msk [tilespmem:v23+s24+$0x0], $0xffff  }
0x21b: {  	v27 =	vor.u32 v15, v21;
	v22 =	vadd.s32 $0x1, v21;
	v24 =	vld.idx.msk [tilespmem:v24+s24+$0x0], $0xffff  }
0x21c: {  	v21 =	vor.u32 v16, v21;
	v25 =	vld.idx.msk [tilespmem:v25+s24+$0x0], $0xffff;
	v22 =	vand.u32 $0x7F, v22  }
0x21d: {  	v20 =	vld.idx.msk [tilespmem:v20+s24+$0x0], $0xffff;
	v29 =	vor.u32 v9, v22  }
0x21e: {  	v59 =	vld.idx.msk [tilespmem:v26+s24+$0x0], $0xffff;
	v30 =	vor.u32 v10, v22  }
0x21f: {  	v44 =	vimm.f32 $0.0e+00;
	v31 =	vor.u32 v11, v22;
	v58 =	vadd.s32 $0xFA0, v22  }
0x220: {  	v36 =	vld.idx.msk [tilespmem:v27+s24+$0x0], $0xffff;
	v34 =	vor.u32 v12, v22;
	v35 =	vor.u32 v13, v22;
	v37 =	vor.u32 v14, v22  }
0x221: {  	v38 =	vor.u32 v15, v22;
	v0 =	vmul.f32 v0, v28;
	v39 =	vld.idx.msk [tilespmem:v21+s24+$0x0], $0xffff;
	v21 =	vmul.f32 v23, v28  }
0x222: {  	v40 =	vor.u32 v16, v22;
	v62 =	vmul.f32 v25, v28;
	v20 =	vmul.f32 v20, v28;
	v60 =	vld.idx.msk [tilespmem:v29+s24+$0x0], $0xffff  }
0x223: {  	v63 =	vmul.f32 v59, v28;
	v49 =	vadd.f32 v0, v44;
	v61 =	vld.idx.msk [tilespmem:v30+s24+$0x0], $0xffff;
	v0 =	vmul.f32 v24, v28  }
0x224: {  	v45 =	vld.idx.msk [tilespmem:v58+s0+$0x0], $0xffff;
	v47 =	vadd.f32 v21, v44;
	v46 =	vadd.f32 v20, v44;
	v20 =	vadd.s32 $0x1, v22  }
0x225: {  	v24 =	vld.idx.msk [tilespmem:v34+s24+$0x0], $0xffff;
	v34 =	vmul.f32 v36, v28;
	v50 =	vadd.f32 v62, v44;
	v21 =	vand.u32 $0x7F, v20  }
0x226: {  	v26 =	vld.idx.msk [tilespmem:v31+s24+$0x0], $0xffff;
	v51 =	vadd.f32 v63, v44;
	v48 =	vadd.f32 v0, v44;
	v30 =	vor.u32 v9, v21  }
0x227: {  	v23 =	vld.idx.msk [tilespmem:v35+s24+$0x0], $0xffff;
	v29 =	vor.u32 v10, v21;
	v22 =	vor.u32 v11, v21;
	v20 =	vor.u32 v12, v21  }
0x228: {  	v25 =	vld.idx.msk [tilespmem:v37+s24+$0x0], $0xffff;
	v55 =	vor.u32 v13, v21;
	v53 =	vor.u32 v14, v21;
	v31 =	vadd.s32 $0xFA0, v21  }
0x229: {  	v52 =	vld.idx.msk [tilespmem:v38+s24+$0x0], $0xffff;
	v0 =	vor.u32 v15, v21;
	v27 =	vor.u32 v16, v21;
	v35 =	vmul.f32 v39, v28  }
0x22a: {  	s30 =	simm.s32 $0x7C;
	v54 =	vld.idx.msk [tilespmem:v40+s24+$0x0], $0xffff;
	v28 =	vimm.f32 $0.0e+00;
	v33 =	vmul.f32 v60, v45;
	v32 =	vmul.f32 v61, v45  }
.LBB2_4:
0x22b: {  	v36 =	vld.idx.msk [tilespmem:v30+s24+$0x0], $0xffff;
	v26 =	vmul.f32 v26, v45  }
0x22c: {  	p0 =	sne.s32 s30, $0x1;
	v44 =	vadd.f32 v34, v44;
	v28 =	vadd.f32 v35, v28;
	v35 =	vmovc v45;
	v37 =	vmovc v0;
	v38 =	vmov v27  }
0x22d: {  	v39 =	vld.idx.msk [tilespmem:v29+s24+$0x0], $0xffff;
	v49 =	vadd.f32 v33, v49;
	v46 =	vadd.f32 v32, v46;
	v0 =	vmul.f32 v24, v35  }
0x22e: {  	v21 =	vadd.s32 $0x1, v21;
	v32 =	vmul.f32 v23, v35;
	v45 =	vld.idx.msk [tilespmem:v31+s0+$0x0], $0xffff;
	v47 =	vadd.f32 v26, v47  }
0x22f: {  	v21 =	vand.u32 $0x7F, v21;
	v40 =	vmul.f32 v25, v35;
	v26 =	vld.idx.msk [tilespmem:v22+s24+$0x0], $0xffff;
	v48 =	vadd.f32 v0, v48  }
.Ltmp1:
0x230: {  	v30 =	vor.u32 v9, v21;
	v29 =	vor.u32 v10, v21;
	v22 =	vor.u32 v11, v21;
	v24 =	vld.idx.msk [tilespmem:v20+s24+$0x0], $0xffff;
	(pc) =	sbr.rel @p0 .LBB2_4-.Ltmp1, $4  }
0x231: {  	v33 =	vor.u32 v14, v21;
	v20 =	vor.u32 v12, v21;
	v23 =	vld.idx.msk [tilespmem:v55+s24+$0x0], $0xffff;
	v55 =	vor.u32 v13, v21  }
0x232: {  	v31 =	vadd.s32 $0xFA0, v21;
	v27 =	vor.u32 v16, v21;
	v0 =	vor.u32 v15, v21;
	v25 =	vld.idx.msk [tilespmem:v53+s24+$0x0], $0xffff;
	v53 =	vmovc v33  }
0x233: {  	v50 =	vadd.f32 v32, v50;
	v34 =	vmul.f32 v52, v35;
	v35 =	vmul.f32 v54, v35;
	v52 =	vld.idx.msk [tilespmem:v37+s24+$0x0], $0xffff  }
0x234: {  	s30 =	sadd.s32 $0xFFFFFFFF, s30;
	v51 =	vadd.f32 v40, v51;
	v33 =	vmul.f32 v36, v45;
	v32 =	vmul.f32 v39, v45;
	v54 =	vld.idx.msk [tilespmem:v38+s24+$0x0], $0xffff  }
0x235: {  	_ =	sdelay $0x1  }
0x236: {  	v21 =	vadd.s32 $0x1, v21  }
0x237: {  	v21 =	vand.u32 $0x7F, v21  }
0x238: {  	v31 =	vld.idx.msk [tilespmem:v31+s0+$0x0], $0xffff;
	v37 =	vadd.s32 $0xFA0, v21  }
0x239: {  	v22 =	vld.idx.msk [tilespmem:v22+s24+$0x0], $0xffff;
	v40 =	vor.u32 v11, v21  }
0x23a: {  	v20 =	vld.idx.msk [tilespmem:v20+s24+$0x0], $0xffff  }
0x23b: {  	v60 =	vor.u32 v13, v21  }
0x23c: {  	v26 =	vmul.f32 v26, v45;
	v39 =	vld.idx.msk [tilespmem:v53+s24+$0x0], $0xffff;
	v58 =	vor.u32 v9, v21  }
0x23d: {  	v24 =	vmul.f32 v24, v45;
	v37 =	vld.idx.msk [tilespmem:v37+s0+$0x0], $0xffff  }
0x23e: {  	v26 =	vadd.f32 v26, v47;
	v22 =	vmul.f32 v22, v31;
	v40 =	vld.idx.msk [tilespmem:v40+s24+$0x0], $0xffff  }
0x23f: {  	v30 =	vld.idx.msk [tilespmem:v30+s24+$0x0], $0xffff;
	v24 =	vadd.f32 v24, v48;
	v25 =	vmul.f32 v25, v45;
	v20 =	vmul.f32 v20, v31  }
0x240: {  	v28 =	vadd.f32 v35, v28;
	v22 =	vadd.f32 v22, v26;
	v26 =	vld.idx.msk [tilespmem:v60+s24+$0x0], $0xffff  }
0x241: {  	v25 =	vadd.f32 v25, v51;
	v35 =	vld.idx.msk [tilespmem:v58+s24+$0x0], $0xffff;
	v20 =	vadd.f32 v20, v24;
	v24 =	vmul.f32 v39, v31  }
0x242: {  	v29 =	vld.idx.msk [tilespmem:v29+s24+$0x0], $0xffff;
	v38 =	vor.u32 v10, v21  }
0x243: {  	v36 =	vld.idx.msk [tilespmem:v55+s24+$0x0], $0xffff;
	v59 =	vor.u32 v12, v21;
	v24 =	vadd.f32 v24, v25;
	v25 =	vmul.f32 v40, v37  }
0x244: {  	v0 =	vld.idx.msk [tilespmem:v0+s24+$0x0], $0xffff;
	v33 =	vadd.f32 v33, v49;
	v61 =	vor.u32 v14, v21;
	v30 =	vmul.f32 v30, v31  }
0x245: {  	v62 =	vor.u32 v15, v21;
	v22 =	vadd.f32 v25, v22;
	v25 =	vmul.f32 v26, v37;
	v26 =	vld [tilespmem:$0x1FEB0]  }
0x246: {  	v27 =	vld.idx.msk [tilespmem:v27+s24+$0x0], $0xffff;
	v21 =	vor.u32 v16, v21;
	v30 =	vadd.f32 v30, v33;
	v56 =	vmul.f32 v35, v37  }
0x247: {  	v38 =	vld.idx.msk [tilespmem:v38+s24+$0x0], $0xffff  }
0x248: {  	v63 =	vmul.f32 v52, v45;
	v52 =	vmul.f32 v54, v45;
	v54 =	vld.idx.msk [tilespmem:v59+s24+$0x0], $0xffff;
	v30 =	vadd.f32 v56, v30  }
0x249: {  	v55 =	vld.idx.msk [tilespmem:v61+s24+$0x0], $0xffff  }
0x24a: {  	v57 =	vld.idx.msk [tilespmem:v62+s24+$0x0], $0xffff;
	v26 =	vadd.f32 v30, v26  }
0x24b: {  	v23 =	vmul.f32 v23, v45;
	v21 =	vld.idx.msk [tilespmem:v21+s24+$0x0], $0xffff  }
0x24c: {  	v34 =	vadd.f32 v34, v44;
	[tilespmem:$0x11B00] =	vst v26;
	v26 =	vld [tilespmem:$0x1FED0]  }
0x24d: {  	v32 =	vadd.f32 v32, v46;
	v23 =	vadd.f32 v23, v50;
	v53 =	vmul.f32 v36, v31  }
0x24e: {  	v29 =	vmul.f32 v29, v31;
	v34 =	vadd.f32 v63, v34;
	v0 =	vmul.f32 v0, v31  }
0x24f: {  	v27 =	vmul.f32 v27, v31;
	v28 =	vadd.f32 v52, v28;
	v23 =	vadd.f32 v53, v23  }
0x250: {  	v29 =	vadd.f32 v29, v32;
	v0 =	vadd.f32 v0, v34;
	v31 =	vmul.f32 v38, v37  }
0x251: {  	v23 =	vadd.f32 v25, v23;
	v25 =	vmul.f32 v57, v37;
	v22 =	vadd.f32 v22, v26;
	v26 =	vld [tilespmem:$0x1FEE0]  }
0x252: {  	v27 =	vadd.f32 v27, v28;
	v28 =	vadd.f32 v31, v29;
	v29 =	vmul.f32 v54, v37;
	v30 =	vld [tilespmem:$0x1FEC0]  }
0x253: {  	v0 =	vadd.f32 v25, v0  }
0x254: {  	v20 =	vadd.f32 v29, v20;
	v29 =	vmul.f32 v55, v37;
	[tilespmem:$0x11B20] =	vst v22;
	v22 =	vld [tilespmem:$0x1FEF0]  }
0x255: {  	v0 =	vadd.f32 v0, v42  }
0x256: {  	v21 =	vmul.f32 v21, v37;
	v24 =	vadd.f32 v29, v24;
	v20 =	vadd.f32 v20, v26  }
0x257: {  	[tilespmem:$0x11B60] =	vst v0;
	v28 =	vadd.f32 v28, v30  }
0x258: {  	v21 =	vadd.f32 v21, v27;
	[tilespmem:$0x11B30] =	vst v20;
	v20 =	vadd.f32 v24, v41  }
0x259: {  	[tilespmem:$0x11B10] =	vst v28;
	v22 =	vadd.f32 v23, v22  }
0x25a: {  	v38 =	vor.u32 $0x9800, v1;
	[tilespmem:$0x11B50] =	vst v20;
	v20 =	vadd.f32 v21, v43;
	v21 =	vlaneseq.u32  }
0x25b: {  	v36 =	vor.u32 $0xA800, v1;
	[tilespmem:$0x11B40] =	vst v22;
	v0 =	vor.u32 v38, v21  }
0x25c: {  	v39 =	vor.u32 $0xB000, v1;
	v22 =	vor.u32 v36, v21;
	[tilespmem:$0x11B70] =	vst v20  }
0x25d: {  	v35 =	vor.u32 $0xA000, v1;
	v23 =	vor.u32 v39, v21;
	_ =	swait.ge [sflag:s25], $0x4000  }
0x25e: {  	v20 =	vor.u32 v35, v21;
	[sflag:s25] =	ssyncset.done $0x0  }
0x25f: {  	v40 =	vor.u32 $0xB800, v1;
	v24 =	vadd.s32 $0xFA0, v21;
	[sflag:s25] =	ssyncadd.s32 $0xFFFFC000  }
0x260: {  	v25 =	vor.u32 v40, v21;
	v26 =	vld.idx.msk [tilespmem:v0+s24+$0x0], $0xffff  }
0x261: {  	v31 =	vor.u32 v19, v21;
	v28 =	vld.idx.msk [tilespmem:v22+s24+$0x0], $0xffff  }
0x262: {  	v0 =	vor.u32 v17, v21;
	v30 =	vld.idx.msk [tilespmem:v23+s24+$0x0], $0xffff  }
0x263: {  	v22 =	vadd.s32 $0x1, v21;
	v27 =	vld.idx.msk [tilespmem:v20+s24+$0x0], $0xffff;
	v20 =	vor.u32 v18, v21  }
0x264: {  	v44 =	vld.idx.msk [tilespmem:v24+s0+$0x0], $0xffff;
	v21 =	vand.u32 $0x7F, v22  }
0x265: {  	v48 =	vimm.f32 $0.0e+00;
	v58 =	vld.idx.msk [tilespmem:v25+s24+$0x0], $0xffff;
	v59 =	vor.u32 v38, v21  }
0x266: {  	v50 =	vimm.f32 $0.0e+00;
	v51 =	vimm.f32 $0.0e+00;
	v25 =	vld.idx.msk [tilespmem:v31+s24+$0x0], $0xffff;
	v61 =	vor.u32 v35, v21  }
0x267: {  	v52 =	vimm.f32 $0.0e+00;
	v53 =	vimm.f32 $0.0e+00;
	v62 =	vor.u32 v36, v21;
	v60 =	vld.idx.msk [tilespmem:v0+s24+$0x0], $0xffff  }
0x268: {  	v54 =	vimm.f32 $0.0e+00;
	v42 =	vimm.f32 $0.0e+00;
	v24 =	vor.u32 v39, v21;
	v23 =	vld.idx.msk [tilespmem:v20+s24+$0x0], $0xffff  }
0x269: {  	v47 =	vor.u32 v17, v21;
	v22 =	vadd.s32 $0xFA0, v21;
	v0 =	vor.u32 v40, v21  }
0x26a: {  	v46 =	vor.u32 v19, v21;
	v63 =	vmul.f32 v26, v44;
	v29 =	vmul.f32 v27, v44;
	v43 =	vld.idx.msk [tilespmem:v59+s24+$0x0], $0xffff  }
0x26b: {  	v20 =	vor.u32 v18, v21;
	v27 =	vmul.f32 v28, v44;
	v28 =	vmul.f32 v30, v44;
	v45 =	vld.idx.msk [tilespmem:v61+s24+$0x0], $0xffff  }
0x26c: {  	s30 =	simm.s32 $0x7D;
	v30 =	vmul.f32 v58, v44;
	v41 =	vadd.f32 v63, v42;
	v49 =	vld.idx.msk [tilespmem:v62+s24+$0x0], $0xffff;
	v26 =	vmul.f32 v60, v44  }
.LBB2_6:
0x26d: {  	p0 =	sne.s32 s30, $0x1;
	v31 =	vld.idx.msk [tilespmem:v24+s24+$0x0], $0xffff;
	v32 =	vmul.f32 v23, v44;
	v33 =	vmul.f32 v25, v44;
	v42 =	vadd.f32 v29, v42  }
0x26e: {  	v52 =	vadd.f32 v27, v52;
	v53 =	vadd.f32 v28, v53;
	v34 =	vld.idx.msk [tilespmem:v0+s24+$0x0], $0xffff;
	v0 =	vadd.s32 $0x1, v21  }
0x26f: {  	v51 =	vadd.f32 v26, v51;
	v54 =	vadd.f32 v30, v54;
	v44 =	vld.idx.msk [tilespmem:v22+s0+$0x0], $0xffff;
	v21 =	vand.u32 $0x7F, v0  }
0x270: {  	v26 =	vor.u32 v38, v21;
	v27 =	vor.u32 v35, v21;
	v30 =	vor.u32 v36, v21;
	v37 =	vld.idx.msk [tilespmem:v47+s24+$0x0], $0xffff  }
0x271: {  	v47 =	vor.u32 v17, v21;
	v24 =	vor.u32 v39, v21;
	v0 =	vor.u32 v40, v21;
	v23 =	vld.idx.msk [tilespmem:v20+s24+$0x0], $0xffff  }
0x272: {  	v22 =	vadd.s32 $0xFA0, v21;
	v20 =	vor.u32 v18, v21;
	v25 =	vld.idx.msk [tilespmem:v46+s24+$0x0], $0xffff;
	v46 =	vor.u32 v19, v21  }
.Ltmp2:
0x273: {  	v50 =	vadd.f32 v32, v50;
	v48 =	vadd.f32 v33, v48;
	(pc) =	sbr.rel @p0 .LBB2_6-.Ltmp2, $4  }
0x274: {  	_ = 	snop  }
0x275: {  	v32 =	vmul.f32 v43, v44;
	v29 =	vmul.f32 v45, v44;
	v43 =	vld.idx.msk [tilespmem:v26+s24+$0x0], $0xffff  }
0x276: {  	v28 =	vmul.f32 v31, v44;
	v45 =	vld.idx.msk [tilespmem:v27+s24+$0x0], $0xffff;
	v27 =	vmul.f32 v49, v44  }
0x277: {  	s30 =	sadd.s32 $0xFFFFFFFF, s30;
	v26 =	vmul.f32 v37, v44;
	v41 =	vadd.f32 v32, v41;
	v49 =	vld.idx.msk [tilespmem:v30+s24+$0x0], $0xffff;
	v30 =	vmul.f32 v34, v44  }
0x278: {  	_ =	sdelay $0x2  }
0x279: {  	v21 =	vadd.s32 $0x1, v21  }
0x27a: {  	v24 =	vld.idx.msk [tilespmem:v24+s24+$0x0], $0xffff;
	v21 =	vand.u32 $0x7F, v21  }
0x27b: {  	v0 =	vld.idx.msk [tilespmem:v0+s24+$0x0], $0xffff;
	v31 =	vadd.s32 $0xFA0, v21  }
0x27c: {  	v22 =	vld.idx.msk [tilespmem:v22+s0+$0x0], $0xffff;
	v34 =	vor.u32 v18, v21  }
0x27d: {  	v33 =	vld.idx.msk [tilespmem:v47+s24+$0x0], $0xffff  }
0x27e: {  	v20 =	vld.idx.msk [tilespmem:v20+s24+$0x0], $0xffff;
	v37 =	vor.u32 v19, v21  }
0x27f: {  	v23 =	vmul.f32 v23, v44;
	v27 =	vadd.f32 v27, v52;
	v63 =	vld.idx.msk [tilespmem:v46+s24+$0x0], $0xffff;
	v32 =	vor.u32 v17, v21  }
0x280: {  	v25 =	vmul.f32 v25, v44;
	v28 =	vadd.f32 v28, v53;
	v30 =	vadd.f32 v30, v54;
	v31 =	vld.idx.msk [tilespmem:v31+s0+$0x0], $0xffff  }
0x281: {  	v38 =	vor.u32 v38, v21;
	v35 =	vor.u32 v35, v21;
	v36 =	vor.u32 v36, v21;
	v34 =	vld.idx.msk [tilespmem:v34+s24+$0x0], $0xffff  }
0x282: {  	v39 =	vor.u32 v39, v21;
	v21 =	vor.u32 v40, v21;
	v52 =	vmul.f32 v43, v22  }
0x283: {  	v23 =	vadd.f32 v23, v50;
	v53 =	vmul.f32 v45, v22;
	v0 =	vmul.f32 v0, v22;
	v37 =	vld.idx.msk [tilespmem:v37+s24+$0x0], $0xffff  }
0x284: {  	v25 =	vadd.f32 v25, v48;
	v54 =	vmul.f32 v49, v22;
	v20 =	vmul.f32 v20, v22;
	v32 =	vld.idx.msk [tilespmem:v32+s24+$0x0], $0xffff  }
0x285: {  	v24 =	vmul.f32 v24, v22;
	v33 =	vmul.f32 v33, v22;
	v0 =	vadd.f32 v0, v30;
	v30 =	vld [tilespmem:$0x1FF10]  }
0x286: {  	v22 =	vmul.f32 v63, v22;
	v38 =	vld.idx.msk [tilespmem:v38+s24+$0x0], $0xffff;
	v20 =	vadd.f32 v20, v23;
	v23 =	vmul.f32 v34, v31  }
0x287: {  	v35 =	vld.idx.msk [tilespmem:v35+s24+$0x0], $0xffff  }
0x288: {  	v36 =	vld.idx.msk [tilespmem:v36+s24+$0x0], $0xffff;
	v22 =	vadd.f32 v22, v25;
	v25 =	vmul.f32 v37, v31;
	v20 =	vadd.f32 v23, v20  }
0x289: {  	v26 =	vadd.f32 v26, v51;
	v55 =	vld.idx.msk [tilespmem:v39+s24+$0x0], $0xffff  }
0x28a: {  	v22 =	vadd.f32 v25, v22;
	v25 =	vld [tilespmem:$0x1FF00];
	v20 =	vadd.f32 v20, v30  }
0x28b: {  	v26 =	vadd.f32 v33, v26;
	v21 =	vld.idx.msk [tilespmem:v21+s24+$0x0], $0xffff;
	v32 =	vmul.f32 v32, v31  }
0x28c: {  	v40 =	vadd.f32 v52, v41;
	[tilespmem:$0x11B90] =	vst v20;
	v20 =	vld [tilespmem:$0x1FF30]  }
0x28d: {  	v24 =	vadd.f32 v24, v28;
	v28 =	vmul.f32 v38, v31;
	v26 =	vadd.f32 v32, v26;
	_ =	sdelay $0x1  }
0x28e: {  	v28 =	vadd.f32 v28, v40;
	v25 =	vadd.f32 v26, v25;
	_ =	sdelay $0x1  }
0x28f: {  	[tilespmem:$0x11B80] =	vst v25;
	v25 =	vld [tilespmem:$0x1FF20];
	v20 =	vadd.f32 v28, v20;
	_ =	sdelay $0x1  }
0x290: {  	[tilespmem:$0x11BB0] =	vst v20;
	v20 =	vld [tilespmem:$0x1FF50]  }
0x291: {  	v27 =	vadd.f32 v54, v27;
	v26 =	vmul.f32 v36, v31;
	_ =	sdelay $0x1  }
0x292: {  	v21 =	vmul.f32 v21, v31;
	v22 =	vadd.f32 v22, v25;
	v25 =	vadd.f32 v26, v27  }
0x293: {  	v29 =	vadd.f32 v29, v42  }
0x294: {  	v0 =	vadd.f32 v21, v0;
	v21 =	vld [tilespmem:$0x1FF60];
	v20 =	vadd.f32 v25, v20  }
0x295: {  	v30 =	vmul.f32 v55, v31;
	[tilespmem:$0x11BA0] =	vst v22;
	v22 =	vld [tilespmem:$0x1FF40]  }
0x296: {  	v29 =	vadd.f32 v53, v29;
	v23 =	vmul.f32 v35, v31;
	[tilespmem:$0x11BD0] =	vst v20;
	v20 =	vld [tilespmem:$0x1FF70]  }
0x297: {  	v24 =	vadd.f32 v30, v24  }
0x298: {  	v23 =	vadd.f32 v23, v29  }
0x299: {  	v21 =	vadd.f32 v24, v21  }
0x29a: {  	v22 =	vadd.f32 v23, v22  }
0x29b: {  	v31 =	vor.u32 $0xC000, v1;
	[tilespmem:$0x11BE0] =	vst v21;
	v0 =	vadd.f32 v0, v20;
	v20 =	vlaneseq.u32  }
0x29c: {  	v27 =	vor.u32 $0xD000, v1;
	[tilespmem:$0x11BC0] =	vst v22;
	v21 =	vor.u32 v31, v20  }
0x29d: {  	v29 =	vor.u32 $0xD800, v1;
	v22 =	vor.u32 v27, v20;
	[tilespmem:$0x11BF0] =	vst v0  }
0x29e: {  	v23 =	vor.u32 v29, v20;
	_ =	swait.ge [sflag:s25], $0x4000  }
0x29f: {  	v32 =	vor.u32 $0xE000, v1;
	v24 =	vadd.s32 $0xFA0, v20;
	[sflag:s25] =	ssyncset.done $0x0  }
0x2a0: {  	v34 =	vor.u32 $0xF000, v1;
	v25 =	vor.u32 v32, v20;
	[sflag:s25] =	ssyncadd.s32 $0xFFFFC000  }
0x2a1: {  	v30 =	vor.u32 $0xC800, v1;
	v26 =	vor.u32 v34, v20;
	v56 =	vadd.s32 $0x1, v20;
	v28 =	vld.idx.msk [tilespmem:v21+s24+$0x0], $0xffff  }
0x2a2: {  	v0 =	vor.u32 v30, v20;
	v41 =	vand.u32 $0x7F, v56;
	v22 =	vld.idx.msk [tilespmem:v22+s24+$0x0], $0xffff  }
0x2a3: {  	v33 =	vor.u32 $0xE800, v1;
	v35 =	vor.u32 $0xF800, v1;
	v36 =	vor.u32 v31, v41;
	v58 =	vld.idx.msk [tilespmem:v23+s24+$0x0], $0xffff  }
0x2a4: {  	v57 =	vor.u32 v35, v20;
	v21 =	vor.u32 v33, v20;
	v20 =	vld.idx.msk [tilespmem:v24+s0+$0x0], $0xffff  }
0x2a5: {  	v24 =	vld.idx.msk [tilespmem:v25+s24+$0x0], $0xffff  }
0x2a6: {  	v60 =	vor.u32 v27, v41;
	v43 =	vld.idx.msk [tilespmem:v26+s24+$0x0], $0xffff  }
0x2a7: {  	v61 =	vor.u32 v29, v41;
	v0 =	vld.idx.msk [tilespmem:v0+s24+$0x0], $0xffff  }
0x2a8: {  	v46 =	vimm.f32 $0.0e+00;
	v62 =	vor.u32 v32, v41;
	v50 =	vld.idx.msk [tilespmem:v36+s24+$0x0], $0xffff  }
0x2a9: {  	v47 =	vimm.f32 $0.0e+00;
	v44 =	vimm.f32 $0.0e+00;
	v25 =	vor.u32 v30, v41;
	v59 =	vld.idx.msk [tilespmem:v21+s24+$0x0], $0xffff  }
0x2aa: {  	v48 =	vimm.f32 $0.0e+00;
	v49 =	vimm.f32 $0.0e+00;
	v26 =	vor.u32 v33, v41;
	v21 =	vld.idx.msk [tilespmem:v57+s24+$0x0], $0xffff  }
0x2ab: {  	v52 =	vimm.f32 $0.0e+00;
	v38 =	vimm.f32 $0.0e+00;
	v23 =	vor.u32 v34, v41;
	v42 =	vld.idx.msk [tilespmem:v60+s24+$0x0], $0xffff  }
0x2ac: {  	v51 =	vor.u32 v35, v41;
	v37 =	vld.idx.msk [tilespmem:v61+s24+$0x0], $0xffff;
	v63 =	vmul.f32 v28, v20;
	v28 =	vmul.f32 v22, v20  }
0x2ad: {  	v45 =	vadd.s32 $0xFA0, v41;
	v39 =	vld.idx.msk [tilespmem:v62+s24+$0x0], $0xffff;
	v22 =	vmul.f32 v58, v20;
	v24 =	vmul.f32 v24, v20  }
0x2ae: {  	s30 =	simm.s32 $0x7D;
	v40 =	vld.idx.msk [tilespmem:v25+s24+$0x0], $0xffff;
	v0 =	vmul.f32 v0, v20;
	v36 =	vadd.f32 v63, v38;
	v25 =	vmul.f32 v59, v20  }
.LBB2_8:
0x2af: {  	p0 =	sne.s32 s30, $0x1;
	v53 =	vld.idx.msk [tilespmem:v26+s24+$0x0], $0xffff;
	v26 =	vadd.s32 $0x1, v41;
	v54 =	vmul.f32 v43, v20;
	v55 =	vmul.f32 v21, v20  }
0x2b0: {  	v38 =	vadd.f32 v0, v38;
	v52 =	vadd.f32 v28, v52;
	v0 =	vmovc v50;
	v43 =	vld.idx.msk [tilespmem:v23+s24+$0x0], $0xffff;
	v41 =	vand.u32 $0x7F, v26  }
0x2b1: {  	v28 =	vor.u32 v31, v41;
	v56 =	vor.u32 v30, v41;
	v57 =	vor.u32 v27, v41;
	v21 =	vld.idx.msk [tilespmem:v51+s24+$0x0], $0xffff  }
0x2b2: {  	v58 =	vor.u32 v29, v41;
	v59 =	vor.u32 v32, v41;
	v26 =	vor.u32 v33, v41;
	v20 =	vld.idx.msk [tilespmem:v45+s0+$0x0], $0xffff  }
0x2b3: {  	v60 =	vmovc v40;
	v23 =	vor.u32 v34, v41;
	v51 =	vor.u32 v35, v41;
	v61 =	vmovc v42;
	v45 =	vadd.s32 $0xFA0, v41  }
0x2b4: {  	v48 =	vadd.f32 v22, v48;
	v46 =	vadd.f32 v24, v46  }
0x2b5: {  	v49 =	vadd.f32 v25, v49;
	v47 =	vadd.f32 v54, v47  }
.Ltmp3:
0x2b6: {  	v44 =	vadd.f32 v55, v44;
	v50 =	vld.idx.msk [tilespmem:v28+s24+$0x0], $0xffff;
	(pc) =	sbr.rel @p0 .LBB2_8-.Ltmp3, $4  }
0x2b7: {  	v40 =	vld.idx.msk [tilespmem:v56+s24+$0x0], $0xffff  }
0x2b8: {  	v24 =	vmul.f32 v0, v20;
	v0 =	vmul.f32 v60, v20;
	v42 =	vld.idx.msk [tilespmem:v57+s24+$0x0], $0xffff  }
0x2b9: {  	v28 =	vmul.f32 v61, v20;
	v22 =	vmul.f32 v37, v20;
	v37 =	vld.idx.msk [tilespmem:v58+s24+$0x0], $0xffff  }
0x2ba: {  	s30 =	sadd.s32 $0xFFFFFFFF, s30;
	v25 =	vmul.f32 v53, v20;
	v36 =	vadd.f32 v24, v36;
	v24 =	vmul.f32 v39, v20;
	v39 =	vld.idx.msk [tilespmem:v59+s24+$0x0], $0xffff  }
0x2bb: {  	v41 =	vadd.s32 $0x1, v41  }
0x2bc: {  	v41 =	vand.u32 $0x7F, v41  }
0x2bd: {  	v53 =	vadd.s32 $0xFA0, v41  }
0x2be: {  	v30 =	vor.u32 v30, v41;
	_ =	sdelay $0x1  }
0x2bf: {  	v26 =	vld.idx.msk [tilespmem:v26+s24+$0x0], $0xffff  }
0x2c0: {  	v45 =	vld.idx.msk [tilespmem:v45+s0+$0x0], $0xffff  }
0x2c1: {  	v22 =	vadd.f32 v22, v48;
	v31 =	vor.u32 v31, v41;
	v48 =	vld.idx.msk [tilespmem:v53+s0+$0x0], $0xffff  }
0x2c2: {  	v61 =	vor.u32 v27, v41;
	v30 =	vld.idx.msk [tilespmem:v30+s24+$0x0], $0xffff  }
0x2c3: {  	v60 =	vld.idx.msk [tilespmem:v23+s24+$0x0], $0xffff;
	v29 =	vor.u32 v29, v41  }
0x2c4: {  	v63 =	vld.idx.msk [tilespmem:v51+s24+$0x0], $0xffff;
	v32 =	vor.u32 v32, v41  }
0x2c5: {  	v0 =	vadd.f32 v0, v38;
	v58 =	vld [tilespmem:$0x1FF90];
	v33 =	vor.u32 v33, v41;
	v40 =	vmul.f32 v40, v45  }
0x2c6: {  	v62 =	vadd.f32 v28, v52;
	v34 =	vor.u32 v34, v41;
	v31 =	vld.idx.msk [tilespmem:v31+s24+$0x0], $0xffff  }
0x2c7: {  	v35 =	vor.u32 v35, v41;
	v23 =	vld.idx.msk [tilespmem:v61+s24+$0x0], $0xffff;
	v0 =	vadd.f32 v40, v0;
	v52 =	vmul.f32 v30, v48  }
0x2c8: {  	v29 =	vld.idx.msk [tilespmem:v29+s24+$0x0], $0xffff  }
0x2c9: {  	v32 =	vld.idx.msk [tilespmem:v32+s24+$0x0], $0xffff;
	v0 =	vadd.f32 v52, v0  }
0x2ca: {  	v33 =	vld.idx.msk [tilespmem:v33+s24+$0x0], $0xffff  }
0x2cb: {  	v34 =	vld.idx.msk [tilespmem:v34+s24+$0x0], $0xffff;
	v0 =	vadd.f32 v0, v58  }
0x2cc: {  	v37 =	vmul.f32 v37, v45;
	v53 =	vld.idx.msk [tilespmem:v35+s24+$0x0], $0xffff  }
0x2cd: {  	[tilespmem:$0x11C10] =	vst v0;
	v0 =	vld [tilespmem:$0x1FFB0]  }
0x2ce: {  	v22 =	vadd.f32 v37, v22;
	v54 =	vmul.f32 v29, v48;
	_ =	sdelay $0x1  }
0x2cf: {  	v22 =	vadd.f32 v54, v22;
	_ =	sdelay $0x1  }
0x2d0: {  	v43 =	vmul.f32 v43, v20;
	v0 =	vadd.f32 v22, v0  }
0x2d1: {  	v25 =	vadd.f32 v25, v49;
	v26 =	vmul.f32 v26, v45  }
0x2d2: {  	v20 =	vmul.f32 v21, v20;
	v24 =	vadd.f32 v24, v46;
	v49 =	vadd.f32 v43, v47;
	[tilespmem:$0x11C30] =	vst v0;
	v0 =	vld [tilespmem:$0x1FFD0]  }
0x2d3: {  	v51 =	vmul.f32 v50, v45;
	v25 =	vadd.f32 v26, v25;
	v57 =	vmul.f32 v33, v48  }
0x2d4: {  	v20 =	vadd.f32 v20, v44;
	v42 =	vmul.f32 v42, v45;
	v39 =	vmul.f32 v39, v45  }
0x2d5: {  	v56 =	vld [tilespmem:$0x1FF80];
	v21 =	vmul.f32 v60, v45;
	v28 =	vmul.f32 v63, v45;
	v25 =	vadd.f32 v57, v25  }
0x2d6: {  	v60 =	vld [tilespmem:$0x1FFA0];
	v36 =	vadd.f32 v51, v36;
	v27 =	vadd.f32 v42, v62;
	v31 =	vmul.f32 v31, v48  }
0x2d7: {  	v63 =	vld [tilespmem:$0x1FFE0];
	v24 =	vadd.f32 v39, v24;
	v23 =	vmul.f32 v23, v48;
	v0 =	vadd.f32 v25, v0  }
0x2d8: {  	v21 =	vadd.f32 v21, v49;
	v62 =	vld [tilespmem:$0x1FFC0];
	v59 =	vmul.f32 v34, v48;
	v31 =	vadd.f32 v31, v36  }
0x2d9: {  	v20 =	vadd.f32 v28, v20;
	v55 =	vmul.f32 v32, v48;
	v23 =	vadd.f32 v23, v27;
	[tilespmem:$0x11C50] =	vst v0;
	v0 =	vld [tilespmem:$0x1FFF0]  }
0x2da: {  	v61 =	vmul.f32 v53, v48;
	v21 =	vadd.f32 v59, v21;
	v27 =	vadd.f32 v31, v56  }
0x2db: {  	v24 =	vadd.f32 v55, v24;
	v23 =	vadd.f32 v23, v60  }
0x2dc: {  	v20 =	vadd.f32 v61, v20;
	v21 =	vadd.f32 v21, v63;
	[tilespmem:$0x11C00] =	vst v27  }
0x2dd: {  	[tilespmem:$0x11C20] =	vst v23;
	v22 =	vadd.f32 v24, v62  }
0x2de: {  	s29 =	sadd.s32 $0x1, s29;
	[tilespmem:$0x11C60] =	vst v21;
	v0 =	vadd.f32 v20, v0  }
0x2df: {  	p0 =	sne.s32 s29, s11;
	[tilespmem:$0x11C40] =	vst v22  }
.Ltmp4:
0x2e0: {  	s4 =	simm.s32 $0x11A80;
	[tilespmem:$0x11C70] =	vst v0;
	(pc) =	sbr.rel @p0 .LBB2_1-.Ltmp4, $4  }
0x2e1: {  	[hbm4b:s10+s2] =	stream.linear.scatter [tilespmem:s4], [sflag:$0x4], $0x200, $0x38;
	[tilespmem:$0x11C80] =	vst v63  }
0x2e2: {  	_ =	swait.ge [sflag:s28], $0x200  }
0x2e3: {  	[sflag:s28] =	ssyncset.done $0x0  }
0x2e4: {  	[sflag:s28] =	ssyncadd.s32 $0xFFFFFE00  }
0x2e5: {  	_ =	sfence.sel $0x180000  }
0x2e6: {  	[bflag:$0x0] =	sbarrier.arrive $0xFFFF  }
0x2e7: {  	_ =	strace $0x90000047  }
0x2e8: {  	s0 =	stileid.u32;
	[bflag:$0x2] =	sbarrier.arrive $0xFFFF  }
0x2e9: {  	p0 =	sne.s32 s0, $0x0;
	s0 =	rddreg [dreg:$0x8]  }
0x2ea: {  	s0 =	sadd.s32 @!p0 $0x100000, s0  }
0x2eb: {  	[sflag:s0] =	ssyncadd.tile.s32 @!p0 $0x1;
	_ =	shalt  }
.Lfunc_end2:
_tile_overlayer_lowered:
.L_overlay_start_2:
0x2ec: {  	(tag) =	ssettag $0x2  }
0x2ed: {  	s0 =	rddreg [dreg:$0x0];
	s2 =	stileid.u32  }
0x2ee: {  	s1 =	rddreg [dreg:$0x1];
	p0 =	sne.s32 s2, $0x0  }
0x2ef: {  	s3 =	rddreg [dreg:$0x2];
	[bflag:$0x3] =	sbarrier.arrive $0xFFFF;
	s2 =	simm.s32 @!p0 $0x1C04  }
0x2f0: {  	[timem:s3], [sflag:s2] =	dma.local @!p0 [hbm:s0], s1  }
0x2f1: {  	s0 =	simm.s32 @!p0 $0x4  }
0x2f2: {  	_ =	swait.ge @!p0 [sflag:s0], s1  }
0x2f3: {  	s1 =	ssub.s32 @!p0 $0x0, s1;
	[sflag:s0] =	ssyncset.done @!p0 $0x0  }
0x2f4: {  	[sflag:s0] =	ssyncadd.s32 @!p0 s1  }
0x2f5: {  	[bflag:$0x3] =	sbarrier.arrive $0xFFFF  }
0x2f6: {  	_ =	shalt  }

</sc_bundles>
